<compile_context>
chip_gen: v7x
topology: tpu7x:2x2x1
jax: 0.10.2.dev20260603
libtpu: 0.0.44.dev20260713+nightly
codegen_flags: <defaults>
</compile_context>

<pallas_src>
import functools

import jax
import jax.numpy as jnp
from jax import lax
from jax.experimental import pallas as pl
from jax.experimental.pallas import tpu as pltpu
from jax.experimental.pallas import tpu_sc as plsc

N = 10000
FIN = 128
FOUT = 40
NPAD = 10112
FPAD = 48
DUMMY = 10008
NCORES = 2
NSUB = 16
NTILES = NCORES * NSUB
CHUNK = 128
EPT = 10240
NCHUNKS = EPT // CHUNK
EPAD = NTILES * EPT
ROWS_PER_TILE = NPAD // NSUB
MERGE_RC = (312, 320)
DEGW = 16

_MESH = plsc.VectorSubcoreMesh(
    core_axis_name="c", subcore_axis_name="s",
    num_cores=NCORES, num_subcores=NSUB)

_SC_PARAMS = pltpu.CompilerParams(use_tc_tiling_on_sc=False)

NBUF1 = 8
NBUF2 = 4


def _edge_pipeline(srcv, dstv, u_ref, acc, bufs, gsems, ssems):
    nbuf = len(bufs)
    lag = nbuf // 2
    assert (NCHUNKS - 2 * lag) % nbuf == 0

    def gather(j, b, sl):
        pltpu.async_copy(u_ref.at[sl], bufs[b], gsems[b])

    def wait_gather(j, b, sl):
        pltpu.make_async_copy(u_ref.at[sl], bufs[b], gsems[b]).wait()

    def scatter(j, b, sl):
        pltpu.async_copy(bufs[b], acc.at[sl], ssems[b], add=True)

    def wait_scatter(j, b, sl):
        pltpu.make_async_copy(bufs[b], acc.at[sl], ssems[b]).wait()

    for j in range(nbuf):
        gather(j, j, srcv.at[j])
    for j in range(lag):
        wait_gather(j, j, srcv.at[j])
        scatter(j, j, dstv.at[j])

    def body(i, carry):
        for m in range(nbuf):
            j = nbuf * i + lag + m
            b = (lag + m) % nbuf
            wait_gather(j, b, srcv.at[j])
            scatter(j, b, dstv.at[j])
            wait_scatter(j - lag, m, dstv.at[j - lag])
            gather(j + lag, m, srcv.at[j + lag])
        return carry

    lax.fori_loop(0, (NCHUNKS - 2 * lag) // nbuf, body, 0)
    for j in range(NCHUNKS - lag, NCHUNKS):
        wait_gather(j, j % nbuf, srcv.at[j])
        scatter(j, j % nbuf, dstv.at[j])
    for j in range(NCHUNKS - 2 * lag, NCHUNKS):
        wait_scatter(j, j % nbuf, dstv.at[j])


def _deg_body(dst_hbm, ones_hbm, z_hbm, out_hbm, dstv, ones_v, acc, ssems):
    cid = lax.axis_index("c")
    sid = lax.axis_index("s")
    gwid = cid * NSUB + sid
    pltpu.sync_copy(dst_hbm.at[gwid], dstv)
    pltpu.sync_copy(ones_hbm, ones_v)
    r0 = sid * ROWS_PER_TILE
    pltpu.sync_copy(z_hbm.at[pl.ds(r0, ROWS_PER_TILE)],
                    acc.at[pl.ds(r0, ROWS_PER_TILE)])
    plsc.subcore_barrier()

    nsem = len(ssems)
    for j in range(nsem):
        pltpu.async_copy(ones_v, acc.at[dstv.at[j]], ssems[j], add=True)

    def body(i, carry):
        for m in range(nsem):
            j = nsem * i + nsem + m
            pltpu.make_async_copy(ones_v, acc.at[dstv.at[j - nsem]],
                                  ssems[m]).wait()
            pltpu.async_copy(ones_v, acc.at[dstv.at[j]], ssems[m], add=True)
        return carry

    lax.fori_loop(0, (NCHUNKS - nsem) // nsem, body, 0)
    for j in range(NCHUNKS - nsem, NCHUNKS):
        pltpu.make_async_copy(ones_v, acc.at[dstv.at[j]],
                              ssems[j % nsem]).wait()
    plsc.subcore_barrier()
    pltpu.sync_copy(acc.at[pl.ds(r0, ROWS_PER_TILE)],
                    out_hbm.at[cid, pl.ds(r0, ROWS_PER_TILE)])


_deg_call = functools.partial(
    pl.kernel,
    out_type=jax.ShapeDtypeStruct((NCORES, NPAD, DEGW), jnp.float32),
    mesh=_MESH,
    scratch_types=[
        pltpu.VMEM((NCHUNKS, CHUNK), jnp.int32),
        pltpu.VMEM((CHUNK, DEGW), jnp.float32),
        pltpu.VMEM_SHARED((NPAD, DEGW), jnp.float32),
        [pltpu.SemaphoreType.DMA] * 8,
    ],
    compiler_params=_SC_PARAMS,
)(_deg_body)


def _hop1_body(src_hbm, dst_hbm, u_hbm, z_hbm, out_hbm,
               srcv, dstv, bufs, acc, gsems, ssems):
    cid = lax.axis_index("c")
    sid = lax.axis_index("s")
    gwid = cid * NSUB + sid
    pltpu.sync_copy(src_hbm.at[gwid], srcv)
    pltpu.sync_copy(dst_hbm.at[gwid], dstv)
    r0 = sid * ROWS_PER_TILE
    pltpu.sync_copy(z_hbm.at[pl.ds(r0, ROWS_PER_TILE)],
                    acc.at[pl.ds(r0, ROWS_PER_TILE)])
    plsc.subcore_barrier()
    _edge_pipeline(srcv, dstv, u_hbm, acc, bufs, gsems, ssems)
    plsc.subcore_barrier()
    pltpu.sync_copy(acc.at[pl.ds(r0, ROWS_PER_TILE)],
                    out_hbm.at[cid, pl.ds(r0, ROWS_PER_TILE)])


_hop1_call = functools.partial(
    pl.kernel,
    out_type=jax.ShapeDtypeStruct((NCORES, NPAD, FPAD), jnp.float32),
    mesh=_MESH,
    scratch_types=[
        pltpu.VMEM((NCHUNKS, CHUNK), jnp.int32),
        pltpu.VMEM((NCHUNKS, CHUNK), jnp.int32),
        [pltpu.VMEM((CHUNK, FPAD), jnp.float32)] * NBUF1,
        pltpu.VMEM_SHARED((NPAD, FPAD), jnp.float32),
        [pltpu.SemaphoreType.DMA] * NBUF1,
        [pltpu.SemaphoreType.DMA] * NBUF1,
    ],
    compiler_params=_SC_PARAMS,
)(_hop1_body)


def _hop2_body(src_hbm, dst_hbm, s1_hbm, u0_hbm, scl_hbm, z_hbm,
               out_hbm, u1_hbm,
               srcv, dstv, bufs, ma, mb, mc, ms, acc, gsems, ssems):
    cid = lax.axis_index("c")
    sid = lax.axis_index("s")
    gwid = cid * NSUB + sid
    pltpu.sync_copy(src_hbm.at[gwid], srcv)
    pltpu.sync_copy(dst_hbm.at[gwid], dstv)
    r0 = sid * ROWS_PER_TILE
    pltpu.sync_copy(z_hbm.at[pl.ds(r0, ROWS_PER_TILE)],
                    acc.at[pl.ds(r0, ROWS_PER_TILE)])

    off = 0
    for rc in MERGE_RC:
        base = r0 + off
        pltpu.sync_copy(s1_hbm.at[0, pl.ds(base, rc)], ma.at[pl.ds(0, rc)])
        pltpu.sync_copy(s1_hbm.at[1, pl.ds(base, rc)], mb.at[pl.ds(0, rc)])
        pltpu.sync_copy(u0_hbm.at[pl.ds(base, rc)], mc.at[pl.ds(0, rc)])
        pltpu.sync_copy(scl_hbm.at[pl.ds(base, rc)], ms.at[pl.ds(0, rc)])

        def mrow(r, carry):
            sv = ms[r, :]
            for k in range(FPAD // 16):
                col = pl.ds(16 * k, 16)
                ma[r, col] = (ma[r, col] + mb[r, col] + mc[r, col]) * sv
            return carry

        lax.fori_loop(0, rc, mrow, 0)
        pltpu.sync_copy(ma.at[pl.ds(0, rc)], u1_hbm.at[pl.ds(base, rc)])
        off += rc

    plsc.subcore_barrier()
    _edge_pipeline(srcv, dstv, u1_hbm, acc, bufs, gsems, ssems)
    plsc.subcore_barrier()
    pltpu.sync_copy(acc.at[pl.ds(r0, ROWS_PER_TILE)],
                    out_hbm.at[cid, pl.ds(r0, ROWS_PER_TILE)])


_hop2_call = functools.partial(
    pl.kernel,
    out_type=(jax.ShapeDtypeStruct((NCORES, NPAD, FPAD), jnp.float32),
              jax.ShapeDtypeStruct((NPAD, FPAD), jnp.float32)),
    mesh=_MESH,
    scratch_types=[
        pltpu.VMEM((NCHUNKS, CHUNK), jnp.int32),
        pltpu.VMEM((NCHUNKS, CHUNK), jnp.int32),
        [pltpu.VMEM((CHUNK, FPAD), jnp.float32)] * NBUF2,
        pltpu.VMEM((max(MERGE_RC), FPAD), jnp.float32),
        pltpu.VMEM((max(MERGE_RC), FPAD), jnp.float32),
        pltpu.VMEM((max(MERGE_RC), FPAD), jnp.float32),
        pltpu.VMEM((max(MERGE_RC), DEGW), jnp.float32),
        pltpu.VMEM_SHARED((NPAD, FPAD), jnp.float32),
        [pltpu.SemaphoreType.DMA] * NBUF2,
        [pltpu.SemaphoreType.DMA] * NBUF2,
    ],
    compiler_params=_SC_PARAMS,
)(_hop2_body)


def _deg_from_partials(degp_ref):
    deg = (jnp.sum(degp_ref[0], axis=1, keepdims=True)
           + jnp.sum(degp_ref[1], axis=1, keepdims=True) + 1.0)
    return deg


def _prep_body(x_ref, w_ref, degp_ref, u0_ref, scl_ref):
    deg = _deg_from_partials(degp_ref)
    xw = jnp.dot(x_ref[...], w_ref[...], preferred_element_type=jnp.float32)
    u0_ref[...] = xw * lax.rsqrt(deg)
    scl_ref[...] = jnp.broadcast_to(1.0 / deg, (NPAD, DEGW))


def _fin_body(degp_ref, s_ref, u_ref, b_ref, o_ref):
    o_ref[...] = (lax.rsqrt(_deg_from_partials(degp_ref))
                  * (s_ref[0] + s_ref[1] + u_ref[...]) + b_ref[...])


def kernel(x, edge_index, W, b):
    src = edge_index[0].astype(jnp.int32)
    dst = edge_index[1].astype(jnp.int32)
    pad_e = EPAD - src.shape[0]
    fill = DUMMY + (jnp.arange(pad_e, dtype=jnp.int32) % 16)
    src_p = jnp.concatenate([src, fill]).reshape(NTILES, NCHUNKS, CHUNK)
    dst_p = jnp.concatenate([dst, fill]).reshape(NTILES, NCHUNKS, CHUNK)

    x_p = jnp.pad(x, ((0, NPAD - N), (0, 0)))
    w_p = jnp.pad(W, ((0, 0), (0, FPAD - FOUT)))
    b_p = jnp.pad(b, (0, FPAD - FOUT)).reshape(1, FPAD)
    z48 = jnp.zeros((NPAD, FPAD), jnp.float32)
    z16 = jnp.zeros((NPAD, DEGW), jnp.float32)
    onehot = jnp.zeros((CHUNK, DEGW), jnp.float32).at[:, 0].set(1.0)

    degp = _deg_call(dst_p, onehot, z16)

    u0, scl = pl.pallas_call(
        _prep_body,
        out_shape=(jax.ShapeDtypeStruct((NPAD, FPAD), jnp.float32),
                   jax.ShapeDtypeStruct((NPAD, DEGW), jnp.float32)),
    )(x_p, w_p, degp)

    s1 = _hop1_call(src_p, dst_p, u0, z48)

    s2, u1 = _hop2_call(src_p, dst_p, s1, u0, scl, z48)

    outp = pl.pallas_call(
        _fin_body,
        out_shape=jax.ShapeDtypeStruct((NPAD, FPAD), jnp.float32),
    )(degp, s2, u1, b_p)

    return outp[:N, :FOUT]

# --- scband reference (transcript-rebuilt; emitter-appended) ---
"""Pipeline reference for scband-sgc-66073776882321 (READ-ONLY COPY).

The authoritative reference and input builder live on the scoring server;
editing this copy changes nothing except your own understanding.
"""

import jax, jax.numpy as jnp
import numpy as np

N_NODES = 10000
N_EDGES = 320000
NFEAT = 128
NCLASS = 40
K = 2


def setup_inputs(seed: int = 0) -> dict:
    key = jax.random.key(seed)
    k1, k2, k3, k4 = jax.random.split(key, 4)
    x = jax.random.normal(k1, (N_NODES, NFEAT), dtype=jnp.float32)
    edge_index = jax.random.randint(k2, (2, N_EDGES), 0, N_NODES, dtype=jnp.int64)
    # learned parameters of the final linear layer (SGConv.lin)
    lim = 1.0 / np.sqrt(NFEAT)
    W = jax.random.uniform(k3, (NFEAT, NCLASS), minval=-lim, maxval=lim, dtype=jnp.float32)
    b = jax.random.uniform(k4, (NCLASS,), minval=-lim, maxval=lim, dtype=jnp.float32)
    return {"x": x, "edge_index": edge_index, "W": W, "b": b}


def reference(x, edge_index, W, b):
    # SGC: K rounds of symmetric-normalized (GCN) propagation with self-loops,
    # followed by a single linear layer.
    N = x.shape[0]
    loop = jnp.arange(N, dtype=edge_index.dtype)
    src = jnp.concatenate([edge_index[0], loop])
    dst = jnp.concatenate([edge_index[1], loop])
    ones = jnp.ones(src.shape[0], dtype=x.dtype)
    deg = jax.ops.segment_sum(ones, dst, num_segments=N)
    deg_inv_sqrt = jnp.where(deg > 0, 1.0 / jnp.sqrt(deg), 0.0)
    norm = deg_inv_sqrt[src] * deg_inv_sqrt[dst]
    h = x
    for _ in range(K):
        msg = h[src] * norm[:, None]
        h = jax.ops.segment_sum(msg, dst, num_segments=N)
    out = h @ W + b
    return out

if __name__ == "__main__":
    import jax
    _d = setup_inputs()
    print(jax.jit(kernel)(*tuple(_d.values())))

</pallas_src>

<mosaic_0001>
#map = affine_map<(d0, d1) -> (0, 0, 0)>
#map1 = affine_map<(d0, d1) -> (0, 0)>
module attributes {stable_mosaic.version = 14 : i64} {
  func.func @_hop1_body(%arg0: i32, %arg1: i32, %arg2: memref<32x80x128xi32, #tpu.memory_space<hbm>>, %arg3: memref<32x80x128xi32, #tpu.memory_space<hbm>>, %arg4: memref<10112x48xf32, #tpu.memory_space<hbm>>, %arg5: memref<10112x48xf32, #tpu.memory_space<hbm>>, %arg6: memref<2x10112x48xf32, #tpu.memory_space<hbm>>, %arg7: memref<80x128xi32, #tpu.memory_space<vmem>>, %arg8: memref<80x128xi32, #tpu.memory_space<vmem>>, %arg9: memref<128x48xf32, #tpu.memory_space<vmem>>, %arg10: memref<128x48xf32, #tpu.memory_space<vmem>>, %arg11: memref<128x48xf32, #tpu.memory_space<vmem>>, %arg12: memref<128x48xf32, #tpu.memory_space<vmem>>, %arg13: memref<128x48xf32, #tpu.memory_space<vmem>>, %arg14: memref<128x48xf32, #tpu.memory_space<vmem>>, %arg15: memref<128x48xf32, #tpu.memory_space<vmem>>, %arg16: memref<128x48xf32, #tpu.memory_space<vmem>>, %arg17: memref<10112x48xf32, #tpu.memory_space<vmem_shared>>, %arg18: memref<!tpu.dma_semaphore, #tpu.memory_space<semaphore_mem>>, %arg19: memref<!tpu.dma_semaphore, #tpu.memory_space<semaphore_mem>>, %arg20: memref<!tpu.dma_semaphore, #tpu.memory_space<semaphore_mem>>, %arg21: memref<!tpu.dma_semaphore, #tpu.memory_space<semaphore_mem>>, %arg22: memref<!tpu.dma_semaphore, #tpu.memory_space<semaphore_mem>>, %arg23: memref<!tpu.dma_semaphore, #tpu.memory_space<semaphore_mem>>, %arg24: memref<!tpu.dma_semaphore, #tpu.memory_space<semaphore_mem>>, %arg25: memref<!tpu.dma_semaphore, #tpu.memory_space<semaphore_mem>>, %arg26: memref<!tpu.dma_semaphore, #tpu.memory_space<semaphore_mem>>, %arg27: memref<!tpu.dma_semaphore, #tpu.memory_space<semaphore_mem>>, %arg28: memref<!tpu.dma_semaphore, #tpu.memory_space<semaphore_mem>>, %arg29: memref<!tpu.dma_semaphore, #tpu.memory_space<semaphore_mem>>, %arg30: memref<!tpu.dma_semaphore, #tpu.memory_space<semaphore_mem>>, %arg31: memref<!tpu.dma_semaphore, #tpu.memory_space<semaphore_mem>>, %arg32: memref<!tpu.dma_semaphore, #tpu.memory_space<semaphore_mem>>, %arg33: memref<!tpu.dma_semaphore, #tpu.memory_space<semaphore_mem>>) attributes {dimension_semantics = [#tpu.dimension_semantics<core_parallel>, #tpu.dimension_semantics<subcore_parallel>], iteration_bounds = array<i64: 2, 16>, scalar_prefetch = 0 : i64, scratch_operands = 27 : i64, tpu.core_type = #tpu.core_type<sc_vector_subcore>, window_params = [{transform_indices = #map}, {transform_indices = #map}, {transform_indices = #map1}, {transform_indices = #map1}, {transform_indices = #map}]} {
    %mul3A = arith.constant 16 : i32
    %mul3A_0 = arith.muli %arg0, %mul3A : i32
    %add3A = arith.addi %mul3A_0, %arg1 : i32
    "tpu.region"() ({
      %run_scoped3A = tpu.sem_alloc : memref<!tpu.dma_semaphore, #tpu.memory_space<semaphore_mem>>
      %dma_start3A_231 = arith.constant 0 : i32
      %dma_start3A_232 = arith.constant 0 : i32
      %dma_start3A_233 = tpu.memref_slice %arg2[%add3A, %dma_start3A_231, %dma_start3A_232] : memref<32x80x128xi32, #tpu.memory_space<hbm>> -> memref<1x80x128xi32, #tpu.memory_space<hbm>>
      %dma_start3A_234 = tpu.memref_squeeze %dma_start3A_233 : memref<1x80x128xi32, #tpu.memory_space<hbm>> -> memref<80x128xi32, #tpu.memory_space<hbm>>
      %dma_start3A_235 = arith.constant 0 : i32
      %dma_start3A_236 = arith.constant 0 : i32
      %dma_start3A_237 = tpu.memref_slice %arg2[%add3A, %dma_start3A_235, %dma_start3A_236] : memref<32x80x128xi32, #tpu.memory_space<hbm>> -> memref<1x80x128xi32, #tpu.memory_space<hbm>>
      %dma_start3A_238 = tpu.memref_squeeze %dma_start3A_237 : memref<1x80x128xi32, #tpu.memory_space<hbm>> -> memref<80x128xi32, #tpu.memory_space<hbm>>
      tpu.enqueue_dma source(%dma_start3A_238 : memref<80x128xi32, #tpu.memory_space<hbm>>) target(%arg7 : memref<80x128xi32, #tpu.memory_space<vmem>>) target_semaphore(%run_scoped3A : memref<!tpu.dma_semaphore, #tpu.memory_space<semaphore_mem>>)
      %dma_wait3A_239 = arith.constant 0 : i32
      %dma_wait3A_240 = arith.constant 0 : i32
      %dma_wait3A_241 = tpu.memref_slice %arg2[%add3A, %dma_wait3A_239, %dma_wait3A_240] : memref<32x80x128xi32, #tpu.memory_space<hbm>> -> memref<1x80x128xi32, #tpu.memory_space<hbm>>
      %dma_wait3A_242 = tpu.memref_squeeze %dma_wait3A_241 : memref<1x80x128xi32, #tpu.memory_space<hbm>> -> memref<80x128xi32, #tpu.memory_space<hbm>>
      %dma_wait3A_243 = arith.constant 0 : i32
      %dma_wait3A_244 = arith.constant 0 : i32
      %dma_wait3A_245 = tpu.memref_slice %arg2[%add3A, %dma_wait3A_243, %dma_wait3A_244] : memref<32x80x128xi32, #tpu.memory_space<hbm>> -> memref<1x80x128xi32, #tpu.memory_space<hbm>>
      %dma_wait3A_246 = tpu.memref_squeeze %dma_wait3A_245 : memref<1x80x128xi32, #tpu.memory_space<hbm>> -> memref<80x128xi32, #tpu.memory_space<hbm>>
      tpu.wait_dma2 semaphore(%run_scoped3A : memref<!tpu.dma_semaphore, #tpu.memory_space<semaphore_mem>>) src(%dma_wait3A_246 : memref<80x128xi32, #tpu.memory_space<hbm>>) dst(%arg7 : memref<80x128xi32, #tpu.memory_space<vmem>>)
      tpu.yield
    }) : () -> ()
    "tpu.region"() ({
      %run_scoped3A = tpu.sem_alloc : memref<!tpu.dma_semaphore, #tpu.memory_space<semaphore_mem>>
      %dma_start3A_231 = arith.constant 0 : i32
      %dma_start3A_232 = arith.constant 0 : i32
      %dma_start3A_233 = tpu.memref_slice %arg3[%add3A, %dma_start3A_231, %dma_start3A_232] : memref<32x80x128xi32, #tpu.memory_space<hbm>> -> memref<1x80x128xi32, #tpu.memory_space<hbm>>
      %dma_start3A_234 = tpu.memref_squeeze %dma_start3A_233 : memref<1x80x128xi32, #tpu.memory_space<hbm>> -> memref<80x128xi32, #tpu.memory_space<hbm>>
      %dma_start3A_235 = arith.constant 0 : i32
      %dma_start3A_236 = arith.constant 0 : i32
      %dma_start3A_237 = tpu.memref_slice %arg3[%add3A, %dma_start3A_235, %dma_start3A_236] : memref<32x80x128xi32, #tpu.memory_space<hbm>> -> memref<1x80x128xi32, #tpu.memory_space<hbm>>
      %dma_start3A_238 = tpu.memref_squeeze %dma_start3A_237 : memref<1x80x128xi32, #tpu.memory_space<hbm>> -> memref<80x128xi32, #tpu.memory_space<hbm>>
      tpu.enqueue_dma source(%dma_start3A_238 : memref<80x128xi32, #tpu.memory_space<hbm>>) target(%arg8 : memref<80x128xi32, #tpu.memory_space<vmem>>) target_semaphore(%run_scoped3A : memref<!tpu.dma_semaphore, #tpu.memory_space<semaphore_mem>>)
      %dma_wait3A_239 = arith.constant 0 : i32
      %dma_wait3A_240 = arith.constant 0 : i32
      %dma_wait3A_241 = tpu.memref_slice %arg3[%add3A, %dma_wait3A_239, %dma_wait3A_240] : memref<32x80x128xi32, #tpu.memory_space<hbm>> -> memref<1x80x128xi32, #tpu.memory_space<hbm>>
      %dma_wait3A_242 = tpu.memref_squeeze %dma_wait3A_241 : memref<1x80x128xi32, #tpu.memory_space<hbm>> -> memref<80x128xi32, #tpu.memory_space<hbm>>
      %dma_wait3A_243 = arith.constant 0 : i32
      %dma_wait3A_244 = arith.constant 0 : i32
      %dma_wait3A_245 = tpu.memref_slice %arg3[%add3A, %dma_wait3A_243, %dma_wait3A_244] : memref<32x80x128xi32, #tpu.memory_space<hbm>> -> memref<1x80x128xi32, #tpu.memory_space<hbm>>
      %dma_wait3A_246 = tpu.memref_squeeze %dma_wait3A_245 : memref<1x80x128xi32, #tpu.memory_space<hbm>> -> memref<80x128xi32, #tpu.memory_space<hbm>>
      tpu.wait_dma2 semaphore(%run_scoped3A : memref<!tpu.dma_semaphore, #tpu.memory_space<semaphore_mem>>) src(%dma_wait3A_246 : memref<80x128xi32, #tpu.memory_space<hbm>>) dst(%arg8 : memref<80x128xi32, #tpu.memory_space<vmem>>)
      tpu.yield
    }) : () -> ()
    %mul3A_1 = arith.constant 632 : i32
    %mul3A_2 = arith.muli %arg1, %mul3A_1 : i32
    "tpu.region"() ({
      %run_scoped3A = tpu.sem_alloc : memref<!tpu.dma_semaphore, #tpu.memory_space<semaphore_mem>>
      %dma_start3A_231 = arith.constant 0 : i32
      %dma_start3A_232 = tpu.memref_slice %arg17[%mul3A_2, %dma_start3A_231] : memref<10112x48xf32, #tpu.memory_space<vmem_shared>> -> memref<632x48xf32, #tpu.memory_space<vmem_shared>>
      %dma_start3A_233 = arith.constant 0 : i32
      %dma_start3A_234 = tpu.memref_slice %arg5[%mul3A_2, %dma_start3A_233] : memref<10112x48xf32, #tpu.memory_space<hbm>> -> memref<632x48xf32, #tpu.memory_space<hbm>>
      tpu.enqueue_dma source(%dma_start3A_234 : memref<632x48xf32, #tpu.memory_space<hbm>>) target(%dma_start3A_232 : memref<632x48xf32, #tpu.memory_space<vmem_shared>>) target_semaphore(%run_scoped3A : memref<!tpu.dma_semaphore, #tpu.memory_space<semaphore_mem>>)
      %dma_wait3A_235 = arith.constant 0 : i32
      %dma_wait3A_236 = tpu.memref_slice %arg17[%mul3A_2, %dma_wait3A_235] : memref<10112x48xf32, #tpu.memory_space<vmem_shared>> -> memref<632x48xf32, #tpu.memory_space<vmem_shared>>
      %dma_wait3A_237 = arith.constant 0 : i32
      %dma_wait3A_238 = tpu.memref_slice %arg5[%mul3A_2, %dma_wait3A_237] : memref<10112x48xf32, #tpu.memory_space<hbm>> -> memref<632x48xf32, #tpu.memory_space<hbm>>
      tpu.wait_dma2 semaphore(%run_scoped3A : memref<!tpu.dma_semaphore, #tpu.memory_space<semaphore_mem>>) src(%dma_wait3A_238 : memref<632x48xf32, #tpu.memory_space<hbm>>) dst(%dma_wait3A_236 : memref<632x48xf32, #tpu.memory_space<vmem_shared>>)
      tpu.yield
    }) : () -> ()
    %barrier3A = arith.constant 0 : index
    tpu.barrier barrier_id(%barrier3A)
    %dma_start3A = arith.constant 0 : i32
    %dma_start3A_3 = arith.constant 0 : i32
    %dma_start3A_4 = tpu.memref_slice %arg7[%dma_start3A, %dma_start3A_3] : memref<80x128xi32, #tpu.memory_space<vmem>> -> memref<1x128xi32, #tpu.memory_space<vmem>>
    %dma_start3A_5 = tpu.memref_squeeze %dma_start3A_4 : memref<1x128xi32, #tpu.memory_space<vmem>> -> memref<128xi32, #tpu.memory_space<vmem>>
    %dma_start3A_6 = arith.constant 0 : i32
    %dma_start3A_7 = arith.constant 0 : i32
    %dma_start3A_8 = tpu.memref_slice %arg4[%dma_start3A_6, %dma_start3A_7] : memref<10112x48xf32, #tpu.memory_space<hbm>> -> memref<10112x48xf32, #tpu.memory_space<hbm>>
    tpu.enqueue_indirect_dma source(%dma_start3A_8 : memref<10112x48xf32, #tpu.memory_space<hbm>>) target(%arg9 : memref<128x48xf32, #tpu.memory_space<vmem>>) offsets(%dma_start3A_5 : memref<128xi32, #tpu.memory_space<vmem>>) semaphore(%arg18 : memref<!tpu.dma_semaphore, #tpu.memory_space<semaphore_mem>>)
    %dma_start3A_9 = arith.constant 1 : i32
    %dma_start3A_10 = arith.constant 0 : i32
    %dma_start3A_11 = tpu.memref_slice %arg7[%dma_start3A_9, %dma_start3A_10] : memref<80x128xi32, #tpu.memory_space<vmem>> -> memref<1x128xi32, #tpu.memory_space<vmem>>
    %dma_start3A_12 = tpu.memref_squeeze %dma_start3A_11 : memref<1x128xi32, #tpu.memory_space<vmem>> -> memref<128xi32, #tpu.memory_space<vmem>>
    %dma_start3A_13 = arith.constant 0 : i32
    %dma_start3A_14 = arith.constant 0 : i32
    %dma_start3A_15 = tpu.memref_slice %arg4[%dma_start3A_13, %dma_start3A_14] : memref<10112x48xf32, #tpu.memory_space<hbm>> -> memref<10112x48xf32, #tpu.memory_space<hbm>>
    tpu.enqueue_indirect_dma source(%dma_start3A_15 : memref<10112x48xf32, #tpu.memory_space<hbm>>) target(%arg10 : memref<128x48xf32, #tpu.memory_space<vmem>>) offsets(%dma_start3A_12 : memref<128xi32, #tpu.memory_space<vmem>>) semaphore(%arg19 : memref<!tpu.dma_semaphore, #tpu.memory_space<semaphore_mem>>)
    %dma_start3A_16 = arith.constant 2 : i32
    %dma_start3A_17 = arith.constant 0 : i32
    %dma_start3A_18 = tpu.memref_slice %arg7[%dma_start3A_16, %dma_start3A_17] : memref<80x128xi32, #tpu.memory_space<vmem>> -> memref<1x128xi32, #tpu.memory_space<vmem>>
    %dma_start3A_19 = tpu.memref_squeeze %dma_start3A_18 : memref<1x128xi32, #tpu.memory_space<vmem>> -> memref<128xi32, #tpu.memory_space<vmem>>
    %dma_start3A_20 = arith.constant 0 : i32
    %dma_start3A_21 = arith.constant 0 : i32
    %dma_start3A_22 = tpu.memref_slice %arg4[%dma_start3A_20, %dma_start3A_21] : memref<10112x48xf32, #tpu.memory_space<hbm>> -> memref<10112x48xf32, #tpu.memory_space<hbm>>
    tpu.enqueue_indirect_dma source(%dma_start3A_22 : memref<10112x48xf32, #tpu.memory_space<hbm>>) target(%arg11 : memref<128x48xf32, #tpu.memory_space<vmem>>) offsets(%dma_start3A_19 : memref<128xi32, #tpu.memory_space<vmem>>) semaphore(%arg20 : memref<!tpu.dma_semaphore, #tpu.memory_space<semaphore_mem>>)
    %dma_start3A_23 = arith.constant 3 : i32
    %dma_start3A_24 = arith.constant 0 : i32
    %dma_start3A_25 = tpu.memref_slice %arg7[%dma_start3A_23, %dma_start3A_24] : memref<80x128xi32, #tpu.memory_space<vmem>> -> memref<1x128xi32, #tpu.memory_space<vmem>>
    %dma_start3A_26 = tpu.memref_squeeze %dma_start3A_25 : memref<1x128xi32, #tpu.memory_space<vmem>> -> memref<128xi32, #tpu.memory_space<vmem>>
    %dma_start3A_27 = arith.constant 0 : i32
    %dma_start3A_28 = arith.constant 0 : i32
    %dma_start3A_29 = tpu.memref_slice %arg4[%dma_start3A_27, %dma_start3A_28] : memref<10112x48xf32, #tpu.memory_space<hbm>> -> memref<10112x48xf32, #tpu.memory_space<hbm>>
    tpu.enqueue_indirect_dma source(%dma_start3A_29 : memref<10112x48xf32, #tpu.memory_space<hbm>>) target(%arg12 : memref<128x48xf32, #tpu.memory_space<vmem>>) offsets(%dma_start3A_26 : memref<128xi32, #tpu.memory_space<vmem>>) semaphore(%arg21 : memref<!tpu.dma_semaphore, #tpu.memory_space<semaphore_mem>>)
    %dma_start3A_30 = arith.constant 4 : i32
    %dma_start3A_31 = arith.constant 0 : i32
    %dma_start3A_32 = tpu.memref_slice %arg7[%dma_start3A_30, %dma_start3A_31] : memref<80x128xi32, #tpu.memory_space<vmem>> -> memref<1x128xi32, #tpu.memory_space<vmem>>
    %dma_start3A_33 = tpu.memref_squeeze %dma_start3A_32 : memref<1x128xi32, #tpu.memory_space<vmem>> -> memref<128xi32, #tpu.memory_space<vmem>>
    %dma_start3A_34 = arith.constant 0 : i32
    %dma_start3A_35 = arith.constant 0 : i32
    %dma_start3A_36 = tpu.memref_slice %arg4[%dma_start3A_34, %dma_start3A_35] : memref<10112x48xf32, #tpu.memory_space<hbm>> -> memref<10112x48xf32, #tpu.memory_space<hbm>>
    tpu.enqueue_indirect_dma source(%dma_start3A_36 : memref<10112x48xf32, #tpu.memory_space<hbm>>) target(%arg13 : memref<128x48xf32, #tpu.memory_space<vmem>>) offsets(%dma_start3A_33 : memref<128xi32, #tpu.memory_space<vmem>>) semaphore(%arg22 : memref<!tpu.dma_semaphore, #tpu.memory_space<semaphore_mem>>)
    %dma_start3A_37 = arith.constant 5 : i32
    %dma_start3A_38 = arith.constant 0 : i32
    %dma_start3A_39 = tpu.memref_slice %arg7[%dma_start3A_37, %dma_start3A_38] : memref<80x128xi32, #tpu.memory_space<vmem>> -> memref<1x128xi32, #tpu.memory_space<vmem>>
    %dma_start3A_40 = tpu.memref_squeeze %dma_start3A_39 : memref<1x128xi32, #tpu.memory_space<vmem>> -> memref<128xi32, #tpu.memory_space<vmem>>
    %dma_start3A_41 = arith.constant 0 : i32
    %dma_start3A_42 = arith.constant 0 : i32
    %dma_start3A_43 = tpu.memref_slice %arg4[%dma_start3A_41, %dma_start3A_42] : memref<10112x48xf32, #tpu.memory_space<hbm>> -> memref<10112x48xf32, #tpu.memory_space<hbm>>
    tpu.enqueue_indirect_dma source(%dma_start3A_43 : memref<10112x48xf32, #tpu.memory_space<hbm>>) target(%arg14 : memref<128x48xf32, #tpu.memory_space<vmem>>) offsets(%dma_start3A_40 : memref<128xi32, #tpu.memory_space<vmem>>) semaphore(%arg23 : memref<!tpu.dma_semaphore, #tpu.memory_space<semaphore_mem>>)
    %dma_start3A_44 = arith.constant 6 : i32
    %dma_start3A_45 = arith.constant 0 : i32
    %dma_start3A_46 = tpu.memref_slice %arg7[%dma_start3A_44, %dma_start3A_45] : memref<80x128xi32, #tpu.memory_space<vmem>> -> memref<1x128xi32, #tpu.memory_space<vmem>>
    %dma_start3A_47 = tpu.memref_squeeze %dma_start3A_46 : memref<1x128xi32, #tpu.memory_space<vmem>> -> memref<128xi32, #tpu.memory_space<vmem>>
    %dma_start3A_48 = arith.constant 0 : i32
    %dma_start3A_49 = arith.constant 0 : i32
    %dma_start3A_50 = tpu.memref_slice %arg4[%dma_start3A_48, %dma_start3A_49] : memref<10112x48xf32, #tpu.memory_space<hbm>> -> memref<10112x48xf32, #tpu.memory_space<hbm>>
    tpu.enqueue_indirect_dma source(%dma_start3A_50 : memref<10112x48xf32, #tpu.memory_space<hbm>>) target(%arg15 : memref<128x48xf32, #tpu.memory_space<vmem>>) offsets(%dma_start3A_47 : memref<128xi32, #tpu.memory_space<vmem>>) semaphore(%arg24 : memref<!tpu.dma_semaphore, #tpu.memory_space<semaphore_mem>>)
    %dma_start3A_51 = arith.constant 7 : i32
    %dma_start3A_52 = arith.constant 0 : i32
    %dma_start3A_53 = tpu.memref_slice %arg7[%dma_start3A_51, %dma_start3A_52] : memref<80x128xi32, #tpu.memory_space<vmem>> -> memref<1x128xi32, #tpu.memory_space<vmem>>
    %dma_start3A_54 = tpu.memref_squeeze %dma_start3A_53 : memref<1x128xi32, #tpu.memory_space<vmem>> -> memref<128xi32, #tpu.memory_space<vmem>>
    %dma_start3A_55 = arith.constant 0 : i32
    %dma_start3A_56 = arith.constant 0 : i32
    %dma_start3A_57 = tpu.memref_slice %arg4[%dma_start3A_55, %dma_start3A_56] : memref<10112x48xf32, #tpu.memory_space<hbm>> -> memref<10112x48xf32, #tpu.memory_space<hbm>>
    tpu.enqueue_indirect_dma source(%dma_start3A_57 : memref<10112x48xf32, #tpu.memory_space<hbm>>) target(%arg16 : memref<128x48xf32, #tpu.memory_space<vmem>>) offsets(%dma_start3A_54 : memref<128xi32, #tpu.memory_space<vmem>>) semaphore(%arg25 : memref<!tpu.dma_semaphore, #tpu.memory_space<semaphore_mem>>)
    %dma_wait3A = arith.constant 0 : i32
    %dma_wait3A_58 = arith.constant 0 : i32
    %dma_wait3A_59 = tpu.memref_slice %arg7[%dma_wait3A, %dma_wait3A_58] : memref<80x128xi32, #tpu.memory_space<vmem>> -> memref<1x128xi32, #tpu.memory_space<vmem>>
    %dma_wait3A_60 = tpu.memref_squeeze %dma_wait3A_59 : memref<1x128xi32, #tpu.memory_space<vmem>> -> memref<128xi32, #tpu.memory_space<vmem>>
    %dma_wait3A_61 = arith.constant 0 : i32
    %dma_wait3A_62 = arith.constant 0 : i32
    %dma_wait3A_63 = tpu.memref_slice %arg4[%dma_wait3A_61, %dma_wait3A_62] : memref<10112x48xf32, #tpu.memory_space<hbm>> -> memref<10112x48xf32, #tpu.memory_space<hbm>>
    tpu.wait_indirect_dma semaphore(%arg18 : memref<!tpu.dma_semaphore, #tpu.memory_space<semaphore_mem>>) src(%dma_wait3A_63 : memref<10112x48xf32, #tpu.memory_space<hbm>>) dst(%arg9 : memref<128x48xf32, #tpu.memory_space<vmem>>)
    %dma_start3A_64 = arith.constant 0 : i32
    %dma_start3A_65 = arith.constant 0 : i32
    %dma_start3A_66 = tpu.memref_slice %arg8[%dma_start3A_64, %dma_start3A_65] : memref<80x128xi32, #tpu.memory_space<vmem>> -> memref<1x128xi32, #tpu.memory_space<vmem>>
    %dma_start3A_67 = tpu.memref_squeeze %dma_start3A_66 : memref<1x128xi32, #tpu.memory_space<vmem>> -> memref<128xi32, #tpu.memory_space<vmem>>
    %dma_start3A_68 = arith.constant 0 : i32
    %dma_start3A_69 = arith.constant 0 : i32
    %dma_start3A_70 = tpu.memref_slice %arg17[%dma_start3A_68, %dma_start3A_69] : memref<10112x48xf32, #tpu.memory_space<vmem_shared>> -> memref<10112x48xf32, #tpu.memory_space<vmem_shared>>
    tpu.enqueue_indirect_dma source(%arg9 : memref<128x48xf32, #tpu.memory_space<vmem>>) target(%dma_start3A_70 : memref<10112x48xf32, #tpu.memory_space<vmem_shared>>) offsets(%dma_start3A_67 : memref<128xi32, #tpu.memory_space<vmem>>) semaphore(%arg26 : memref<!tpu.dma_semaphore, #tpu.memory_space<semaphore_mem>>) {add = true}
    %dma_wait3A_71 = arith.constant 1 : i32
    %dma_wait3A_72 = arith.constant 0 : i32
    %dma_wait3A_73 = tpu.memref_slice %arg7[%dma_wait3A_71, %dma_wait3A_72] : memref<80x128xi32, #tpu.memory_space<vmem>> -> memref<1x128xi32, #tpu.memory_space<vmem>>
    %dma_wait3A_74 = tpu.memref_squeeze %dma_wait3A_73 : memref<1x128xi32, #tpu.memory_space<vmem>> -> memref<128xi32, #tpu.memory_space<vmem>>
    %dma_wait3A_75 = arith.constant 0 : i32
    %dma_wait3A_76 = arith.constant 0 : i32
    %dma_wait3A_77 = tpu.memref_slice %arg4[%dma_wait3A_75, %dma_wait3A_76] : memref<10112x48xf32, #tpu.memory_space<hbm>> -> memref<10112x48xf32, #tpu.memory_space<hbm>>
    tpu.wait_indirect_dma semaphore(%arg19 : memref<!tpu.dma_semaphore, #tpu.memory_space<semaphore_mem>>) src(%dma_wait3A_77 : memref<10112x48xf32, #tpu.memory_space<hbm>>) dst(%arg10 : memref<128x48xf32, #tpu.memory_space<vmem>>)
    %dma_start3A_78 = arith.constant 1 : i32
    %dma_start3A_79 = arith.constant 0 : i32
    %dma_start3A_80 = tpu.memref_slice %arg8[%dma_start3A_78, %dma_start3A_79] : memref<80x128xi32, #tpu.memory_space<vmem>> -> memref<1x128xi32, #tpu.memory_space<vmem>>
    %dma_start3A_81 = tpu.memref_squeeze %dma_start3A_80 : memref<1x128xi32, #tpu.memory_space<vmem>> -> memref<128xi32, #tpu.memory_space<vmem>>
    %dma_start3A_82 = arith.constant 0 : i32
    %dma_start3A_83 = arith.constant 0 : i32
    %dma_start3A_84 = tpu.memref_slice %arg17[%dma_start3A_82, %dma_start3A_83] : memref<10112x48xf32, #tpu.memory_space<vmem_shared>> -> memref<10112x48xf32, #tpu.memory_space<vmem_shared>>
    tpu.enqueue_indirect_dma source(%arg10 : memref<128x48xf32, #tpu.memory_space<vmem>>) target(%dma_start3A_84 : memref<10112x48xf32, #tpu.memory_space<vmem_shared>>) offsets(%dma_start3A_81 : memref<128xi32, #tpu.memory_space<vmem>>) semaphore(%arg27 : memref<!tpu.dma_semaphore, #tpu.memory_space<semaphore_mem>>) {add = true}
    %dma_wait3A_85 = arith.constant 2 : i32
    %dma_wait3A_86 = arith.constant 0 : i32
    %dma_wait3A_87 = tpu.memref_slice %arg7[%dma_wait3A_85, %dma_wait3A_86] : memref<80x128xi32, #tpu.memory_space<vmem>> -> memref<1x128xi32, #tpu.memory_space<vmem>>
    %dma_wait3A_88 = tpu.memref_squeeze %dma_wait3A_87 : memref<1x128xi32, #tpu.memory_space<vmem>> -> memref<128xi32, #tpu.memory_space<vmem>>
    %dma_wait3A_89 = arith.constant 0 : i32
    %dma_wait3A_90 = arith.constant 0 : i32
    %dma_wait3A_91 = tpu.memref_slice %arg4[%dma_wait3A_89, %dma_wait3A_90] : memref<10112x48xf32, #tpu.memory_space<hbm>> -> memref<10112x48xf32, #tpu.memory_space<hbm>>
    tpu.wait_indirect_dma semaphore(%arg20 : memref<!tpu.dma_semaphore, #tpu.memory_space<semaphore_mem>>) src(%dma_wait3A_91 : memref<10112x48xf32, #tpu.memory_space<hbm>>) dst(%arg11 : memref<128x48xf32, #tpu.memory_space<vmem>>)
    %dma_start3A_92 = arith.constant 2 : i32
    %dma_start3A_93 = arith.constant 0 : i32
    %dma_start3A_94 = tpu.memref_slice %arg8[%dma_start3A_92, %dma_start3A_93] : memref<80x128xi32, #tpu.memory_space<vmem>> -> memref<1x128xi32, #tpu.memory_space<vmem>>
    %dma_start3A_95 = tpu.memref_squeeze %dma_start3A_94 : memref<1x128xi32, #tpu.memory_space<vmem>> -> memref<128xi32, #tpu.memory_space<vmem>>
    %dma_start3A_96 = arith.constant 0 : i32
    %dma_start3A_97 = arith.constant 0 : i32
    %dma_start3A_98 = tpu.memref_slice %arg17[%dma_start3A_96, %dma_start3A_97] : memref<10112x48xf32, #tpu.memory_space<vmem_shared>> -> memref<10112x48xf32, #tpu.memory_space<vmem_shared>>
    tpu.enqueue_indirect_dma source(%arg11 : memref<128x48xf32, #tpu.memory_space<vmem>>) target(%dma_start3A_98 : memref<10112x48xf32, #tpu.memory_space<vmem_shared>>) offsets(%dma_start3A_95 : memref<128xi32, #tpu.memory_space<vmem>>) semaphore(%arg28 : memref<!tpu.dma_semaphore, #tpu.memory_space<semaphore_mem>>) {add = true}
    %dma_wait3A_99 = arith.constant 3 : i32
    %dma_wait3A_100 = arith.constant 0 : i32
    %dma_wait3A_101 = tpu.memref_slice %arg7[%dma_wait3A_99, %dma_wait3A_100] : memref<80x128xi32, #tpu.memory_space<vmem>> -> memref<1x128xi32, #tpu.memory_space<vmem>>
    %dma_wait3A_102 = tpu.memref_squeeze %dma_wait3A_101 : memref<1x128xi32, #tpu.memory_space<vmem>> -> memref<128xi32, #tpu.memory_space<vmem>>
    %dma_wait3A_103 = arith.constant 0 : i32
    %dma_wait3A_104 = arith.constant 0 : i32
    %dma_wait3A_105 = tpu.memref_slice %arg4[%dma_wait3A_103, %dma_wait3A_104] : memref<10112x48xf32, #tpu.memory_space<hbm>> -> memref<10112x48xf32, #tpu.memory_space<hbm>>
    tpu.wait_indirect_dma semaphore(%arg21 : memref<!tpu.dma_semaphore, #tpu.memory_space<semaphore_mem>>) src(%dma_wait3A_105 : memref<10112x48xf32, #tpu.memory_space<hbm>>) dst(%arg12 : memref<128x48xf32, #tpu.memory_space<vmem>>)
    %dma_start3A_106 = arith.constant 3 : i32
    %dma_start3A_107 = arith.constant 0 : i32
    %dma_start3A_108 = tpu.memref_slice %arg8[%dma_start3A_106, %dma_start3A_107] : memref<80x128xi32, #tpu.memory_space<vmem>> -> memref<1x128xi32, #tpu.memory_space<vmem>>
    %dma_start3A_109 = tpu.memref_squeeze %dma_start3A_108 : memref<1x128xi32, #tpu.memory_space<vmem>> -> memref<128xi32, #tpu.memory_space<vmem>>
    %dma_start3A_110 = arith.constant 0 : i32
    %dma_start3A_111 = arith.constant 0 : i32
    %dma_start3A_112 = tpu.memref_slice %arg17[%dma_start3A_110, %dma_start3A_111] : memref<10112x48xf32, #tpu.memory_space<vmem_shared>> -> memref<10112x48xf32, #tpu.memory_space<vmem_shared>>
    tpu.enqueue_indirect_dma source(%arg12 : memref<128x48xf32, #tpu.memory_space<vmem>>) target(%dma_start3A_112 : memref<10112x48xf32, #tpu.memory_space<vmem_shared>>) offsets(%dma_start3A_109 : memref<128xi32, #tpu.memory_space<vmem>>) semaphore(%arg29 : memref<!tpu.dma_semaphore, #tpu.memory_space<semaphore_mem>>) {add = true}
    %scan3A = arith.constant 0 : i32
    %scan3A_113 = arith.constant 0 : i32
    %scan3A_114 = arith.constant 9 : i32
    %scan3A_115 = arith.addi %scan3A_113, %scan3A_114 : i32
    %scan3A_116 = arith.constant 1 : i32
    scf.for %scan3A_231 = %scan3A_113 to %scan3A_115 step %scan3A_116  : i32 {
      %mul3A_232 = arith.constant 8 : i32
      %mul3A_233 = arith.muli %mul3A_232, %scan3A_231 : i32
      %add3A_234 = arith.constant 4 : i32
      %add3A_235 = arith.addi %mul3A_233, %add3A_234 : i32
      %add3A_236 = arith.constant 0 : i32
      %add3A_237 = arith.addi %add3A_235, %add3A_236 : i32
      %dma_wait3A_238 = arith.constant 0 : i32
      %dma_wait3A_239 = tpu.memref_slice %arg7[%add3A_237, %dma_wait3A_238] : memref<80x128xi32, #tpu.memory_space<vmem>> -> memref<1x128xi32, #tpu.memory_space<vmem>>
      %dma_wait3A_240 = tpu.memref_squeeze %dma_wait3A_239 : memref<1x128xi32, #tpu.memory_space<vmem>> -> memref<128xi32, #tpu.memory_space<vmem>>
      %dma_wait3A_241 = arith.constant 0 : i32
      %dma_wait3A_242 = arith.constant 0 : i32
      %dma_wait3A_243 = tpu.memref_slice %arg4[%dma_wait3A_241, %dma_wait3A_242] : memref<10112x48xf32, #tpu.memory_space<hbm>> -> memref<10112x48xf32, #tpu.memory_space<hbm>>
      tpu.wait_indirect_dma semaphore(%arg22 : memref<!tpu.dma_semaphore, #tpu.memory_space<semaphore_mem>>) src(%dma_wait3A_243 : memref<10112x48xf32, #tpu.memory_space<hbm>>) dst(%arg13 : memref<128x48xf32, #tpu.memory_space<vmem>>)
      %dma_start3A_244 = arith.constant 0 : i32
      %dma_start3A_245 = tpu.memref_slice %arg8[%add3A_237, %dma_start3A_244] : memref<80x128xi32, #tpu.memory_space<vmem>> -> memref<1x128xi32, #tpu.memory_space<vmem>>
      %dma_start3A_246 = tpu.memref_squeeze %dma_start3A_245 : memref<1x128xi32, #tpu.memory_space<vmem>> -> memref<128xi32, #tpu.memory_space<vmem>>
      %dma_start3A_247 = arith.constant 0 : i32
      %dma_start3A_248 = arith.constant 0 : i32
      %dma_start3A_249 = tpu.memref_slice %arg17[%dma_start3A_247, %dma_start3A_248] : memref<10112x48xf32, #tpu.memory_space<vmem_shared>> -> memref<10112x48xf32, #tpu.memory_space<vmem_shared>>
      tpu.enqueue_indirect_dma source(%arg13 : memref<128x48xf32, #tpu.memory_space<vmem>>) target(%dma_start3A_249 : memref<10112x48xf32, #tpu.memory_space<vmem_shared>>) offsets(%dma_start3A_246 : memref<128xi32, #tpu.memory_space<vmem>>) semaphore(%arg30 : memref<!tpu.dma_semaphore, #tpu.memory_space<semaphore_mem>>) {add = true}
      %sub3A = arith.constant 4 : i32
      %sub3A_250 = arith.subi %add3A_237, %sub3A : i32
      %sub3A_251 = arith.constant 4 : i32
      %sub3A_252 = arith.subi %add3A_237, %sub3A_251 : i32
      %dma_wait3A_253 = arith.constant 0 : i32
      %dma_wait3A_254 = tpu.memref_slice %arg8[%sub3A_252, %dma_wait3A_253] : memref<80x128xi32, #tpu.memory_space<vmem>> -> memref<1x128xi32, #tpu.memory_space<vmem>>
      %dma_wait3A_255 = tpu.memref_squeeze %dma_wait3A_254 : memref<1x128xi32, #tpu.memory_space<vmem>> -> memref<128xi32, #tpu.memory_space<vmem>>
      %dma_wait3A_256 = arith.constant 0 : i32
      %dma_wait3A_257 = arith.constant 0 : i32
      %dma_wait3A_258 = tpu.memref_slice %arg17[%dma_wait3A_256, %dma_wait3A_257] : memref<10112x48xf32, #tpu.memory_space<vmem_shared>> -> memref<10112x48xf32, #tpu.memory_space<vmem_shared>>
      tpu.wait_indirect_dma semaphore(%arg26 : memref<!tpu.dma_semaphore, #tpu.memory_space<semaphore_mem>>) src(%arg9 : memref<128x48xf32, #tpu.memory_space<vmem>>) dst(%dma_wait3A_258 : memref<10112x48xf32, #tpu.memory_space<vmem_shared>>)
      %add3A_259 = arith.constant 4 : i32
      %add3A_260 = arith.addi %add3A_237, %add3A_259 : i32
      %add3A_261 = arith.constant 4 : i32
      %add3A_262 = arith.addi %add3A_237, %add3A_261 : i32
      %dma_start3A_263 = arith.constant 0 : i32
      %dma_start3A_264 = tpu.memref_slice %arg7[%add3A_262, %dma_start3A_263] : memref<80x128xi32, #tpu.memory_space<vmem>> -> memref<1x128xi32, #tpu.memory_space<vmem>>
      %dma_start3A_265 = tpu.memref_squeeze %dma_start3A_264 : memref<1x128xi32, #tpu.memory_space<vmem>> -> memref<128xi32, #tpu.memory_space<vmem>>
      %dma_start3A_266 = arith.constant 0 : i32
      %dma_start3A_267 = arith.constant 0 : i32
      %dma_start3A_268 = tpu.memref_slice %arg4[%dma_start3A_266, %dma_start3A_267] : memref<10112x48xf32, #tpu.memory_space<hbm>> -> memref<10112x48xf32, #tpu.memory_space<hbm>>
      tpu.enqueue_indirect_dma source(%dma_start3A_268 : memref<10112x48xf32, #tpu.memory_space<hbm>>) target(%arg9 : memref<128x48xf32, #tpu.memory_space<vmem>>) offsets(%dma_start3A_265 : memref<128xi32, #tpu.memory_space<vmem>>) semaphore(%arg18 : memref<!tpu.dma_semaphore, #tpu.memory_space<semaphore_mem>>)
      %mul3A_269 = arith.constant 8 : i32
      %mul3A_270 = arith.muli %mul3A_269, %scan3A_231 : i32
      %add3A_271 = arith.constant 4 : i32
      %add3A_272 = arith.addi %mul3A_270, %add3A_271 : i32
      %add3A_273 = arith.constant 1 : i32
      %add3A_274 = arith.addi %add3A_272, %add3A_273 : i32
      %dma_wait3A_275 = arith.constant 0 : i32
      %dma_wait3A_276 = tpu.memref_slice %arg7[%add3A_274, %dma_wait3A_275] : memref<80x128xi32, #tpu.memory_space<vmem>> -> memref<1x128xi32, #tpu.memory_space<vmem>>
      %dma_wait3A_277 = tpu.memref_squeeze %dma_wait3A_276 : memref<1x128xi32, #tpu.memory_space<vmem>> -> memref<128xi32, #tpu.memory_space<vmem>>
      %dma_wait3A_278 = arith.constant 0 : i32
      %dma_wait3A_279 = arith.constant 0 : i32
      %dma_wait3A_280 = tpu.memref_slice %arg4[%dma_wait3A_278, %dma_wait3A_279] : memref<10112x48xf32, #tpu.memory_space<hbm>> -> memref<10112x48xf32, #tpu.memory_space<hbm>>
      tpu.wait_indirect_dma semaphore(%arg23 : memref<!tpu.dma_semaphore, #tpu.memory_space<semaphore_mem>>) src(%dma_wait3A_280 : memref<10112x48xf32, #tpu.memory_space<hbm>>) dst(%arg14 : memref<128x48xf32, #tpu.memory_space<vmem>>)
      %dma_start3A_281 = arith.constant 0 : i32
      %dma_start3A_282 = tpu.memref_slice %arg8[%add3A_274, %dma_start3A_281] : memref<80x128xi32, #tpu.memory_space<vmem>> -> memref<1x128xi32, #tpu.memory_space<vmem>>
      %dma_start3A_283 = tpu.memref_squeeze %dma_start3A_282 : memref<1x128xi32, #tpu.memory_space<vmem>> -> memref<128xi32, #tpu.memory_space<vmem>>
      %dma_start3A_284 = arith.constant 0 : i32
      %dma_start3A_285 = arith.constant 0 : i32
      %dma_start3A_286 = tpu.memref_slice %arg17[%dma_start3A_284, %dma_start3A_285] : memref<10112x48xf32, #tpu.memory_space<vmem_shared>> -> memref<10112x48xf32, #tpu.memory_space<vmem_shared>>
      tpu.enqueue_indirect_dma source(%arg14 : memref<128x48xf32, #tpu.memory_space<vmem>>) target(%dma_start3A_286 : memref<10112x48xf32, #tpu.memory_space<vmem_shared>>) offsets(%dma_start3A_283 : memref<128xi32, #tpu.memory_space<vmem>>) semaphore(%arg31 : memref<!tpu.dma_semaphore, #tpu.memory_space<semaphore_mem>>) {add = true}
      %sub3A_287 = arith.constant 4 : i32
      %sub3A_288 = arith.subi %add3A_274, %sub3A_287 : i32
      %sub3A_289 = arith.constant 4 : i32
      %sub3A_290 = arith.subi %add3A_274, %sub3A_289 : i32
      %dma_wait3A_291 = arith.constant 0 : i32
      %dma_wait3A_292 = tpu.memref_slice %arg8[%sub3A_290, %dma_wait3A_291] : memref<80x128xi32, #tpu.memory_space<vmem>> -> memref<1x128xi32, #tpu.memory_space<vmem>>
      %dma_wait3A_293 = tpu.memref_squeeze %dma_wait3A_292 : memref<1x128xi32, #tpu.memory_space<vmem>> -> memref<128xi32, #tpu.memory_space<vmem>>
      %dma_wait3A_294 = arith.constant 0 : i32
      %dma_wait3A_295 = arith.constant 0 : i32
      %dma_wait3A_296 = tpu.memref_slice %arg17[%dma_wait3A_294, %dma_wait3A_295] : memref<10112x48xf32, #tpu.memory_space<vmem_shared>> -> memref<10112x48xf32, #tpu.memory_space<vmem_shared>>
      tpu.wait_indirect_dma semaphore(%arg27 : memref<!tpu.dma_semaphore, #tpu.memory_space<semaphore_mem>>) src(%arg10 : memref<128x48xf32, #tpu.memory_space<vmem>>) dst(%dma_wait3A_296 : memref<10112x48xf32, #tpu.memory_space<vmem_shared>>)
      %add3A_297 = arith.constant 4 : i32
      %add3A_298 = arith.addi %add3A_274, %add3A_297 : i32
      %add3A_299 = arith.constant 4 : i32
      %add3A_300 = arith.addi %add3A_274, %add3A_299 : i32
      %dma_start3A_301 = arith.constant 0 : i32
      %dma_start3A_302 = tpu.memref_slice %arg7[%add3A_300, %dma_start3A_301] : memref<80x128xi32, #tpu.memory_space<vmem>> -> memref<1x128xi32, #tpu.memory_space<vmem>>
      %dma_start3A_303 = tpu.memref_squeeze %dma_start3A_302 : memref<1x128xi32, #tpu.memory_space<vmem>> -> memref<128xi32, #tpu.memory_space<vmem>>
      %dma_start3A_304 = arith.constant 0 : i32
      %dma_start3A_305 = arith.constant 0 : i32
      %dma_start3A_306 = tpu.memref_slice %arg4[%dma_start3A_304, %dma_start3A_305] : memref<10112x48xf32, #tpu.memory_space<hbm>> -> memref<10112x48xf32, #tpu.memory_space<hbm>>
      tpu.enqueue_indirect_dma source(%dma_start3A_306 : memref<10112x48xf32, #tpu.memory_space<hbm>>) target(%arg10 : memref<128x48xf32, #tpu.memory_space<vmem>>) offsets(%dma_start3A_303 : memref<128xi32, #tpu.memory_space<vmem>>) semaphore(%arg19 : memref<!tpu.dma_semaphore, #tpu.memory_space<semaphore_mem>>)
      %mul3A_307 = arith.constant 8 : i32
      %mul3A_308 = arith.muli %mul3A_307, %scan3A_231 : i32
      %add3A_309 = arith.constant 4 : i32
      %add3A_310 = arith.addi %mul3A_308, %add3A_309 : i32
      %add3A_311 = arith.constant 2 : i32
      %add3A_312 = arith.addi %add3A_310, %add3A_311 : i32
      %dma_wait3A_313 = arith.constant 0 : i32
      %dma_wait3A_314 = tpu.memref_slice %arg7[%add3A_312, %dma_wait3A_313] : memref<80x128xi32, #tpu.memory_space<vmem>> -> memref<1x128xi32, #tpu.memory_space<vmem>>
      %dma_wait3A_315 = tpu.memref_squeeze %dma_wait3A_314 : memref<1x128xi32, #tpu.memory_space<vmem>> -> memref<128xi32, #tpu.memory_space<vmem>>
      %dma_wait3A_316 = arith.constant 0 : i32
      %dma_wait3A_317 = arith.constant 0 : i32
      %dma_wait3A_318 = tpu.memref_slice %arg4[%dma_wait3A_316, %dma_wait3A_317] : memref<10112x48xf32, #tpu.memory_space<hbm>> -> memref<10112x48xf32, #tpu.memory_space<hbm>>
      tpu.wait_indirect_dma semaphore(%arg24 : memref<!tpu.dma_semaphore, #tpu.memory_space<semaphore_mem>>) src(%dma_wait3A_318 : memref<10112x48xf32, #tpu.memory_space<hbm>>) dst(%arg15 : memref<128x48xf32, #tpu.memory_space<vmem>>)
      %dma_start3A_319 = arith.constant 0 : i32
      %dma_start3A_320 = tpu.memref_slice %arg8[%add3A_312, %dma_start3A_319] : memref<80x128xi32, #tpu.memory_space<vmem>> -> memref<1x128xi32, #tpu.memory_space<vmem>>
      %dma_start3A_321 = tpu.memref_squeeze %dma_start3A_320 : memref<1x128xi32, #tpu.memory_space<vmem>> -> memref<128xi32, #tpu.memory_space<vmem>>
      %dma_start3A_322 = arith.constant 0 : i32
      %dma_start3A_323 = arith.constant 0 : i32
      %dma_start3A_324 = tpu.memref_slice %arg17[%dma_start3A_322, %dma_start3A_323] : memref<10112x48xf32, #tpu.memory_space<vmem_shared>> -> memref<10112x48xf32, #tpu.memory_space<vmem_shared>>
      tpu.enqueue_indirect_dma source(%arg15 : memref<128x48xf32, #tpu.memory_space<vmem>>) target(%dma_start3A_324 : memref<10112x48xf32, #tpu.memory_space<vmem_shared>>) offsets(%dma_start3A_321 : memref<128xi32, #tpu.memory_space<vmem>>) semaphore(%arg32 : memref<!tpu.dma_semaphore, #tpu.memory_space<semaphore_mem>>) {add = true}
      %sub3A_325 = arith.constant 4 : i32
      %sub3A_326 = arith.subi %add3A_312, %sub3A_325 : i32
      %sub3A_327 = arith.constant 4 : i32
      %sub3A_328 = arith.subi %add3A_312, %sub3A_327 : i32
      %dma_wait3A_329 = arith.constant 0 : i32
      %dma_wait3A_330 = tpu.memref_slice %arg8[%sub3A_328, %dma_wait3A_329] : memref<80x128xi32, #tpu.memory_space<vmem>> -> memref<1x128xi32, #tpu.memory_space<vmem>>
      %dma_wait3A_331 = tpu.memref_squeeze %dma_wait3A_330 : memref<1x128xi32, #tpu.memory_space<vmem>> -> memref<128xi32, #tpu.memory_space<vmem>>
      %dma_wait3A_332 = arith.constant 0 : i32
      %dma_wait3A_333 = arith.constant 0 : i32
      %dma_wait3A_334 = tpu.memref_slice %arg17[%dma_wait3A_332, %dma_wait3A_333] : memref<10112x48xf32, #tpu.memory_space<vmem_shared>> -> memref<10112x48xf32, #tpu.memory_space<vmem_shared>>
      tpu.wait_indirect_dma semaphore(%arg28 : memref<!tpu.dma_semaphore, #tpu.memory_space<semaphore_mem>>) src(%arg11 : memref<128x48xf32, #tpu.memory_space<vmem>>) dst(%dma_wait3A_334 : memref<10112x48xf32, #tpu.memory_space<vmem_shared>>)
      %add3A_335 = arith.constant 4 : i32
      %add3A_336 = arith.addi %add3A_312, %add3A_335 : i32
      %add3A_337 = arith.constant 4 : i32
      %add3A_338 = arith.addi %add3A_312, %add3A_337 : i32
      %dma_start3A_339 = arith.constant 0 : i32
      %dma_start3A_340 = tpu.memref_slice %arg7[%add3A_338, %dma_start3A_339] : memref<80x128xi32, #tpu.memory_space<vmem>> -> memref<1x128xi32, #tpu.memory_space<vmem>>
      %dma_start3A_341 = tpu.memref_squeeze %dma_start3A_340 : memref<1x128xi32, #tpu.memory_space<vmem>> -> memref<128xi32, #tpu.memory_space<vmem>>
      %dma_start3A_342 = arith.constant 0 : i32
      %dma_start3A_343 = arith.constant 0 : i32
      %dma_start3A_344 = tpu.memref_slice %arg4[%dma_start3A_342, %dma_start3A_343] : memref<10112x48xf32, #tpu.memory_space<hbm>> -> memref<10112x48xf32, #tpu.memory_space<hbm>>
      tpu.enqueue_indirect_dma source(%dma_start3A_344 : memref<10112x48xf32, #tpu.memory_space<hbm>>) target(%arg11 : memref<128x48xf32, #tpu.memory_space<vmem>>) offsets(%dma_start3A_341 : memref<128xi32, #tpu.memory_space<vmem>>) semaphore(%arg20 : memref<!tpu.dma_semaphore, #tpu.memory_space<semaphore_mem>>)
      %mul3A_345 = arith.constant 8 : i32
      %mul3A_346 = arith.muli %mul3A_345, %scan3A_231 : i32
      %add3A_347 = arith.constant 4 : i32
      %add3A_348 = arith.addi %mul3A_346, %add3A_347 : i32
      %add3A_349 = arith.constant 3 : i32
      %add3A_350 = arith.addi %add3A_348, %add3A_349 : i32
      %dma_wait3A_351 = arith.constant 0 : i32
      %dma_wait3A_352 = tpu.memref_slice %arg7[%add3A_350, %dma_wait3A_351] : memref<80x128xi32, #tpu.memory_space<vmem>> -> memref<1x128xi32, #tpu.memory_space<vmem>>
      %dma_wait3A_353 = tpu.memref_squeeze %dma_wait3A_352 : memref<1x128xi32, #tpu.memory_space<vmem>> -> memref<128xi32, #tpu.memory_space<vmem>>
      %dma_wait3A_354 = arith.constant 0 : i32
      %dma_wait3A_355 = arith.constant 0 : i32
      %dma_wait3A_356 = tpu.memref_slice %arg4[%dma_wait3A_354, %dma_wait3A_355] : memref<10112x48xf32, #tpu.memory_space<hbm>> -> memref<10112x48xf32, #tpu.memory_space<hbm>>
      tpu.wait_indirect_dma semaphore(%arg25 : memref<!tpu.dma_semaphore, #tpu.memory_space<semaphore_mem>>) src(%dma_wait3A_356 : memref<10112x48xf32, #tpu.memory_space<hbm>>) dst(%arg16 : memref<128x48xf32, #tpu.memory_space<vmem>>)
      %dma_start3A_357 = arith.constant 0 : i32
      %dma_start3A_358 = tpu.memref_slice %arg8[%add3A_350, %dma_start3A_357] : memref<80x128xi32, #tpu.memory_space<vmem>> -> memref<1x128xi32, #tpu.memory_space<vmem>>
      %dma_start3A_359 = tpu.memref_squeeze %dma_start3A_358 : memref<1x128xi32, #tpu.memory_space<vmem>> -> memref<128xi32, #tpu.memory_space<vmem>>
      %dma_start3A_360 = arith.constant 0 : i32
      %dma_start3A_361 = arith.constant 0 : i32
      %dma_start3A_362 = tpu.memref_slice %arg17[%dma_start3A_360, %dma_start3A_361] : memref<10112x48xf32, #tpu.memory_space<vmem_shared>> -> memref<10112x48xf32, #tpu.memory_space<vmem_shared>>
      tpu.enqueue_indirect_dma source(%arg16 : memref<128x48xf32, #tpu.memory_space<vmem>>) target(%dma_start3A_362 : memref<10112x48xf32, #tpu.memory_space<vmem_shared>>) offsets(%dma_start3A_359 : memref<128xi32, #tpu.memory_space<vmem>>) semaphore(%arg33 : memref<!tpu.dma_semaphore, #tpu.memory_space<semaphore_mem>>) {add = true}
      %sub3A_363 = arith.constant 4 : i32
      %sub3A_364 = arith.subi %add3A_350, %sub3A_363 : i32
      %sub3A_365 = arith.constant 4 : i32
      %sub3A_366 = arith.subi %add3A_350, %sub3A_365 : i32
      %dma_wait3A_367 = arith.constant 0 : i32
      %dma_wait3A_368 = tpu.memref_slice %arg8[%sub3A_366, %dma_wait3A_367] : memref<80x128xi32, #tpu.memory_space<vmem>> -> memref<1x128xi32, #tpu.memory_space<vmem>>
      %dma_wait3A_369 = tpu.memref_squeeze %dma_wait3A_368 : memref<1x128xi32, #tpu.memory_space<vmem>> -> memref<128xi32, #tpu.memory_space<vmem>>
      %dma_wait3A_370 = arith.constant 0 : i32
      %dma_wait3A_371 = arith.constant 0 : i32
      %dma_wait3A_372 = tpu.memref_slice %arg17[%dma_wait3A_370, %dma_wait3A_371] : memref<10112x48xf32, #tpu.memory_space<vmem_shared>> -> memref<10112x48xf32, #tpu.memory_space<vmem_shared>>
      tpu.wait_indirect_dma semaphore(%arg29 : memref<!tpu.dma_semaphore, #tpu.memory_space<semaphore_mem>>) src(%arg12 : memref<128x48xf32, #tpu.memory_space<vmem>>) dst(%dma_wait3A_372 : memref<10112x48xf32, #tpu.memory_space<vmem_shared>>)
      %add3A_373 = arith.constant 4 : i32
      %add3A_374 = arith.addi %add3A_350, %add3A_373 : i32
      %add3A_375 = arith.constant 4 : i32
      %add3A_376 = arith.addi %add3A_350, %add3A_375 : i32
      %dma_start3A_377 = arith.constant 0 : i32
      %dma_start3A_378 = tpu.memref_slice %arg7[%add3A_376, %dma_start3A_377] : memref<80x128xi32, #tpu.memory_space<vmem>> -> memref<1x128xi32, #tpu.memory_space<vmem>>
      %dma_start3A_379 = tpu.memref_squeeze %dma_start3A_378 : memref<1x128xi32, #tpu.memory_space<vmem>> -> memref<128xi32, #tpu.memory_space<vmem>>
      %dma_start3A_380 = arith.constant 0 : i32
      %dma_start3A_381 = arith.constant 0 : i32
      %dma_start3A_382 = tpu.memref_slice %arg4[%dma_start3A_380, %dma_start3A_381] : memref<10112x48xf32, #tpu.memory_space<hbm>> -> memref<10112x48xf32, #tpu.memory_space<hbm>>
      tpu.enqueue_indirect_dma source(%dma_start3A_382 : memref<10112x48xf32, #tpu.memory_space<hbm>>) target(%arg12 : memref<128x48xf32, #tpu.memory_space<vmem>>) offsets(%dma_start3A_379 : memref<128xi32, #tpu.memory_space<vmem>>) semaphore(%arg21 : memref<!tpu.dma_semaphore, #tpu.memory_space<semaphore_mem>>)
      %mul3A_383 = arith.constant 8 : i32
      %mul3A_384 = arith.muli %mul3A_383, %scan3A_231 : i32
      %add3A_385 = arith.constant 4 : i32
      %add3A_386 = arith.addi %mul3A_384, %add3A_385 : i32
      %add3A_387 = arith.constant 4 : i32
      %add3A_388 = arith.addi %add3A_386, %add3A_387 : i32
      %dma_wait3A_389 = arith.constant 0 : i32
      %dma_wait3A_390 = tpu.memref_slice %arg7[%add3A_388, %dma_wait3A_389] : memref<80x128xi32, #tpu.memory_space<vmem>> -> memref<1x128xi32, #tpu.memory_space<vmem>>
      %dma_wait3A_391 = tpu.memref_squeeze %dma_wait3A_390 : memref<1x128xi32, #tpu.memory_space<vmem>> -> memref<128xi32, #tpu.memory_space<vmem>>
      %dma_wait3A_392 = arith.constant 0 : i32
      %dma_wait3A_393 = arith.constant 0 : i32
      %dma_wait3A_394 = tpu.memref_slice %arg4[%dma_wait3A_392, %dma_wait3A_393] : memref<10112x48xf32, #tpu.memory_space<hbm>> -> memref<10112x48xf32, #tpu.memory_space<hbm>>
      tpu.wait_indirect_dma semaphore(%arg18 : memref<!tpu.dma_semaphore, #tpu.memory_space<semaphore_mem>>) src(%dma_wait3A_394 : memref<10112x48xf32, #tpu.memory_space<hbm>>) dst(%arg9 : memref<128x48xf32, #tpu.memory_space<vmem>>)
      %dma_start3A_395 = arith.constant 0 : i32
      %dma_start3A_396 = tpu.memref_slice %arg8[%add3A_388, %dma_start3A_395] : memref<80x128xi32, #tpu.memory_space<vmem>> -> memref<1x128xi32, #tpu.memory_space<vmem>>
      %dma_start3A_397 = tpu.memref_squeeze %dma_start3A_396 : memref<1x128xi32, #tpu.memory_space<vmem>> -> memref<128xi32, #tpu.memory_space<vmem>>
      %dma_start3A_398 = arith.constant 0 : i32
      %dma_start3A_399 = arith.constant 0 : i32
      %dma_start3A_400 = tpu.memref_slice %arg17[%dma_start3A_398, %dma_start3A_399] : memref<10112x48xf32, #tpu.memory_space<vmem_shared>> -> memref<10112x48xf32, #tpu.memory_space<vmem_shared>>
      tpu.enqueue_indirect_dma source(%arg9 : memref<128x48xf32, #tpu.memory_space<vmem>>) target(%dma_start3A_400 : memref<10112x48xf32, #tpu.memory_space<vmem_shared>>) offsets(%dma_start3A_397 : memref<128xi32, #tpu.memory_space<vmem>>) semaphore(%arg26 : memref<!tpu.dma_semaphore, #tpu.memory_space<semaphore_mem>>) {add = true}
      %sub3A_401 = arith.constant 4 : i32
      %sub3A_402 = arith.subi %add3A_388, %sub3A_401 : i32
      %sub3A_403 = arith.constant 4 : i32
      %sub3A_404 = arith.subi %add3A_388, %sub3A_403 : i32
      %dma_wait3A_405 = arith.constant 0 : i32
      %dma_wait3A_406 = tpu.memref_slice %arg8[%sub3A_404, %dma_wait3A_405] : memref<80x128xi32, #tpu.memory_space<vmem>> -> memref<1x128xi32, #tpu.memory_space<vmem>>
      %dma_wait3A_407 = tpu.memref_squeeze %dma_wait3A_406 : memref<1x128xi32, #tpu.memory_space<vmem>> -> memref<128xi32, #tpu.memory_space<vmem>>
      %dma_wait3A_408 = arith.constant 0 : i32
      %dma_wait3A_409 = arith.constant 0 : i32
      %dma_wait3A_410 = tpu.memref_slice %arg17[%dma_wait3A_408, %dma_wait3A_409] : memref<10112x48xf32, #tpu.memory_space<vmem_shared>> -> memref<10112x48xf32, #tpu.memory_space<vmem_shared>>
      tpu.wait_indirect_dma semaphore(%arg30 : memref<!tpu.dma_semaphore, #tpu.memory_space<semaphore_mem>>) src(%arg13 : memref<128x48xf32, #tpu.memory_space<vmem>>) dst(%dma_wait3A_410 : memref<10112x48xf32, #tpu.memory_space<vmem_shared>>)
      %add3A_411 = arith.constant 4 : i32
      %add3A_412 = arith.addi %add3A_388, %add3A_411 : i32
      %add3A_413 = arith.constant 4 : i32
      %add3A_414 = arith.addi %add3A_388, %add3A_413 : i32
      %dma_start3A_415 = arith.constant 0 : i32
      %dma_start3A_416 = tpu.memref_slice %arg7[%add3A_414, %dma_start3A_415] : memref<80x128xi32, #tpu.memory_space<vmem>> -> memref<1x128xi32, #tpu.memory_space<vmem>>
      %dma_start3A_417 = tpu.memref_squeeze %dma_start3A_416 : memref<1x128xi32, #tpu.memory_space<vmem>> -> memref<128xi32, #tpu.memory_space<vmem>>
      %dma_start3A_418 = arith.constant 0 : i32
      %dma_start3A_419 = arith.constant 0 : i32
      %dma_start3A_420 = tpu.memref_slice %arg4[%dma_start3A_418, %dma_start3A_419] : memref<10112x48xf32, #tpu.memory_space<hbm>> -> memref<10112x48xf32, #tpu.memory_space<hbm>>
      tpu.enqueue_indirect_dma source(%dma_start3A_420 : memref<10112x48xf32, #tpu.memory_space<hbm>>) target(%arg13 : memref<128x48xf32, #tpu.memory_space<vmem>>) offsets(%dma_start3A_417 : memref<128xi32, #tpu.memory_space<vmem>>) semaphore(%arg22 : memref<!tpu.dma_semaphore, #tpu.memory_space<semaphore_mem>>)
      %mul3A_421 = arith.constant 8 : i32
      %mul3A_422 = arith.muli %mul3A_421, %scan3A_231 : i32
      %add3A_423 = arith.constant 4 : i32
      %add3A_424 = arith.addi %mul3A_422, %add3A_423 : i32
      %add3A_425 = arith.constant 5 : i32
      %add3A_426 = arith.addi %add3A_424, %add3A_425 : i32
      %dma_wait3A_427 = arith.constant 0 : i32
      %dma_wait3A_428 = tpu.memref_slice %arg7[%add3A_426, %dma_wait3A_427] : memref<80x128xi32, #tpu.memory_space<vmem>> -> memref<1x128xi32, #tpu.memory_space<vmem>>
      %dma_wait3A_429 = tpu.memref_squeeze %dma_wait3A_428 : memref<1x128xi32, #tpu.memory_space<vmem>> -> memref<128xi32, #tpu.memory_space<vmem>>
      %dma_wait3A_430 = arith.constant 0 : i32
      %dma_wait3A_431 = arith.constant 0 : i32
      %dma_wait3A_432 = tpu.memref_slice %arg4[%dma_wait3A_430, %dma_wait3A_431] : memref<10112x48xf32, #tpu.memory_space<hbm>> -> memref<10112x48xf32, #tpu.memory_space<hbm>>
      tpu.wait_indirect_dma semaphore(%arg19 : memref<!tpu.dma_semaphore, #tpu.memory_space<semaphore_mem>>) src(%dma_wait3A_432 : memref<10112x48xf32, #tpu.memory_space<hbm>>) dst(%arg10 : memref<128x48xf32, #tpu.memory_space<vmem>>)
      %dma_start3A_433 = arith.constant 0 : i32
      %dma_start3A_434 = tpu.memref_slice %arg8[%add3A_426, %dma_start3A_433] : memref<80x128xi32, #tpu.memory_space<vmem>> -> memref<1x128xi32, #tpu.memory_space<vmem>>
      %dma_start3A_435 = tpu.memref_squeeze %dma_start3A_434 : memref<1x128xi32, #tpu.memory_space<vmem>> -> memref<128xi32, #tpu.memory_space<vmem>>
      %dma_start3A_436 = arith.constant 0 : i32
      %dma_start3A_437 = arith.constant 0 : i32
      %dma_start3A_438 = tpu.memref_slice %arg17[%dma_start3A_436, %dma_start3A_437] : memref<10112x48xf32, #tpu.memory_space<vmem_shared>> -> memref<10112x48xf32, #tpu.memory_space<vmem_shared>>
      tpu.enqueue_indirect_dma source(%arg10 : memref<128x48xf32, #tpu.memory_space<vmem>>) target(%dma_start3A_438 : memref<10112x48xf32, #tpu.memory_space<vmem_shared>>) offsets(%dma_start3A_435 : memref<128xi32, #tpu.memory_space<vmem>>) semaphore(%arg27 : memref<!tpu.dma_semaphore, #tpu.memory_space<semaphore_mem>>) {add = true}
      %sub3A_439 = arith.constant 4 : i32
      %sub3A_440 = arith.subi %add3A_426, %sub3A_439 : i32
      %sub3A_441 = arith.constant 4 : i32
      %sub3A_442 = arith.subi %add3A_426, %sub3A_441 : i32
      %dma_wait3A_443 = arith.constant 0 : i32
      %dma_wait3A_444 = tpu.memref_slice %arg8[%sub3A_442, %dma_wait3A_443] : memref<80x128xi32, #tpu.memory_space<vmem>> -> memref<1x128xi32, #tpu.memory_space<vmem>>
      %dma_wait3A_445 = tpu.memref_squeeze %dma_wait3A_444 : memref<1x128xi32, #tpu.memory_space<vmem>> -> memref<128xi32, #tpu.memory_space<vmem>>
      %dma_wait3A_446 = arith.constant 0 : i32
      %dma_wait3A_447 = arith.constant 0 : i32
      %dma_wait3A_448 = tpu.memref_slice %arg17[%dma_wait3A_446, %dma_wait3A_447] : memref<10112x48xf32, #tpu.memory_space<vmem_shared>> -> memref<10112x48xf32, #tpu.memory_space<vmem_shared>>
      tpu.wait_indirect_dma semaphore(%arg31 : memref<!tpu.dma_semaphore, #tpu.memory_space<semaphore_mem>>) src(%arg14 : memref<128x48xf32, #tpu.memory_space<vmem>>) dst(%dma_wait3A_448 : memref<10112x48xf32, #tpu.memory_space<vmem_shared>>)
      %add3A_449 = arith.constant 4 : i32
      %add3A_450 = arith.addi %add3A_426, %add3A_449 : i32
      %add3A_451 = arith.constant 4 : i32
      %add3A_452 = arith.addi %add3A_426, %add3A_451 : i32
      %dma_start3A_453 = arith.constant 0 : i32
      %dma_start3A_454 = tpu.memref_slice %arg7[%add3A_452, %dma_start3A_453] : memref<80x128xi32, #tpu.memory_space<vmem>> -> memref<1x128xi32, #tpu.memory_space<vmem>>
      %dma_start3A_455 = tpu.memref_squeeze %dma_start3A_454 : memref<1x128xi32, #tpu.memory_space<vmem>> -> memref<128xi32, #tpu.memory_space<vmem>>
      %dma_start3A_456 = arith.constant 0 : i32
      %dma_start3A_457 = arith.constant 0 : i32
      %dma_start3A_458 = tpu.memref_slice %arg4[%dma_start3A_456, %dma_start3A_457] : memref<10112x48xf32, #tpu.memory_space<hbm>> -> memref<10112x48xf32, #tpu.memory_space<hbm>>
      tpu.enqueue_indirect_dma source(%dma_start3A_458 : memref<10112x48xf32, #tpu.memory_space<hbm>>) target(%arg14 : memref<128x48xf32, #tpu.memory_space<vmem>>) offsets(%dma_start3A_455 : memref<128xi32, #tpu.memory_space<vmem>>) semaphore(%arg23 : memref<!tpu.dma_semaphore, #tpu.memory_space<semaphore_mem>>)
      %mul3A_459 = arith.constant 8 : i32
      %mul3A_460 = arith.muli %mul3A_459, %scan3A_231 : i32
      %add3A_461 = arith.constant 4 : i32
      %add3A_462 = arith.addi %mul3A_460, %add3A_461 : i32
      %add3A_463 = arith.constant 6 : i32
      %add3A_464 = arith.addi %add3A_462, %add3A_463 : i32
      %dma_wait3A_465 = arith.constant 0 : i32
      %dma_wait3A_466 = tpu.memref_slice %arg7[%add3A_464, %dma_wait3A_465] : memref<80x128xi32, #tpu.memory_space<vmem>> -> memref<1x128xi32, #tpu.memory_space<vmem>>
      %dma_wait3A_467 = tpu.memref_squeeze %dma_wait3A_466 : memref<1x128xi32, #tpu.memory_space<vmem>> -> memref<128xi32, #tpu.memory_space<vmem>>
      %dma_wait3A_468 = arith.constant 0 : i32
      %dma_wait3A_469 = arith.constant 0 : i32
      %dma_wait3A_470 = tpu.memref_slice %arg4[%dma_wait3A_468, %dma_wait3A_469] : memref<10112x48xf32, #tpu.memory_space<hbm>> -> memref<10112x48xf32, #tpu.memory_space<hbm>>
      tpu.wait_indirect_dma semaphore(%arg20 : memref<!tpu.dma_semaphore, #tpu.memory_space<semaphore_mem>>) src(%dma_wait3A_470 : memref<10112x48xf32, #tpu.memory_space<hbm>>) dst(%arg11 : memref<128x48xf32, #tpu.memory_space<vmem>>)
      %dma_start3A_471 = arith.constant 0 : i32
      %dma_start3A_472 = tpu.memref_slice %arg8[%add3A_464, %dma_start3A_471] : memref<80x128xi32, #tpu.memory_space<vmem>> -> memref<1x128xi32, #tpu.memory_space<vmem>>
      %dma_start3A_473 = tpu.memref_squeeze %dma_start3A_472 : memref<1x128xi32, #tpu.memory_space<vmem>> -> memref<128xi32, #tpu.memory_space<vmem>>
      %dma_start3A_474 = arith.constant 0 : i32
      %dma_start3A_475 = arith.constant 0 : i32
      %dma_start3A_476 = tpu.memref_slice %arg17[%dma_start3A_474, %dma_start3A_475] : memref<10112x48xf32, #tpu.memory_space<vmem_shared>> -> memref<10112x48xf32, #tpu.memory_space<vmem_shared>>
      tpu.enqueue_indirect_dma source(%arg11 : memref<128x48xf32, #tpu.memory_space<vmem>>) target(%dma_start3A_476 : memref<10112x48xf32, #tpu.memory_space<vmem_shared>>) offsets(%dma_start3A_473 : memref<128xi32, #tpu.memory_space<vmem>>) semaphore(%arg28 : memref<!tpu.dma_semaphore, #tpu.memory_space<semaphore_mem>>) {add = true}
      %sub3A_477 = arith.constant 4 : i32
      %sub3A_478 = arith.subi %add3A_464, %sub3A_477 : i32
      %sub3A_479 = arith.constant 4 : i32
      %sub3A_480 = arith.subi %add3A_464, %sub3A_479 : i32
      %dma_wait3A_481 = arith.constant 0 : i32
      %dma_wait3A_482 = tpu.memref_slice %arg8[%sub3A_480, %dma_wait3A_481] : memref<80x128xi32, #tpu.memory_space<vmem>> -> memref<1x128xi32, #tpu.memory_space<vmem>>
      %dma_wait3A_483 = tpu.memref_squeeze %dma_wait3A_482 : memref<1x128xi32, #tpu.memory_space<vmem>> -> memref<128xi32, #tpu.memory_space<vmem>>
      %dma_wait3A_484 = arith.constant 0 : i32
      %dma_wait3A_485 = arith.constant 0 : i32
      %dma_wait3A_486 = tpu.memref_slice %arg17[%dma_wait3A_484, %dma_wait3A_485] : memref<10112x48xf32, #tpu.memory_space<vmem_shared>> -> memref<10112x48xf32, #tpu.memory_space<vmem_shared>>
      tpu.wait_indirect_dma semaphore(%arg32 : memref<!tpu.dma_semaphore, #tpu.memory_space<semaphore_mem>>) src(%arg15 : memref<128x48xf32, #tpu.memory_space<vmem>>) dst(%dma_wait3A_486 : memref<10112x48xf32, #tpu.memory_space<vmem_shared>>)
      %add3A_487 = arith.constant 4 : i32
      %add3A_488 = arith.addi %add3A_464, %add3A_487 : i32
      %add3A_489 = arith.constant 4 : i32
      %add3A_490 = arith.addi %add3A_464, %add3A_489 : i32
      %dma_start3A_491 = arith.constant 0 : i32
      %dma_start3A_492 = tpu.memref_slice %arg7[%add3A_490, %dma_start3A_491] : memref<80x128xi32, #tpu.memory_space<vmem>> -> memref<1x128xi32, #tpu.memory_space<vmem>>
      %dma_start3A_493 = tpu.memref_squeeze %dma_start3A_492 : memref<1x128xi32, #tpu.memory_space<vmem>> -> memref<128xi32, #tpu.memory_space<vmem>>
      %dma_start3A_494 = arith.constant 0 : i32
      %dma_start3A_495 = arith.constant 0 : i32
      %dma_start3A_496 = tpu.memref_slice %arg4[%dma_start3A_494, %dma_start3A_495] : memref<10112x48xf32, #tpu.memory_space<hbm>> -> memref<10112x48xf32, #tpu.memory_space<hbm>>
      tpu.enqueue_indirect_dma source(%dma_start3A_496 : memref<10112x48xf32, #tpu.memory_space<hbm>>) target(%arg15 : memref<128x48xf32, #tpu.memory_space<vmem>>) offsets(%dma_start3A_493 : memref<128xi32, #tpu.memory_space<vmem>>) semaphore(%arg24 : memref<!tpu.dma_semaphore, #tpu.memory_space<semaphore_mem>>)
      %mul3A_497 = arith.constant 8 : i32
      %mul3A_498 = arith.muli %mul3A_497, %scan3A_231 : i32
      %add3A_499 = arith.constant 4 : i32
      %add3A_500 = arith.addi %mul3A_498, %add3A_499 : i32
      %add3A_501 = arith.constant 7 : i32
      %add3A_502 = arith.addi %add3A_500, %add3A_501 : i32
      %dma_wait3A_503 = arith.constant 0 : i32
      %dma_wait3A_504 = tpu.memref_slice %arg7[%add3A_502, %dma_wait3A_503] : memref<80x128xi32, #tpu.memory_space<vmem>> -> memref<1x128xi32, #tpu.memory_space<vmem>>
      %dma_wait3A_505 = tpu.memref_squeeze %dma_wait3A_504 : memref<1x128xi32, #tpu.memory_space<vmem>> -> memref<128xi32, #tpu.memory_space<vmem>>
      %dma_wait3A_506 = arith.constant 0 : i32
      %dma_wait3A_507 = arith.constant 0 : i32
      %dma_wait3A_508 = tpu.memref_slice %arg4[%dma_wait3A_506, %dma_wait3A_507] : memref<10112x48xf32, #tpu.memory_space<hbm>> -> memref<10112x48xf32, #tpu.memory_space<hbm>>
      tpu.wait_indirect_dma semaphore(%arg21 : memref<!tpu.dma_semaphore, #tpu.memory_space<semaphore_mem>>) src(%dma_wait3A_508 : memref<10112x48xf32, #tpu.memory_space<hbm>>) dst(%arg12 : memref<128x48xf32, #tpu.memory_space<vmem>>)
      %dma_start3A_509 = arith.constant 0 : i32
      %dma_start3A_510 = tpu.memref_slice %arg8[%add3A_502, %dma_start3A_509] : memref<80x128xi32, #tpu.memory_space<vmem>> -> memref<1x128xi32, #tpu.memory_space<vmem>>
      %dma_start3A_511 = tpu.memref_squeeze %dma_start3A_510 : memref<1x128xi32, #tpu.memory_space<vmem>> -> memref<128xi32, #tpu.memory_space<vmem>>
      %dma_start3A_512 = arith.constant 0 : i32
      %dma_start3A_513 = arith.constant 0 : i32
      %dma_start3A_514 = tpu.memref_slice %arg17[%dma_start3A_512, %dma_start3A_513] : memref<10112x48xf32, #tpu.memory_space<vmem_shared>> -> memref<10112x48xf32, #tpu.memory_space<vmem_shared>>
      tpu.enqueue_indirect_dma source(%arg12 : memref<128x48xf32, #tpu.memory_space<vmem>>) target(%dma_start3A_514 : memref<10112x48xf32, #tpu.memory_space<vmem_shared>>) offsets(%dma_start3A_511 : memref<128xi32, #tpu.memory_space<vmem>>) semaphore(%arg29 : memref<!tpu.dma_semaphore, #tpu.memory_space<semaphore_mem>>) {add = true}
      %sub3A_515 = arith.constant 4 : i32
      %sub3A_516 = arith.subi %add3A_502, %sub3A_515 : i32
      %sub3A_517 = arith.constant 4 : i32
      %sub3A_518 = arith.subi %add3A_502, %sub3A_517 : i32
      %dma_wait3A_519 = arith.constant 0 : i32
      %dma_wait3A_520 = tpu.memref_slice %arg8[%sub3A_518, %dma_wait3A_519] : memref<80x128xi32, #tpu.memory_space<vmem>> -> memref<1x128xi32, #tpu.memory_space<vmem>>
      %dma_wait3A_521 = tpu.memref_squeeze %dma_wait3A_520 : memref<1x128xi32, #tpu.memory_space<vmem>> -> memref<128xi32, #tpu.memory_space<vmem>>
      %dma_wait3A_522 = arith.constant 0 : i32
      %dma_wait3A_523 = arith.constant 0 : i32
      %dma_wait3A_524 = tpu.memref_slice %arg17[%dma_wait3A_522, %dma_wait3A_523] : memref<10112x48xf32, #tpu.memory_space<vmem_shared>> -> memref<10112x48xf32, #tpu.memory_space<vmem_shared>>
      tpu.wait_indirect_dma semaphore(%arg33 : memref<!tpu.dma_semaphore, #tpu.memory_space<semaphore_mem>>) src(%arg16 : memref<128x48xf32, #tpu.memory_space<vmem>>) dst(%dma_wait3A_524 : memref<10112x48xf32, #tpu.memory_space<vmem_shared>>)
      %add3A_525 = arith.constant 4 : i32
      %add3A_526 = arith.addi %add3A_502, %add3A_525 : i32
      %add3A_527 = arith.constant 4 : i32
      %add3A_528 = arith.addi %add3A_502, %add3A_527 : i32
      %dma_start3A_529 = arith.constant 0 : i32
      %dma_start3A_530 = tpu.memref_slice %arg7[%add3A_528, %dma_start3A_529] : memref<80x128xi32, #tpu.memory_space<vmem>> -> memref<1x128xi32, #tpu.memory_space<vmem>>
      %dma_start3A_531 = tpu.memref_squeeze %dma_start3A_530 : memref<1x128xi32, #tpu.memory_space<vmem>> -> memref<128xi32, #tpu.memory_space<vmem>>
      %dma_start3A_532 = arith.constant 0 : i32
      %dma_start3A_533 = arith.constant 0 : i32
      %dma_start3A_534 = tpu.memref_slice %arg4[%dma_start3A_532, %dma_start3A_533] : memref<10112x48xf32, #tpu.memory_space<hbm>> -> memref<10112x48xf32, #tpu.memory_space<hbm>>
      tpu.enqueue_indirect_dma source(%dma_start3A_534 : memref<10112x48xf32, #tpu.memory_space<hbm>>) target(%arg16 : memref<128x48xf32, #tpu.memory_space<vmem>>) offsets(%dma_start3A_531 : memref<128xi32, #tpu.memory_space<vmem>>) semaphore(%arg25 : memref<!tpu.dma_semaphore, #tpu.memory_space<semaphore_mem>>)
    }
    %scan3A_117 = arith.constant 9 : i32
    %dma_wait3A_118 = arith.constant 76 : i32
    %dma_wait3A_119 = arith.constant 0 : i32
    %dma_wait3A_120 = tpu.memref_slice %arg7[%dma_wait3A_118, %dma_wait3A_119] : memref<80x128xi32, #tpu.memory_space<vmem>> -> memref<1x128xi32, #tpu.memory_space<vmem>>
    %dma_wait3A_121 = tpu.memref_squeeze %dma_wait3A_120 : memref<1x128xi32, #tpu.memory_space<vmem>> -> memref<128xi32, #tpu.memory_space<vmem>>
    %dma_wait3A_122 = arith.constant 0 : i32
    %dma_wait3A_123 = arith.constant 0 : i32
    %dma_wait3A_124 = tpu.memref_slice %arg4[%dma_wait3A_122, %dma_wait3A_123] : memref<10112x48xf32, #tpu.memory_space<hbm>> -> memref<10112x48xf32, #tpu.memory_space<hbm>>
    tpu.wait_indirect_dma semaphore(%arg22 : memref<!tpu.dma_semaphore, #tpu.memory_space<semaphore_mem>>) src(%dma_wait3A_124 : memref<10112x48xf32, #tpu.memory_space<hbm>>) dst(%arg13 : memref<128x48xf32, #tpu.memory_space<vmem>>)
    %dma_start3A_125 = arith.constant 76 : i32
    %dma_start3A_126 = arith.constant 0 : i32
    %dma_start3A_127 = tpu.memref_slice %arg8[%dma_start3A_125, %dma_start3A_126] : memref<80x128xi32, #tpu.memory_space<vmem>> -> memref<1x128xi32, #tpu.memory_space<vmem>>
    %dma_start3A_128 = tpu.memref_squeeze %dma_start3A_127 : memref<1x128xi32, #tpu.memory_space<vmem>> -> memref<128xi32, #tpu.memory_space<vmem>>
    %dma_start3A_129 = arith.constant 0 : i32
    %dma_start3A_130 = arith.constant 0 : i32
    %dma_start3A_131 = tpu.memref_slice %arg17[%dma_start3A_129, %dma_start3A_130] : memref<10112x48xf32, #tpu.memory_space<vmem_shared>> -> memref<10112x48xf32, #tpu.memory_space<vmem_shared>>
    tpu.enqueue_indirect_dma source(%arg13 : memref<128x48xf32, #tpu.memory_space<vmem>>) target(%dma_start3A_131 : memref<10112x48xf32, #tpu.memory_space<vmem_shared>>) offsets(%dma_start3A_128 : memref<128xi32, #tpu.memory_space<vmem>>) semaphore(%arg30 : memref<!tpu.dma_semaphore, #tpu.memory_space<semaphore_mem>>) {add = true}
    %dma_wait3A_132 = arith.constant 77 : i32
    %dma_wait3A_133 = arith.constant 0 : i32
    %dma_wait3A_134 = tpu.memref_slice %arg7[%dma_wait3A_132, %dma_wait3A_133] : memref<80x128xi32, #tpu.memory_space<vmem>> -> memref<1x128xi32, #tpu.memory_space<vmem>>
    %dma_wait3A_135 = tpu.memref_squeeze %dma_wait3A_134 : memref<1x128xi32, #tpu.memory_space<vmem>> -> memref<128xi32, #tpu.memory_space<vmem>>
    %dma_wait3A_136 = arith.constant 0 : i32
    %dma_wait3A_137 = arith.constant 0 : i32
    %dma_wait3A_138 = tpu.memref_slice %arg4[%dma_wait3A_136, %dma_wait3A_137] : memref<10112x48xf32, #tpu.memory_space<hbm>> -> memref<10112x48xf32, #tpu.memory_space<hbm>>
    tpu.wait_indirect_dma semaphore(%arg23 : memref<!tpu.dma_semaphore, #tpu.memory_space<semaphore_mem>>) src(%dma_wait3A_138 : memref<10112x48xf32, #tpu.memory_space<hbm>>) dst(%arg14 : memref<128x48xf32, #tpu.memory_space<vmem>>)
    %dma_start3A_139 = arith.constant 77 : i32
    %dma_start3A_140 = arith.constant 0 : i32
    %dma_start3A_141 = tpu.memref_slice %arg8[%dma_start3A_139, %dma_start3A_140] : memref<80x128xi32, #tpu.memory_space<vmem>> -> memref<1x128xi32, #tpu.memory_space<vmem>>
    %dma_start3A_142 = tpu.memref_squeeze %dma_start3A_141 : memref<1x128xi32, #tpu.memory_space<vmem>> -> memref<128xi32, #tpu.memory_space<vmem>>
    %dma_start3A_143 = arith.constant 0 : i32
    %dma_start3A_144 = arith.constant 0 : i32
    %dma_start3A_145 = tpu.memref_slice %arg17[%dma_start3A_143, %dma_start3A_144] : memref<10112x48xf32, #tpu.memory_space<vmem_shared>> -> memref<10112x48xf32, #tpu.memory_space<vmem_shared>>
    tpu.enqueue_indirect_dma source(%arg14 : memref<128x48xf32, #tpu.memory_space<vmem>>) target(%dma_start3A_145 : memref<10112x48xf32, #tpu.memory_space<vmem_shared>>) offsets(%dma_start3A_142 : memref<128xi32, #tpu.memory_space<vmem>>) semaphore(%arg31 : memref<!tpu.dma_semaphore, #tpu.memory_space<semaphore_mem>>) {add = true}
    %dma_wait3A_146 = arith.constant 78 : i32
    %dma_wait3A_147 = arith.constant 0 : i32
    %dma_wait3A_148 = tpu.memref_slice %arg7[%dma_wait3A_146, %dma_wait3A_147] : memref<80x128xi32, #tpu.memory_space<vmem>> -> memref<1x128xi32, #tpu.memory_space<vmem>>
    %dma_wait3A_149 = tpu.memref_squeeze %dma_wait3A_148 : memref<1x128xi32, #tpu.memory_space<vmem>> -> memref<128xi32, #tpu.memory_space<vmem>>
    %dma_wait3A_150 = arith.constant 0 : i32
    %dma_wait3A_151 = arith.constant 0 : i32
    %dma_wait3A_152 = tpu.memref_slice %arg4[%dma_wait3A_150, %dma_wait3A_151] : memref<10112x48xf32, #tpu.memory_space<hbm>> -> memref<10112x48xf32, #tpu.memory_space<hbm>>
    tpu.wait_indirect_dma semaphore(%arg24 : memref<!tpu.dma_semaphore, #tpu.memory_space<semaphore_mem>>) src(%dma_wait3A_152 : memref<10112x48xf32, #tpu.memory_space<hbm>>) dst(%arg15 : memref<128x48xf32, #tpu.memory_space<vmem>>)
    %dma_start3A_153 = arith.constant 78 : i32
    %dma_start3A_154 = arith.constant 0 : i32
    %dma_start3A_155 = tpu.memref_slice %arg8[%dma_start3A_153, %dma_start3A_154] : memref<80x128xi32, #tpu.memory_space<vmem>> -> memref<1x128xi32, #tpu.memory_space<vmem>>
    %dma_start3A_156 = tpu.memref_squeeze %dma_start3A_155 : memref<1x128xi32, #tpu.memory_space<vmem>> -> memref<128xi32, #tpu.memory_space<vmem>>
    %dma_start3A_157 = arith.constant 0 : i32
    %dma_start3A_158 = arith.constant 0 : i32
    %dma_start3A_159 = tpu.memref_slice %arg17[%dma_start3A_157, %dma_start3A_158] : memref<10112x48xf32, #tpu.memory_space<vmem_shared>> -> memref<10112x48xf32, #tpu.memory_space<vmem_shared>>
    tpu.enqueue_indirect_dma source(%arg15 : memref<128x48xf32, #tpu.memory_space<vmem>>) target(%dma_start3A_159 : memref<10112x48xf32, #tpu.memory_space<vmem_shared>>) offsets(%dma_start3A_156 : memref<128xi32, #tpu.memory_space<vmem>>) semaphore(%arg32 : memref<!tpu.dma_semaphore, #tpu.memory_space<semaphore_mem>>) {add = true}
    %dma_wait3A_160 = arith.constant 79 : i32
    %dma_wait3A_161 = arith.constant 0 : i32
    %dma_wait3A_162 = tpu.memref_slice %arg7[%dma_wait3A_160, %dma_wait3A_161] : memref<80x128xi32, #tpu.memory_space<vmem>> -> memref<1x128xi32, #tpu.memory_space<vmem>>
    %dma_wait3A_163 = tpu.memref_squeeze %dma_wait3A_162 : memref<1x128xi32, #tpu.memory_space<vmem>> -> memref<128xi32, #tpu.memory_space<vmem>>
    %dma_wait3A_164 = arith.constant 0 : i32
    %dma_wait3A_165 = arith.constant 0 : i32
    %dma_wait3A_166 = tpu.memref_slice %arg4[%dma_wait3A_164, %dma_wait3A_165] : memref<10112x48xf32, #tpu.memory_space<hbm>> -> memref<10112x48xf32, #tpu.memory_space<hbm>>
    tpu.wait_indirect_dma semaphore(%arg25 : memref<!tpu.dma_semaphore, #tpu.memory_space<semaphore_mem>>) src(%dma_wait3A_166 : memref<10112x48xf32, #tpu.memory_space<hbm>>) dst(%arg16 : memref<128x48xf32, #tpu.memory_space<vmem>>)
    %dma_start3A_167 = arith.constant 79 : i32
    %dma_start3A_168 = arith.constant 0 : i32
    %dma_start3A_169 = tpu.memref_slice %arg8[%dma_start3A_167, %dma_start3A_168] : memref<80x128xi32, #tpu.memory_space<vmem>> -> memref<1x128xi32, #tpu.memory_space<vmem>>
    %dma_start3A_170 = tpu.memref_squeeze %dma_start3A_169 : memref<1x128xi32, #tpu.memory_space<vmem>> -> memref<128xi32, #tpu.memory_space<vmem>>
    %dma_start3A_171 = arith.constant 0 : i32
    %dma_start3A_172 = arith.constant 0 : i32
    %dma_start3A_173 = tpu.memref_slice %arg17[%dma_start3A_171, %dma_start3A_172] : memref<10112x48xf32, #tpu.memory_space<vmem_shared>> -> memref<10112x48xf32, #tpu.memory_space<vmem_shared>>
    tpu.enqueue_indirect_dma source(%arg16 : memref<128x48xf32, #tpu.memory_space<vmem>>) target(%dma_start3A_173 : memref<10112x48xf32, #tpu.memory_space<vmem_shared>>) offsets(%dma_start3A_170 : memref<128xi32, #tpu.memory_space<vmem>>) semaphore(%arg33 : memref<!tpu.dma_semaphore, #tpu.memory_space<semaphore_mem>>) {add = true}
    %dma_wait3A_174 = arith.constant 72 : i32
    %dma_wait3A_175 = arith.constant 0 : i32
    %dma_wait3A_176 = tpu.memref_slice %arg8[%dma_wait3A_174, %dma_wait3A_175] : memref<80x128xi32, #tpu.memory_space<vmem>> -> memref<1x128xi32, #tpu.memory_space<vmem>>
    %dma_wait3A_177 = tpu.memref_squeeze %dma_wait3A_176 : memref<1x128xi32, #tpu.memory_space<vmem>> -> memref<128xi32, #tpu.memory_space<vmem>>
    %dma_wait3A_178 = arith.constant 0 : i32
    %dma_wait3A_179 = arith.constant 0 : i32
    %dma_wait3A_180 = tpu.memref_slice %arg17[%dma_wait3A_178, %dma_wait3A_179] : memref<10112x48xf32, #tpu.memory_space<vmem_shared>> -> memref<10112x48xf32, #tpu.memory_space<vmem_shared>>
    tpu.wait_indirect_dma semaphore(%arg26 : memref<!tpu.dma_semaphore, #tpu.memory_space<semaphore_mem>>) src(%arg9 : memref<128x48xf32, #tpu.memory_space<vmem>>) dst(%dma_wait3A_180 : memref<10112x48xf32, #tpu.memory_space<vmem_shared>>)
    %dma_wait3A_181 = arith.constant 73 : i32
    %dma_wait3A_182 = arith.constant 0 : i32
    %dma_wait3A_183 = tpu.memref_slice %arg8[%dma_wait3A_181, %dma_wait3A_182] : memref<80x128xi32, #tpu.memory_space<vmem>> -> memref<1x128xi32, #tpu.memory_space<vmem>>
    %dma_wait3A_184 = tpu.memref_squeeze %dma_wait3A_183 : memref<1x128xi32, #tpu.memory_space<vmem>> -> memref<128xi32, #tpu.memory_space<vmem>>
    %dma_wait3A_185 = arith.constant 0 : i32
    %dma_wait3A_186 = arith.constant 0 : i32
    %dma_wait3A_187 = tpu.memref_slice %arg17[%dma_wait3A_185, %dma_wait3A_186] : memref<10112x48xf32, #tpu.memory_space<vmem_shared>> -> memref<10112x48xf32, #tpu.memory_space<vmem_shared>>
    tpu.wait_indirect_dma semaphore(%arg27 : memref<!tpu.dma_semaphore, #tpu.memory_space<semaphore_mem>>) src(%arg10 : memref<128x48xf32, #tpu.memory_space<vmem>>) dst(%dma_wait3A_187 : memref<10112x48xf32, #tpu.memory_space<vmem_shared>>)
    %dma_wait3A_188 = arith.constant 74 : i32
    %dma_wait3A_189 = arith.constant 0 : i32
    %dma_wait3A_190 = tpu.memref_slice %arg8[%dma_wait3A_188, %dma_wait3A_189] : memref<80x128xi32, #tpu.memory_space<vmem>> -> memref<1x128xi32, #tpu.memory_space<vmem>>
    %dma_wait3A_191 = tpu.memref_squeeze %dma_wait3A_190 : memref<1x128xi32, #tpu.memory_space<vmem>> -> memref<128xi32, #tpu.memory_space<vmem>>
    %dma_wait3A_192 = arith.constant 0 : i32
    %dma_wait3A_193 = arith.constant 0 : i32
    %dma_wait3A_194 = tpu.memref_slice %arg17[%dma_wait3A_192, %dma_wait3A_193] : memref<10112x48xf32, #tpu.memory_space<vmem_shared>> -> memref<10112x48xf32, #tpu.memory_space<vmem_shared>>
    tpu.wait_indirect_dma semaphore(%arg28 : memref<!tpu.dma_semaphore, #tpu.memory_space<semaphore_mem>>) src(%arg11 : memref<128x48xf32, #tpu.memory_space<vmem>>) dst(%dma_wait3A_194 : memref<10112x48xf32, #tpu.memory_space<vmem_shared>>)
    %dma_wait3A_195 = arith.constant 75 : i32
    %dma_wait3A_196 = arith.constant 0 : i32
    %dma_wait3A_197 = tpu.memref_slice %arg8[%dma_wait3A_195, %dma_wait3A_196] : memref<80x128xi32, #tpu.memory_space<vmem>> -> memref<1x128xi32, #tpu.memory_space<vmem>>
    %dma_wait3A_198 = tpu.memref_squeeze %dma_wait3A_197 : memref<1x128xi32, #tpu.memory_space<vmem>> -> memref<128xi32, #tpu.memory_space<vmem>>
    %dma_wait3A_199 = arith.constant 0 : i32
    %dma_wait3A_200 = arith.constant 0 : i32
    %dma_wait3A_201 = tpu.memref_slice %arg17[%dma_wait3A_199, %dma_wait3A_200] : memref<10112x48xf32, #tpu.memory_space<vmem_shared>> -> memref<10112x48xf32, #tpu.memory_space<vmem_shared>>
    tpu.wait_indirect_dma semaphore(%arg29 : memref<!tpu.dma_semaphore, #tpu.memory_space<semaphore_mem>>) src(%arg12 : memref<128x48xf32, #tpu.memory_space<vmem>>) dst(%dma_wait3A_201 : memref<10112x48xf32, #tpu.memory_space<vmem_shared>>)
    %dma_wait3A_202 = arith.constant 76 : i32
    %dma_wait3A_203 = arith.constant 0 : i32
    %dma_wait3A_204 = tpu.memref_slice %arg8[%dma_wait3A_202, %dma_wait3A_203] : memref<80x128xi32, #tpu.memory_space<vmem>> -> memref<1x128xi32, #tpu.memory_space<vmem>>
    %dma_wait3A_205 = tpu.memref_squeeze %dma_wait3A_204 : memref<1x128xi32, #tpu.memory_space<vmem>> -> memref<128xi32, #tpu.memory_space<vmem>>
    %dma_wait3A_206 = arith.constant 0 : i32
    %dma_wait3A_207 = arith.constant 0 : i32
    %dma_wait3A_208 = tpu.memref_slice %arg17[%dma_wait3A_206, %dma_wait3A_207] : memref<10112x48xf32, #tpu.memory_space<vmem_shared>> -> memref<10112x48xf32, #tpu.memory_space<vmem_shared>>
    tpu.wait_indirect_dma semaphore(%arg30 : memref<!tpu.dma_semaphore, #tpu.memory_space<semaphore_mem>>) src(%arg13 : memref<128x48xf32, #tpu.memory_space<vmem>>) dst(%dma_wait3A_208 : memref<10112x48xf32, #tpu.memory_space<vmem_shared>>)
    %dma_wait3A_209 = arith.constant 77 : i32
    %dma_wait3A_210 = arith.constant 0 : i32
    %dma_wait3A_211 = tpu.memref_slice %arg8[%dma_wait3A_209, %dma_wait3A_210] : memref<80x128xi32, #tpu.memory_space<vmem>> -> memref<1x128xi32, #tpu.memory_space<vmem>>
    %dma_wait3A_212 = tpu.memref_squeeze %dma_wait3A_211 : memref<1x128xi32, #tpu.memory_space<vmem>> -> memref<128xi32, #tpu.memory_space<vmem>>
    %dma_wait3A_213 = arith.constant 0 : i32
    %dma_wait3A_214 = arith.constant 0 : i32
    %dma_wait3A_215 = tpu.memref_slice %arg17[%dma_wait3A_213, %dma_wait3A_214] : memref<10112x48xf32, #tpu.memory_space<vmem_shared>> -> memref<10112x48xf32, #tpu.memory_space<vmem_shared>>
    tpu.wait_indirect_dma semaphore(%arg31 : memref<!tpu.dma_semaphore, #tpu.memory_space<semaphore_mem>>) src(%arg14 : memref<128x48xf32, #tpu.memory_space<vmem>>) dst(%dma_wait3A_215 : memref<10112x48xf32, #tpu.memory_space<vmem_shared>>)
    %dma_wait3A_216 = arith.constant 78 : i32
    %dma_wait3A_217 = arith.constant 0 : i32
    %dma_wait3A_218 = tpu.memref_slice %arg8[%dma_wait3A_216, %dma_wait3A_217] : memref<80x128xi32, #tpu.memory_space<vmem>> -> memref<1x128xi32, #tpu.memory_space<vmem>>
    %dma_wait3A_219 = tpu.memref_squeeze %dma_wait3A_218 : memref<1x128xi32, #tpu.memory_space<vmem>> -> memref<128xi32, #tpu.memory_space<vmem>>
    %dma_wait3A_220 = arith.constant 0 : i32
    %dma_wait3A_221 = arith.constant 0 : i32
    %dma_wait3A_222 = tpu.memref_slice %arg17[%dma_wait3A_220, %dma_wait3A_221] : memref<10112x48xf32, #tpu.memory_space<vmem_shared>> -> memref<10112x48xf32, #tpu.memory_space<vmem_shared>>
    tpu.wait_indirect_dma semaphore(%arg32 : memref<!tpu.dma_semaphore, #tpu.memory_space<semaphore_mem>>) src(%arg15 : memref<128x48xf32, #tpu.memory_space<vmem>>) dst(%dma_wait3A_222 : memref<10112x48xf32, #tpu.memory_space<vmem_shared>>)
    %dma_wait3A_223 = arith.constant 79 : i32
    %dma_wait3A_224 = arith.constant 0 : i32
    %dma_wait3A_225 = tpu.memref_slice %arg8[%dma_wait3A_223, %dma_wait3A_224] : memref<80x128xi32, #tpu.memory_space<vmem>> -> memref<1x128xi32, #tpu.memory_space<vmem>>
    %dma_wait3A_226 = tpu.memref_squeeze %dma_wait3A_225 : memref<1x128xi32, #tpu.memory_space<vmem>> -> memref<128xi32, #tpu.memory_space<vmem>>
    %dma_wait3A_227 = arith.constant 0 : i32
    %dma_wait3A_228 = arith.constant 0 : i32
    %dma_wait3A_229 = tpu.memref_slice %arg17[%dma_wait3A_227, %dma_wait3A_228] : memref<10112x48xf32, #tpu.memory_space<vmem_shared>> -> memref<10112x48xf32, #tpu.memory_space<vmem_shared>>
    tpu.wait_indirect_dma semaphore(%arg33 : memref<!tpu.dma_semaphore, #tpu.memory_space<semaphore_mem>>) src(%arg16 : memref<128x48xf32, #tpu.memory_space<vmem>>) dst(%dma_wait3A_229 : memref<10112x48xf32, #tpu.memory_space<vmem_shared>>)
    %barrier3A_230 = arith.constant 0 : index
    tpu.barrier barrier_id(%barrier3A_230)
    "tpu.region"() ({
      %run_scoped3A = tpu.sem_alloc : memref<!tpu.dma_semaphore, #tpu.memory_space<semaphore_mem>>
      %dma_start3A_231 = arith.constant 0 : i32
      %dma_start3A_232 = tpu.memref_slice %arg6[%arg0, %mul3A_2, %dma_start3A_231] : memref<2x10112x48xf32, #tpu.memory_space<hbm>> -> memref<1x632x48xf32, #tpu.memory_space<hbm>>
      %dma_start3A_233 = tpu.memref_squeeze %dma_start3A_232 : memref<1x632x48xf32, #tpu.memory_space<hbm>> -> memref<632x48xf32, #tpu.memory_space<hbm>>
      %dma_start3A_234 = arith.constant 0 : i32
      %dma_start3A_235 = tpu.memref_slice %arg17[%mul3A_2, %dma_start3A_234] : memref<10112x48xf32, #tpu.memory_space<vmem_shared>> -> memref<632x48xf32, #tpu.memory_space<vmem_shared>>
      tpu.enqueue_dma source(%dma_start3A_235 : memref<632x48xf32, #tpu.memory_space<vmem_shared>>) target(%dma_start3A_233 : memref<632x48xf32, #tpu.memory_space<hbm>>) target_semaphore(%run_scoped3A : memref<!tpu.dma_semaphore, #tpu.memory_space<semaphore_mem>>)
      %dma_wait3A_236 = arith.constant 0 : i32
      %dma_wait3A_237 = tpu.memref_slice %arg6[%arg0, %mul3A_2, %dma_wait3A_236] : memref<2x10112x48xf32, #tpu.memory_space<hbm>> -> memref<1x632x48xf32, #tpu.memory_space<hbm>>
      %dma_wait3A_238 = tpu.memref_squeeze %dma_wait3A_237 : memref<1x632x48xf32, #tpu.memory_space<hbm>> -> memref<632x48xf32, #tpu.memory_space<hbm>>
      %dma_wait3A_239 = arith.constant 0 : i32
      %dma_wait3A_240 = tpu.memref_slice %arg17[%mul3A_2, %dma_wait3A_239] : memref<10112x48xf32, #tpu.memory_space<vmem_shared>> -> memref<632x48xf32, #tpu.memory_space<vmem_shared>>
      tpu.wait_dma2 semaphore(%run_scoped3A : memref<!tpu.dma_semaphore, #tpu.memory_space<semaphore_mem>>) src(%dma_wait3A_240 : memref<632x48xf32, #tpu.memory_space<vmem_shared>>) dst(%dma_wait3A_238 : memref<632x48xf32, #tpu.memory_space<hbm>>)
      tpu.yield
    }) : () -> ()
    return
  }
}

#map = affine_map<(d0, d1) -> (0, 0, 0)>
#map1 = affine_map<(d0, d1) -> (0, 0)>
module attributes {stable_mosaic.version = 14 : i64} {
  func.func @_hop2_body(%arg0: i32, %arg1: i32, %arg2: memref<32x80x128xi32, #tpu.memory_space<hbm>>, %arg3: memref<32x80x128xi32, #tpu.memory_space<hbm>>, %arg4: memref<2x10112x48xf32, #tpu.memory_space<hbm>>, %arg5: memref<10112x48xf32, #tpu.memory_space<hbm>>, %arg6: memref<10112x16xf32, #tpu.memory_space<hbm>>, %arg7: memref<10112x48xf32, #tpu.memory_space<hbm>>, %arg8: memref<2x10112x48xf32, #tpu.memory_space<hbm>>, %arg9: memref<10112x48xf32, #tpu.memory_space<hbm>>, %arg10: memref<80x128xi32, #tpu.memory_space<vmem>>, %arg11: memref<80x128xi32, #tpu.memory_space<vmem>>, %arg12: memref<128x48xf32, #tpu.memory_space<vmem>>, %arg13: memref<128x48xf32, #tpu.memory_space<vmem>>, %arg14: memref<128x48xf32, #tpu.memory_space<vmem>>, %arg15: memref<128x48xf32, #tpu.memory_space<vmem>>, %arg16: memref<320x48xf32, #tpu.memory_space<vmem>>, %arg17: memref<320x48xf32, #tpu.memory_space<vmem>>, %arg18: memref<320x48xf32, #tpu.memory_space<vmem>>, %arg19: memref<320x16xf32, #tpu.memory_space<vmem>>, %arg20: memref<10112x48xf32, #tpu.memory_space<vmem_shared>>, %arg21: memref<!tpu.dma_semaphore, #tpu.memory_space<semaphore_mem>>, %arg22: memref<!tpu.dma_semaphore, #tpu.memory_space<semaphore_mem>>, %arg23: memref<!tpu.dma_semaphore, #tpu.memory_space<semaphore_mem>>, %arg24: memref<!tpu.dma_semaphore, #tpu.memory_space<semaphore_mem>>, %arg25: memref<!tpu.dma_semaphore, #tpu.memory_space<semaphore_mem>>, %arg26: memref<!tpu.dma_semaphore, #tpu.memory_space<semaphore_mem>>, %arg27: memref<!tpu.dma_semaphore, #tpu.memory_space<semaphore_mem>>, %arg28: memref<!tpu.dma_semaphore, #tpu.memory_space<semaphore_mem>>) attributes {dimension_semantics = [#tpu.dimension_semantics<core_parallel>, #tpu.dimension_semantics<subcore_parallel>], iteration_bounds = array<i64: 2, 16>, scalar_prefetch = 0 : i64, scratch_operands = 19 : i64, tpu.core_type = #tpu.core_type<sc_vector_subcore>, window_params = [{transform_indices = #map}, {transform_indices = #map}, {transform_indices = #map}, {transform_indices = #map1}, {transform_indices = #map1}, {transform_indices = #map1}, {transform_indices = #map}, {transform_indices = #map1}]} {
    %mul3A = arith.constant 16 : i32
    %mul3A_0 = arith.muli %arg0, %mul3A : i32
    %add3A = arith.addi %mul3A_0, %arg1 : i32
    "tpu.region"() ({
      %run_scoped3A_138 = tpu.sem_alloc : memref<!tpu.dma_semaphore, #tpu.memory_space<semaphore_mem>>
      %dma_start3A_139 = arith.constant 0 : i32
      %dma_start3A_140 = arith.constant 0 : i32
      %dma_start3A_141 = tpu.memref_slice %arg2[%add3A, %dma_start3A_139, %dma_start3A_140] : memref<32x80x128xi32, #tpu.memory_space<hbm>> -> memref<1x80x128xi32, #tpu.memory_space<hbm>>
      %dma_start3A_142 = tpu.memref_squeeze %dma_start3A_141 : memref<1x80x128xi32, #tpu.memory_space<hbm>> -> memref<80x128xi32, #tpu.memory_space<hbm>>
      %dma_start3A_143 = arith.constant 0 : i32
      %dma_start3A_144 = arith.constant 0 : i32
      %dma_start3A_145 = tpu.memref_slice %arg2[%add3A, %dma_start3A_143, %dma_start3A_144] : memref<32x80x128xi32, #tpu.memory_space<hbm>> -> memref<1x80x128xi32, #tpu.memory_space<hbm>>
      %dma_start3A_146 = tpu.memref_squeeze %dma_start3A_145 : memref<1x80x128xi32, #tpu.memory_space<hbm>> -> memref<80x128xi32, #tpu.memory_space<hbm>>
      tpu.enqueue_dma source(%dma_start3A_146 : memref<80x128xi32, #tpu.memory_space<hbm>>) target(%arg10 : memref<80x128xi32, #tpu.memory_space<vmem>>) target_semaphore(%run_scoped3A_138 : memref<!tpu.dma_semaphore, #tpu.memory_space<semaphore_mem>>)
      %dma_wait3A_147 = arith.constant 0 : i32
      %dma_wait3A_148 = arith.constant 0 : i32
      %dma_wait3A_149 = tpu.memref_slice %arg2[%add3A, %dma_wait3A_147, %dma_wait3A_148] : memref<32x80x128xi32, #tpu.memory_space<hbm>> -> memref<1x80x128xi32, #tpu.memory_space<hbm>>
      %dma_wait3A_150 = tpu.memref_squeeze %dma_wait3A_149 : memref<1x80x128xi32, #tpu.memory_space<hbm>> -> memref<80x128xi32, #tpu.memory_space<hbm>>
      %dma_wait3A_151 = arith.constant 0 : i32
      %dma_wait3A_152 = arith.constant 0 : i32
      %dma_wait3A_153 = tpu.memref_slice %arg2[%add3A, %dma_wait3A_151, %dma_wait3A_152] : memref<32x80x128xi32, #tpu.memory_space<hbm>> -> memref<1x80x128xi32, #tpu.memory_space<hbm>>
      %dma_wait3A_154 = tpu.memref_squeeze %dma_wait3A_153 : memref<1x80x128xi32, #tpu.memory_space<hbm>> -> memref<80x128xi32, #tpu.memory_space<hbm>>
      tpu.wait_dma2 semaphore(%run_scoped3A_138 : memref<!tpu.dma_semaphore, #tpu.memory_space<semaphore_mem>>) src(%dma_wait3A_154 : memref<80x128xi32, #tpu.memory_space<hbm>>) dst(%arg10 : memref<80x128xi32, #tpu.memory_space<vmem>>)
      tpu.yield
    }) : () -> ()
    "tpu.region"() ({
      %run_scoped3A_138 = tpu.sem_alloc : memref<!tpu.dma_semaphore, #tpu.memory_space<semaphore_mem>>
      %dma_start3A_139 = arith.constant 0 : i32
      %dma_start3A_140 = arith.constant 0 : i32
      %dma_start3A_141 = tpu.memref_slice %arg3[%add3A, %dma_start3A_139, %dma_start3A_140] : memref<32x80x128xi32, #tpu.memory_space<hbm>> -> memref<1x80x128xi32, #tpu.memory_space<hbm>>
      %dma_start3A_142 = tpu.memref_squeeze %dma_start3A_141 : memref<1x80x128xi32, #tpu.memory_space<hbm>> -> memref<80x128xi32, #tpu.memory_space<hbm>>
      %dma_start3A_143 = arith.constant 0 : i32
      %dma_start3A_144 = arith.constant 0 : i32
      %dma_start3A_145 = tpu.memref_slice %arg3[%add3A, %dma_start3A_143, %dma_start3A_144] : memref<32x80x128xi32, #tpu.memory_space<hbm>> -> memref<1x80x128xi32, #tpu.memory_space<hbm>>
      %dma_start3A_146 = tpu.memref_squeeze %dma_start3A_145 : memref<1x80x128xi32, #tpu.memory_space<hbm>> -> memref<80x128xi32, #tpu.memory_space<hbm>>
      tpu.enqueue_dma source(%dma_start3A_146 : memref<80x128xi32, #tpu.memory_space<hbm>>) target(%arg11 : memref<80x128xi32, #tpu.memory_space<vmem>>) target_semaphore(%run_scoped3A_138 : memref<!tpu.dma_semaphore, #tpu.memory_space<semaphore_mem>>)
      %dma_wait3A_147 = arith.constant 0 : i32
      %dma_wait3A_148 = arith.constant 0 : i32
      %dma_wait3A_149 = tpu.memref_slice %arg3[%add3A, %dma_wait3A_147, %dma_wait3A_148] : memref<32x80x128xi32, #tpu.memory_space<hbm>> -> memref<1x80x128xi32, #tpu.memory_space<hbm>>
      %dma_wait3A_150 = tpu.memref_squeeze %dma_wait3A_149 : memref<1x80x128xi32, #tpu.memory_space<hbm>> -> memref<80x128xi32, #tpu.memory_space<hbm>>
      %dma_wait3A_151 = arith.constant 0 : i32
      %dma_wait3A_152 = arith.constant 0 : i32
      %dma_wait3A_153 = tpu.memref_slice %arg3[%add3A, %dma_wait3A_151, %dma_wait3A_152] : memref<32x80x128xi32, #tpu.memory_space<hbm>> -> memref<1x80x128xi32, #tpu.memory_space<hbm>>
      %dma_wait3A_154 = tpu.memref_squeeze %dma_wait3A_153 : memref<1x80x128xi32, #tpu.memory_space<hbm>> -> memref<80x128xi32, #tpu.memory_space<hbm>>
      tpu.wait_dma2 semaphore(%run_scoped3A_138 : memref<!tpu.dma_semaphore, #tpu.memory_space<semaphore_mem>>) src(%dma_wait3A_154 : memref<80x128xi32, #tpu.memory_space<hbm>>) dst(%arg11 : memref<80x128xi32, #tpu.memory_space<vmem>>)
      tpu.yield
    }) : () -> ()
    %mul3A_1 = arith.constant 632 : i32
    %mul3A_2 = arith.muli %arg1, %mul3A_1 : i32
    "tpu.region"() ({
      %run_scoped3A_138 = tpu.sem_alloc : memref<!tpu.dma_semaphore, #tpu.memory_space<semaphore_mem>>
      %dma_start3A_139 = arith.constant 0 : i32
      %dma_start3A_140 = tpu.memref_slice %arg20[%mul3A_2, %dma_start3A_139] : memref<10112x48xf32, #tpu.memory_space<vmem_shared>> -> memref<632x48xf32, #tpu.memory_space<vmem_shared>>
      %dma_start3A_141 = arith.constant 0 : i32
      %dma_start3A_142 = tpu.memref_slice %arg7[%mul3A_2, %dma_start3A_141] : memref<10112x48xf32, #tpu.memory_space<hbm>> -> memref<632x48xf32, #tpu.memory_space<hbm>>
      tpu.enqueue_dma source(%dma_start3A_142 : memref<632x48xf32, #tpu.memory_space<hbm>>) target(%dma_start3A_140 : memref<632x48xf32, #tpu.memory_space<vmem_shared>>) target_semaphore(%run_scoped3A_138 : memref<!tpu.dma_semaphore, #tpu.memory_space<semaphore_mem>>)
      %dma_wait3A_143 = arith.constant 0 : i32
      %dma_wait3A_144 = tpu.memref_slice %arg20[%mul3A_2, %dma_wait3A_143] : memref<10112x48xf32, #tpu.memory_space<vmem_shared>> -> memref<632x48xf32, #tpu.memory_space<vmem_shared>>
      %dma_wait3A_145 = arith.constant 0 : i32
      %dma_wait3A_146 = tpu.memref_slice %arg7[%mul3A_2, %dma_wait3A_145] : memref<10112x48xf32, #tpu.memory_space<hbm>> -> memref<632x48xf32, #tpu.memory_space<hbm>>
      tpu.wait_dma2 semaphore(%run_scoped3A_138 : memref<!tpu.dma_semaphore, #tpu.memory_space<semaphore_mem>>) src(%dma_wait3A_146 : memref<632x48xf32, #tpu.memory_space<hbm>>) dst(%dma_wait3A_144 : memref<632x48xf32, #tpu.memory_space<vmem_shared>>)
      tpu.yield
    }) : () -> ()
    %add3A_3 = arith.constant 0 : i32
    %add3A_4 = arith.addi %mul3A_2, %add3A_3 : i32
    %run_scoped3A = arith.constant 0 : i32
    "tpu.region"() ({
      %run_scoped3A_138 = tpu.sem_alloc : memref<!tpu.dma_semaphore, #tpu.memory_space<semaphore_mem>>
      %dma_start3A_139 = arith.constant 0 : i32
      %dma_start3A_140 = arith.constant 0 : i32
      %dma_start3A_141 = tpu.memref_slice %arg16[%dma_start3A_139, %dma_start3A_140] : memref<320x48xf32, #tpu.memory_space<vmem>> -> memref<312x48xf32, #tpu.memory_space<vmem>>
      %dma_start3A_142 = arith.constant 0 : i32
      %dma_start3A_143 = tpu.memref_slice %arg4[%run_scoped3A, %add3A_4, %dma_start3A_142] : memref<2x10112x48xf32, #tpu.memory_space<hbm>> -> memref<1x312x48xf32, #tpu.memory_space<hbm>>
      %dma_start3A_144 = tpu.memref_squeeze %dma_start3A_143 : memref<1x312x48xf32, #tpu.memory_space<hbm>> -> memref<312x48xf32, #tpu.memory_space<hbm>>
      %dma_start3A_145 = arith.constant 0 : i32
      %dma_start3A_146 = arith.constant 0 : i32
      %dma_start3A_147 = tpu.memref_slice %arg16[%dma_start3A_145, %dma_start3A_146] : memref<320x48xf32, #tpu.memory_space<vmem>> -> memref<312x48xf32, #tpu.memory_space<vmem>>
      %dma_start3A_148 = arith.constant 0 : i32
      %dma_start3A_149 = tpu.memref_slice %arg4[%run_scoped3A, %add3A_4, %dma_start3A_148] : memref<2x10112x48xf32, #tpu.memory_space<hbm>> -> memref<1x312x48xf32, #tpu.memory_space<hbm>>
      %dma_start3A_150 = tpu.memref_squeeze %dma_start3A_149 : memref<1x312x48xf32, #tpu.memory_space<hbm>> -> memref<312x48xf32, #tpu.memory_space<hbm>>
      tpu.enqueue_dma source(%dma_start3A_150 : memref<312x48xf32, #tpu.memory_space<hbm>>) target(%dma_start3A_147 : memref<312x48xf32, #tpu.memory_space<vmem>>) target_semaphore(%run_scoped3A_138 : memref<!tpu.dma_semaphore, #tpu.memory_space<semaphore_mem>>)
      %dma_wait3A_151 = arith.constant 0 : i32
      %dma_wait3A_152 = arith.constant 0 : i32
      %dma_wait3A_153 = tpu.memref_slice %arg16[%dma_wait3A_151, %dma_wait3A_152] : memref<320x48xf32, #tpu.memory_space<vmem>> -> memref<312x48xf32, #tpu.memory_space<vmem>>
      %dma_wait3A_154 = arith.constant 0 : i32
      %dma_wait3A_155 = tpu.memref_slice %arg4[%run_scoped3A, %add3A_4, %dma_wait3A_154] : memref<2x10112x48xf32, #tpu.memory_space<hbm>> -> memref<1x312x48xf32, #tpu.memory_space<hbm>>
      %dma_wait3A_156 = tpu.memref_squeeze %dma_wait3A_155 : memref<1x312x48xf32, #tpu.memory_space<hbm>> -> memref<312x48xf32, #tpu.memory_space<hbm>>
      %dma_wait3A_157 = arith.constant 0 : i32
      %dma_wait3A_158 = arith.constant 0 : i32
      %dma_wait3A_159 = tpu.memref_slice %arg16[%dma_wait3A_157, %dma_wait3A_158] : memref<320x48xf32, #tpu.memory_space<vmem>> -> memref<312x48xf32, #tpu.memory_space<vmem>>
      %dma_wait3A_160 = arith.constant 0 : i32
      %dma_wait3A_161 = tpu.memref_slice %arg4[%run_scoped3A, %add3A_4, %dma_wait3A_160] : memref<2x10112x48xf32, #tpu.memory_space<hbm>> -> memref<1x312x48xf32, #tpu.memory_space<hbm>>
      %dma_wait3A_162 = tpu.memref_squeeze %dma_wait3A_161 : memref<1x312x48xf32, #tpu.memory_space<hbm>> -> memref<312x48xf32, #tpu.memory_space<hbm>>
      tpu.wait_dma2 semaphore(%run_scoped3A_138 : memref<!tpu.dma_semaphore, #tpu.memory_space<semaphore_mem>>) src(%dma_wait3A_162 : memref<312x48xf32, #tpu.memory_space<hbm>>) dst(%dma_wait3A_159 : memref<312x48xf32, #tpu.memory_space<vmem>>)
      tpu.yield
    }) : () -> ()
    %run_scoped3A_5 = arith.constant 1 : i32
    "tpu.region"() ({
      %run_scoped3A_138 = tpu.sem_alloc : memref<!tpu.dma_semaphore, #tpu.memory_space<semaphore_mem>>
      %dma_start3A_139 = arith.constant 0 : i32
      %dma_start3A_140 = arith.constant 0 : i32
      %dma_start3A_141 = tpu.memref_slice %arg17[%dma_start3A_139, %dma_start3A_140] : memref<320x48xf32, #tpu.memory_space<vmem>> -> memref<312x48xf32, #tpu.memory_space<vmem>>
      %dma_start3A_142 = arith.constant 0 : i32
      %dma_start3A_143 = tpu.memref_slice %arg4[%run_scoped3A_5, %add3A_4, %dma_start3A_142] : memref<2x10112x48xf32, #tpu.memory_space<hbm>> -> memref<1x312x48xf32, #tpu.memory_space<hbm>>
      %dma_start3A_144 = tpu.memref_squeeze %dma_start3A_143 : memref<1x312x48xf32, #tpu.memory_space<hbm>> -> memref<312x48xf32, #tpu.memory_space<hbm>>
      %dma_start3A_145 = arith.constant 0 : i32
      %dma_start3A_146 = arith.constant 0 : i32
      %dma_start3A_147 = tpu.memref_slice %arg17[%dma_start3A_145, %dma_start3A_146] : memref<320x48xf32, #tpu.memory_space<vmem>> -> memref<312x48xf32, #tpu.memory_space<vmem>>
      %dma_start3A_148 = arith.constant 0 : i32
      %dma_start3A_149 = tpu.memref_slice %arg4[%run_scoped3A_5, %add3A_4, %dma_start3A_148] : memref<2x10112x48xf32, #tpu.memory_space<hbm>> -> memref<1x312x48xf32, #tpu.memory_space<hbm>>
      %dma_start3A_150 = tpu.memref_squeeze %dma_start3A_149 : memref<1x312x48xf32, #tpu.memory_space<hbm>> -> memref<312x48xf32, #tpu.memory_space<hbm>>
      tpu.enqueue_dma source(%dma_start3A_150 : memref<312x48xf32, #tpu.memory_space<hbm>>) target(%dma_start3A_147 : memref<312x48xf32, #tpu.memory_space<vmem>>) target_semaphore(%run_scoped3A_138 : memref<!tpu.dma_semaphore, #tpu.memory_space<semaphore_mem>>)
      %dma_wait3A_151 = arith.constant 0 : i32
      %dma_wait3A_152 = arith.constant 0 : i32
      %dma_wait3A_153 = tpu.memref_slice %arg17[%dma_wait3A_151, %dma_wait3A_152] : memref<320x48xf32, #tpu.memory_space<vmem>> -> memref<312x48xf32, #tpu.memory_space<vmem>>
      %dma_wait3A_154 = arith.constant 0 : i32
      %dma_wait3A_155 = tpu.memref_slice %arg4[%run_scoped3A_5, %add3A_4, %dma_wait3A_154] : memref<2x10112x48xf32, #tpu.memory_space<hbm>> -> memref<1x312x48xf32, #tpu.memory_space<hbm>>
      %dma_wait3A_156 = tpu.memref_squeeze %dma_wait3A_155 : memref<1x312x48xf32, #tpu.memory_space<hbm>> -> memref<312x48xf32, #tpu.memory_space<hbm>>
      %dma_wait3A_157 = arith.constant 0 : i32
      %dma_wait3A_158 = arith.constant 0 : i32
      %dma_wait3A_159 = tpu.memref_slice %arg17[%dma_wait3A_157, %dma_wait3A_158] : memref<320x48xf32, #tpu.memory_space<vmem>> -> memref<312x48xf32, #tpu.memory_space<vmem>>
      %dma_wait3A_160 = arith.constant 0 : i32
      %dma_wait3A_161 = tpu.memref_slice %arg4[%run_scoped3A_5, %add3A_4, %dma_wait3A_160] : memref<2x10112x48xf32, #tpu.memory_space<hbm>> -> memref<1x312x48xf32, #tpu.memory_space<hbm>>
      %dma_wait3A_162 = tpu.memref_squeeze %dma_wait3A_161 : memref<1x312x48xf32, #tpu.memory_space<hbm>> -> memref<312x48xf32, #tpu.memory_space<hbm>>
      tpu.wait_dma2 semaphore(%run_scoped3A_138 : memref<!tpu.dma_semaphore, #tpu.memory_space<semaphore_mem>>) src(%dma_wait3A_162 : memref<312x48xf32, #tpu.memory_space<hbm>>) dst(%dma_wait3A_159 : memref<312x48xf32, #tpu.memory_space<vmem>>)
      tpu.yield
    }) : () -> ()
    "tpu.region"() ({
      %run_scoped3A_138 = tpu.sem_alloc : memref<!tpu.dma_semaphore, #tpu.memory_space<semaphore_mem>>
      %dma_start3A_139 = arith.constant 0 : i32
      %dma_start3A_140 = arith.constant 0 : i32
      %dma_start3A_141 = tpu.memref_slice %arg18[%dma_start3A_139, %dma_start3A_140] : memref<320x48xf32, #tpu.memory_space<vmem>> -> memref<312x48xf32, #tpu.memory_space<vmem>>
      %dma_start3A_142 = arith.constant 0 : i32
      %dma_start3A_143 = tpu.memref_slice %arg5[%add3A_4, %dma_start3A_142] : memref<10112x48xf32, #tpu.memory_space<hbm>> -> memref<312x48xf32, #tpu.memory_space<hbm>>
      %dma_start3A_144 = arith.constant 0 : i32
      %dma_start3A_145 = arith.constant 0 : i32
      %dma_start3A_146 = tpu.memref_slice %arg18[%dma_start3A_144, %dma_start3A_145] : memref<320x48xf32, #tpu.memory_space<vmem>> -> memref<312x48xf32, #tpu.memory_space<vmem>>
      %dma_start3A_147 = arith.constant 0 : i32
      %dma_start3A_148 = tpu.memref_slice %arg5[%add3A_4, %dma_start3A_147] : memref<10112x48xf32, #tpu.memory_space<hbm>> -> memref<312x48xf32, #tpu.memory_space<hbm>>
      tpu.enqueue_dma source(%dma_start3A_148 : memref<312x48xf32, #tpu.memory_space<hbm>>) target(%dma_start3A_146 : memref<312x48xf32, #tpu.memory_space<vmem>>) target_semaphore(%run_scoped3A_138 : memref<!tpu.dma_semaphore, #tpu.memory_space<semaphore_mem>>)
      %dma_wait3A_149 = arith.constant 0 : i32
      %dma_wait3A_150 = arith.constant 0 : i32
      %dma_wait3A_151 = tpu.memref_slice %arg18[%dma_wait3A_149, %dma_wait3A_150] : memref<320x48xf32, #tpu.memory_space<vmem>> -> memref<312x48xf32, #tpu.memory_space<vmem>>
      %dma_wait3A_152 = arith.constant 0 : i32
      %dma_wait3A_153 = tpu.memref_slice %arg5[%add3A_4, %dma_wait3A_152] : memref<10112x48xf32, #tpu.memory_space<hbm>> -> memref<312x48xf32, #tpu.memory_space<hbm>>
      %dma_wait3A_154 = arith.constant 0 : i32
      %dma_wait3A_155 = arith.constant 0 : i32
      %dma_wait3A_156 = tpu.memref_slice %arg18[%dma_wait3A_154, %dma_wait3A_155] : memref<320x48xf32, #tpu.memory_space<vmem>> -> memref<312x48xf32, #tpu.memory_space<vmem>>
      %dma_wait3A_157 = arith.constant 0 : i32
      %dma_wait3A_158 = tpu.memref_slice %arg5[%add3A_4, %dma_wait3A_157] : memref<10112x48xf32, #tpu.memory_space<hbm>> -> memref<312x48xf32, #tpu.memory_space<hbm>>
      tpu.wait_dma2 semaphore(%run_scoped3A_138 : memref<!tpu.dma_semaphore, #tpu.memory_space<semaphore_mem>>) src(%dma_wait3A_158 : memref<312x48xf32, #tpu.memory_space<hbm>>) dst(%dma_wait3A_156 : memref<312x48xf32, #tpu.memory_space<vmem>>)
      tpu.yield
    }) : () -> ()
    "tpu.region"() ({
      %run_scoped3A_138 = tpu.sem_alloc : memref<!tpu.dma_semaphore, #tpu.memory_space<semaphore_mem>>
      %dma_start3A_139 = arith.constant 0 : i32
      %dma_start3A_140 = arith.constant 0 : i32
      %dma_start3A_141 = tpu.memref_slice %arg19[%dma_start3A_139, %dma_start3A_140] : memref<320x16xf32, #tpu.memory_space<vmem>> -> memref<312x16xf32, #tpu.memory_space<vmem>>
      %dma_start3A_142 = arith.constant 0 : i32
      %dma_start3A_143 = tpu.memref_slice %arg6[%add3A_4, %dma_start3A_142] : memref<10112x16xf32, #tpu.memory_space<hbm>> -> memref<312x16xf32, #tpu.memory_space<hbm>>
      %dma_start3A_144 = arith.constant 0 : i32
      %dma_start3A_145 = arith.constant 0 : i32
      %dma_start3A_146 = tpu.memref_slice %arg19[%dma_start3A_144, %dma_start3A_145] : memref<320x16xf32, #tpu.memory_space<vmem>> -> memref<312x16xf32, #tpu.memory_space<vmem>>
      %dma_start3A_147 = arith.constant 0 : i32
      %dma_start3A_148 = tpu.memref_slice %arg6[%add3A_4, %dma_start3A_147] : memref<10112x16xf32, #tpu.memory_space<hbm>> -> memref<312x16xf32, #tpu.memory_space<hbm>>
      tpu.enqueue_dma source(%dma_start3A_148 : memref<312x16xf32, #tpu.memory_space<hbm>>) target(%dma_start3A_146 : memref<312x16xf32, #tpu.memory_space<vmem>>) target_semaphore(%run_scoped3A_138 : memref<!tpu.dma_semaphore, #tpu.memory_space<semaphore_mem>>)
      %dma_wait3A_149 = arith.constant 0 : i32
      %dma_wait3A_150 = arith.constant 0 : i32
      %dma_wait3A_151 = tpu.memref_slice %arg19[%dma_wait3A_149, %dma_wait3A_150] : memref<320x16xf32, #tpu.memory_space<vmem>> -> memref<312x16xf32, #tpu.memory_space<vmem>>
      %dma_wait3A_152 = arith.constant 0 : i32
      %dma_wait3A_153 = tpu.memref_slice %arg6[%add3A_4, %dma_wait3A_152] : memref<10112x16xf32, #tpu.memory_space<hbm>> -> memref<312x16xf32, #tpu.memory_space<hbm>>
      %dma_wait3A_154 = arith.constant 0 : i32
      %dma_wait3A_155 = arith.constant 0 : i32
      %dma_wait3A_156 = tpu.memref_slice %arg19[%dma_wait3A_154, %dma_wait3A_155] : memref<320x16xf32, #tpu.memory_space<vmem>> -> memref<312x16xf32, #tpu.memory_space<vmem>>
      %dma_wait3A_157 = arith.constant 0 : i32
      %dma_wait3A_158 = tpu.memref_slice %arg6[%add3A_4, %dma_wait3A_157] : memref<10112x16xf32, #tpu.memory_space<hbm>> -> memref<312x16xf32, #tpu.memory_space<hbm>>
      tpu.wait_dma2 semaphore(%run_scoped3A_138 : memref<!tpu.dma_semaphore, #tpu.memory_space<semaphore_mem>>) src(%dma_wait3A_158 : memref<312x16xf32, #tpu.memory_space<hbm>>) dst(%dma_wait3A_156 : memref<312x16xf32, #tpu.memory_space<vmem>>)
      tpu.yield
    }) : () -> ()
    %scan3A = arith.constant 0 : i32
    %scan3A_6 = arith.constant 0 : i32
    %scan3A_7 = arith.constant 312 : i32
    %scan3A_8 = arith.addi %scan3A_6, %scan3A_7 : i32
    %scan3A_9 = arith.constant 1 : i32
    scf.for %scan3A_138 = %scan3A_6 to %scan3A_8 step %scan3A_9  : i32 {
      %get3A = arith.index_cast %scan3A_138 : i32 to index
      %get3A_139 = arith.constant 0 : index
      %get3A_140 = tpu.vector_load %arg19[%get3A, %get3A_139] {strides = array<i32>} : memref<320x16xf32, #tpu.memory_space<vmem>>, vector<1x16xf32>,
      %get3A_141 = vector.shape_cast %get3A_140 : vector<1x16xf32> to vector<16xf32>
      %get3A_142 = arith.index_cast %scan3A_138 : i32 to index
      %get3A_143 = arith.constant 0 : index
      %get3A_144 = tpu.vector_load %arg16[%get3A_142, %get3A_143] {strides = array<i32>} : memref<320x48xf32, #tpu.memory_space<vmem>>, vector<1x16xf32>,
      %get3A_145 = vector.shape_cast %get3A_144 : vector<1x16xf32> to vector<16xf32>
      %get3A_146 = arith.index_cast %scan3A_138 : i32 to index
      %get3A_147 = arith.constant 0 : index
      %get3A_148 = tpu.vector_load %arg17[%get3A_146, %get3A_147] {strides = array<i32>} : memref<320x48xf32, #tpu.memory_space<vmem>>, vector<1x16xf32>,
      %get3A_149 = vector.shape_cast %get3A_148 : vector<1x16xf32> to vector<16xf32>
      %add3A_150 = arith.addf %get3A_145, %get3A_149 : vector<16xf32>
      %get3A_151 = arith.index_cast %scan3A_138 : i32 to index
      %get3A_152 = arith.constant 0 : index
      %get3A_153 = tpu.vector_load %arg18[%get3A_151, %get3A_152] {strides = array<i32>} : memref<320x48xf32, #tpu.memory_space<vmem>>, vector<1x16xf32>,
      %get3A_154 = vector.shape_cast %get3A_153 : vector<1x16xf32> to vector<16xf32>
      %add3A_155 = arith.addf %add3A_150, %get3A_154 : vector<16xf32>
      %mul3A_156 = arith.mulf %add3A_155, %get3A_141 : vector<16xf32>
      %swap3A = arith.index_cast %scan3A_138 : i32 to index
      %swap3A_157 = arith.constant 0 : index
      %swap3A_158 = tpu.vector_load %arg16[%swap3A, %swap3A_157] {strides = array<i32>} : memref<320x48xf32, #tpu.memory_space<vmem>>, vector<1x16xf32>,
      %swap3A_159 = vector.shape_cast %swap3A_158 : vector<1x16xf32> to vector<16xf32>
      %swap3A_160 = vector.shape_cast %mul3A_156 : vector<16xf32> to vector<1x16xf32>
      tpu.vector_store %arg16[%swap3A, %swap3A_157], %swap3A_160 {strides = array<i32>} : memref<320x48xf32, #tpu.memory_space<vmem>>, vector<1x16xf32>,
      %get3A_161 = arith.index_cast %scan3A_138 : i32 to index
      %get3A_162 = arith.constant 16 : index
      %get3A_163 = tpu.vector_load %arg16[%get3A_161, %get3A_162] {strides = array<i32>} : memref<320x48xf32, #tpu.memory_space<vmem>>, vector<1x16xf32>,
      %get3A_164 = vector.shape_cast %get3A_163 : vector<1x16xf32> to vector<16xf32>
      %get3A_165 = arith.index_cast %scan3A_138 : i32 to index
      %get3A_166 = arith.constant 16 : index
      %get3A_167 = tpu.vector_load %arg17[%get3A_165, %get3A_166] {strides = array<i32>} : memref<320x48xf32, #tpu.memory_space<vmem>>, vector<1x16xf32>,
      %get3A_168 = vector.shape_cast %get3A_167 : vector<1x16xf32> to vector<16xf32>
      %add3A_169 = arith.addf %get3A_164, %get3A_168 : vector<16xf32>
      %get3A_170 = arith.index_cast %scan3A_138 : i32 to index
      %get3A_171 = arith.constant 16 : index
      %get3A_172 = tpu.vector_load %arg18[%get3A_170, %get3A_171] {strides = array<i32>} : memref<320x48xf32, #tpu.memory_space<vmem>>, vector<1x16xf32>,
      %get3A_173 = vector.shape_cast %get3A_172 : vector<1x16xf32> to vector<16xf32>
      %add3A_174 = arith.addf %add3A_169, %get3A_173 : vector<16xf32>
      %mul3A_175 = arith.mulf %add3A_174, %get3A_141 : vector<16xf32>
      %swap3A_176 = arith.index_cast %scan3A_138 : i32 to index
      %swap3A_177 = arith.constant 16 : index
      %swap3A_178 = tpu.vector_load %arg16[%swap3A_176, %swap3A_177] {strides = array<i32>} : memref<320x48xf32, #tpu.memory_space<vmem>>, vector<1x16xf32>,
      %swap3A_179 = vector.shape_cast %swap3A_178 : vector<1x16xf32> to vector<16xf32>
      %swap3A_180 = vector.shape_cast %mul3A_175 : vector<16xf32> to vector<1x16xf32>
      tpu.vector_store %arg16[%swap3A_176, %swap3A_177], %swap3A_180 {strides = array<i32>} : memref<320x48xf32, #tpu.memory_space<vmem>>, vector<1x16xf32>,
      %get3A_181 = arith.index_cast %scan3A_138 : i32 to index
      %get3A_182 = arith.constant 32 : index
      %get3A_183 = tpu.vector_load %arg16[%get3A_181, %get3A_182] {strides = array<i32>} : memref<320x48xf32, #tpu.memory_space<vmem>>, vector<1x16xf32>,
      %get3A_184 = vector.shape_cast %get3A_183 : vector<1x16xf32> to vector<16xf32>
      %get3A_185 = arith.index_cast %scan3A_138 : i32 to index
      %get3A_186 = arith.constant 32 : index
      %get3A_187 = tpu.vector_load %arg17[%get3A_185, %get3A_186] {strides = array<i32>} : memref<320x48xf32, #tpu.memory_space<vmem>>, vector<1x16xf32>,
      %get3A_188 = vector.shape_cast %get3A_187 : vector<1x16xf32> to vector<16xf32>
      %add3A_189 = arith.addf %get3A_184, %get3A_188 : vector<16xf32>
      %get3A_190 = arith.index_cast %scan3A_138 : i32 to index
      %get3A_191 = arith.constant 32 : index
      %get3A_192 = tpu.vector_load %arg18[%get3A_190, %get3A_191] {strides = array<i32>} : memref<320x48xf32, #tpu.memory_space<vmem>>, vector<1x16xf32>,
      %get3A_193 = vector.shape_cast %get3A_192 : vector<1x16xf32> to vector<16xf32>
      %add3A_194 = arith.addf %add3A_189, %get3A_193 : vector<16xf32>
      %mul3A_195 = arith.mulf %add3A_194, %get3A_141 : vector<16xf32>
      %swap3A_196 = arith.index_cast %scan3A_138 : i32 to index
      %swap3A_197 = arith.constant 32 : index
      %swap3A_198 = tpu.vector_load %arg16[%swap3A_196, %swap3A_197] {strides = array<i32>} : memref<320x48xf32, #tpu.memory_space<vmem>>, vector<1x16xf32>,
      %swap3A_199 = vector.shape_cast %swap3A_198 : vector<1x16xf32> to vector<16xf32>
      %swap3A_200 = vector.shape_cast %mul3A_195 : vector<16xf32> to vector<1x16xf32>
      tpu.vector_store %arg16[%swap3A_196, %swap3A_197], %swap3A_200 {strides = array<i32>} : memref<320x48xf32, #tpu.memory_space<vmem>>, vector<1x16xf32>,
    }
    %scan3A_10 = arith.constant 312 : i32
    "tpu.region"() ({
      %run_scoped3A_138 = tpu.sem_alloc : memref<!tpu.dma_semaphore, #tpu.memory_space<semaphore_mem>>
      %dma_start3A_139 = arith.constant 0 : i32
      %dma_start3A_140 = arith.constant 0 : i32
      %dma_start3A_141 = tpu.memref_slice %arg16[%dma_start3A_139, %dma_start3A_140] : memref<320x48xf32, #tpu.memory_space<vmem>> -> memref<312x48xf32, #tpu.memory_space<vmem>>
      %dma_start3A_142 = arith.constant 0 : i32
      %dma_start3A_143 = tpu.memref_slice %arg9[%add3A_4, %dma_start3A_142] : memref<10112x48xf32, #tpu.memory_space<hbm>> -> memref<312x48xf32, #tpu.memory_space<hbm>>
      %dma_start3A_144 = arith.constant 0 : i32
      %dma_start3A_145 = tpu.memref_slice %arg9[%add3A_4, %dma_start3A_144] : memref<10112x48xf32, #tpu.memory_space<hbm>> -> memref<312x48xf32, #tpu.memory_space<hbm>>
      %dma_start3A_146 = arith.constant 0 : i32
      %dma_start3A_147 = arith.constant 0 : i32
      %dma_start3A_148 = tpu.memref_slice %arg16[%dma_start3A_146, %dma_start3A_147] : memref<320x48xf32, #tpu.memory_space<vmem>> -> memref<312x48xf32, #tpu.memory_space<vmem>>
      tpu.enqueue_dma source(%dma_start3A_148 : memref<312x48xf32, #tpu.memory_space<vmem>>) target(%dma_start3A_145 : memref<312x48xf32, #tpu.memory_space<hbm>>) target_semaphore(%run_scoped3A_138 : memref<!tpu.dma_semaphore, #tpu.memory_space<semaphore_mem>>)
      %dma_wait3A_149 = arith.constant 0 : i32
      %dma_wait3A_150 = arith.constant 0 : i32
      %dma_wait3A_151 = tpu.memref_slice %arg16[%dma_wait3A_149, %dma_wait3A_150] : memref<320x48xf32, #tpu.memory_space<vmem>> -> memref<312x48xf32, #tpu.memory_space<vmem>>
      %dma_wait3A_152 = arith.constant 0 : i32
      %dma_wait3A_153 = tpu.memref_slice %arg9[%add3A_4, %dma_wait3A_152] : memref<10112x48xf32, #tpu.memory_space<hbm>> -> memref<312x48xf32, #tpu.memory_space<hbm>>
      %dma_wait3A_154 = arith.constant 0 : i32
      %dma_wait3A_155 = tpu.memref_slice %arg9[%add3A_4, %dma_wait3A_154] : memref<10112x48xf32, #tpu.memory_space<hbm>> -> memref<312x48xf32, #tpu.memory_space<hbm>>
      %dma_wait3A_156 = arith.constant 0 : i32
      %dma_wait3A_157 = arith.constant 0 : i32
      %dma_wait3A_158 = tpu.memref_slice %arg16[%dma_wait3A_156, %dma_wait3A_157] : memref<320x48xf32, #tpu.memory_space<vmem>> -> memref<312x48xf32, #tpu.memory_space<vmem>>
      tpu.wait_dma2 semaphore(%run_scoped3A_138 : memref<!tpu.dma_semaphore, #tpu.memory_space<semaphore_mem>>) src(%dma_wait3A_158 : memref<312x48xf32, #tpu.memory_space<vmem>>) dst(%dma_wait3A_155 : memref<312x48xf32, #tpu.memory_space<hbm>>)
      tpu.yield
    }) : () -> ()
    %add3A_11 = arith.constant 312 : i32
    %add3A_12 = arith.addi %mul3A_2, %add3A_11 : i32
    %run_scoped3A_13 = arith.constant 0 : i32
    "tpu.region"() ({
      %run_scoped3A_138 = tpu.sem_alloc : memref<!tpu.dma_semaphore, #tpu.memory_space<semaphore_mem>>
      %dma_start3A_139 = arith.constant 0 : i32
      %dma_start3A_140 = arith.constant 0 : i32
      %dma_start3A_141 = tpu.memref_slice %arg16[%dma_start3A_139, %dma_start3A_140] : memref<320x48xf32, #tpu.memory_space<vmem>> -> memref<320x48xf32, #tpu.memory_space<vmem>>
      %dma_start3A_142 = arith.constant 0 : i32
      %dma_start3A_143 = tpu.memref_slice %arg4[%run_scoped3A_13, %add3A_12, %dma_start3A_142] : memref<2x10112x48xf32, #tpu.memory_space<hbm>> -> memref<1x320x48xf32, #tpu.memory_space<hbm>>
      %dma_start3A_144 = tpu.memref_squeeze %dma_start3A_143 : memref<1x320x48xf32, #tpu.memory_space<hbm>> -> memref<320x48xf32, #tpu.memory_space<hbm>>
      %dma_start3A_145 = arith.constant 0 : i32
      %dma_start3A_146 = arith.constant 0 : i32
      %dma_start3A_147 = tpu.memref_slice %arg16[%dma_start3A_145, %dma_start3A_146] : memref<320x48xf32, #tpu.memory_space<vmem>> -> memref<320x48xf32, #tpu.memory_space<vmem>>
      %dma_start3A_148 = arith.constant 0 : i32
      %dma_start3A_149 = tpu.memref_slice %arg4[%run_scoped3A_13, %add3A_12, %dma_start3A_148] : memref<2x10112x48xf32, #tpu.memory_space<hbm>> -> memref<1x320x48xf32, #tpu.memory_space<hbm>>
      %dma_start3A_150 = tpu.memref_squeeze %dma_start3A_149 : memref<1x320x48xf32, #tpu.memory_space<hbm>> -> memref<320x48xf32, #tpu.memory_space<hbm>>
      tpu.enqueue_dma source(%dma_start3A_150 : memref<320x48xf32, #tpu.memory_space<hbm>>) target(%dma_start3A_147 : memref<320x48xf32, #tpu.memory_space<vmem>>) target_semaphore(%run_scoped3A_138 : memref<!tpu.dma_semaphore, #tpu.memory_space<semaphore_mem>>)
      %dma_wait3A_151 = arith.constant 0 : i32
      %dma_wait3A_152 = arith.constant 0 : i32
      %dma_wait3A_153 = tpu.memref_slice %arg16[%dma_wait3A_151, %dma_wait3A_152] : memref<320x48xf32, #tpu.memory_space<vmem>> -> memref<320x48xf32, #tpu.memory_space<vmem>>
      %dma_wait3A_154 = arith.constant 0 : i32
      %dma_wait3A_155 = tpu.memref_slice %arg4[%run_scoped3A_13, %add3A_12, %dma_wait3A_154] : memref<2x10112x48xf32, #tpu.memory_space<hbm>> -> memref<1x320x48xf32, #tpu.memory_space<hbm>>
      %dma_wait3A_156 = tpu.memref_squeeze %dma_wait3A_155 : memref<1x320x48xf32, #tpu.memory_space<hbm>> -> memref<320x48xf32, #tpu.memory_space<hbm>>
      %dma_wait3A_157 = arith.constant 0 : i32
      %dma_wait3A_158 = arith.constant 0 : i32
      %dma_wait3A_159 = tpu.memref_slice %arg16[%dma_wait3A_157, %dma_wait3A_158] : memref<320x48xf32, #tpu.memory_space<vmem>> -> memref<320x48xf32, #tpu.memory_space<vmem>>
      %dma_wait3A_160 = arith.constant 0 : i32
      %dma_wait3A_161 = tpu.memref_slice %arg4[%run_scoped3A_13, %add3A_12, %dma_wait3A_160] : memref<2x10112x48xf32, #tpu.memory_space<hbm>> -> memref<1x320x48xf32, #tpu.memory_space<hbm>>
      %dma_wait3A_162 = tpu.memref_squeeze %dma_wait3A_161 : memref<1x320x48xf32, #tpu.memory_space<hbm>> -> memref<320x48xf32, #tpu.memory_space<hbm>>
      tpu.wait_dma2 semaphore(%run_scoped3A_138 : memref<!tpu.dma_semaphore, #tpu.memory_space<semaphore_mem>>) src(%dma_wait3A_162 : memref<320x48xf32, #tpu.memory_space<hbm>>) dst(%dma_wait3A_159 : memref<320x48xf32, #tpu.memory_space<vmem>>)
      tpu.yield
    }) : () -> ()
    %run_scoped3A_14 = arith.constant 1 : i32
    "tpu.region"() ({
      %run_scoped3A_138 = tpu.sem_alloc : memref<!tpu.dma_semaphore, #tpu.memory_space<semaphore_mem>>
      %dma_start3A_139 = arith.constant 0 : i32
      %dma_start3A_140 = arith.constant 0 : i32
      %dma_start3A_141 = tpu.memref_slice %arg17[%dma_start3A_139, %dma_start3A_140] : memref<320x48xf32, #tpu.memory_space<vmem>> -> memref<320x48xf32, #tpu.memory_space<vmem>>
      %dma_start3A_142 = arith.constant 0 : i32
      %dma_start3A_143 = tpu.memref_slice %arg4[%run_scoped3A_14, %add3A_12, %dma_start3A_142] : memref<2x10112x48xf32, #tpu.memory_space<hbm>> -> memref<1x320x48xf32, #tpu.memory_space<hbm>>
      %dma_start3A_144 = tpu.memref_squeeze %dma_start3A_143 : memref<1x320x48xf32, #tpu.memory_space<hbm>> -> memref<320x48xf32, #tpu.memory_space<hbm>>
      %dma_start3A_145 = arith.constant 0 : i32
      %dma_start3A_146 = arith.constant 0 : i32
      %dma_start3A_147 = tpu.memref_slice %arg17[%dma_start3A_145, %dma_start3A_146] : memref<320x48xf32, #tpu.memory_space<vmem>> -> memref<320x48xf32, #tpu.memory_space<vmem>>
      %dma_start3A_148 = arith.constant 0 : i32
      %dma_start3A_149 = tpu.memref_slice %arg4[%run_scoped3A_14, %add3A_12, %dma_start3A_148] : memref<2x10112x48xf32, #tpu.memory_space<hbm>> -> memref<1x320x48xf32, #tpu.memory_space<hbm>>
      %dma_start3A_150 = tpu.memref_squeeze %dma_start3A_149 : memref<1x320x48xf32, #tpu.memory_space<hbm>> -> memref<320x48xf32, #tpu.memory_space<hbm>>
      tpu.enqueue_dma source(%dma_start3A_150 : memref<320x48xf32, #tpu.memory_space<hbm>>) target(%dma_start3A_147 : memref<320x48xf32, #tpu.memory_space<vmem>>) target_semaphore(%run_scoped3A_138 : memref<!tpu.dma_semaphore, #tpu.memory_space<semaphore_mem>>)
      %dma_wait3A_151 = arith.constant 0 : i32
      %dma_wait3A_152 = arith.constant 0 : i32
      %dma_wait3A_153 = tpu.memref_slice %arg17[%dma_wait3A_151, %dma_wait3A_152] : memref<320x48xf32, #tpu.memory_space<vmem>> -> memref<320x48xf32, #tpu.memory_space<vmem>>
      %dma_wait3A_154 = arith.constant 0 : i32
      %dma_wait3A_155 = tpu.memref_slice %arg4[%run_scoped3A_14, %add3A_12, %dma_wait3A_154] : memref<2x10112x48xf32, #tpu.memory_space<hbm>> -> memref<1x320x48xf32, #tpu.memory_space<hbm>>
      %dma_wait3A_156 = tpu.memref_squeeze %dma_wait3A_155 : memref<1x320x48xf32, #tpu.memory_space<hbm>> -> memref<320x48xf32, #tpu.memory_space<hbm>>
      %dma_wait3A_157 = arith.constant 0 : i32
      %dma_wait3A_158 = arith.constant 0 : i32
      %dma_wait3A_159 = tpu.memref_slice %arg17[%dma_wait3A_157, %dma_wait3A_158] : memref<320x48xf32, #tpu.memory_space<vmem>> -> memref<320x48xf32, #tpu.memory_space<vmem>>
      %dma_wait3A_160 = arith.constant 0 : i32
      %dma_wait3A_161 = tpu.memref_slice %arg4[%run_scoped3A_14, %add3A_12, %dma_wait3A_160] : memref<2x10112x48xf32, #tpu.memory_space<hbm>> -> memref<1x320x48xf32, #tpu.memory_space<hbm>>
      %dma_wait3A_162 = tpu.memref_squeeze %dma_wait3A_161 : memref<1x320x48xf32, #tpu.memory_space<hbm>> -> memref<320x48xf32, #tpu.memory_space<hbm>>
      tpu.wait_dma2 semaphore(%run_scoped3A_138 : memref<!tpu.dma_semaphore, #tpu.memory_space<semaphore_mem>>) src(%dma_wait3A_162 : memref<320x48xf32, #tpu.memory_space<hbm>>) dst(%dma_wait3A_159 : memref<320x48xf32, #tpu.memory_space<vmem>>)
      tpu.yield
    }) : () -> ()
    "tpu.region"() ({
      %run_scoped3A_138 = tpu.sem_alloc : memref<!tpu.dma_semaphore, #tpu.memory_space<semaphore_mem>>
      %dma_start3A_139 = arith.constant 0 : i32
      %dma_start3A_140 = arith.constant 0 : i32
      %dma_start3A_141 = tpu.memref_slice %arg18[%dma_start3A_139, %dma_start3A_140] : memref<320x48xf32, #tpu.memory_space<vmem>> -> memref<320x48xf32, #tpu.memory_space<vmem>>
      %dma_start3A_142 = arith.constant 0 : i32
      %dma_start3A_143 = tpu.memref_slice %arg5[%add3A_12, %dma_start3A_142] : memref<10112x48xf32, #tpu.memory_space<hbm>> -> memref<320x48xf32, #tpu.memory_space<hbm>>
      %dma_start3A_144 = arith.constant 0 : i32
      %dma_start3A_145 = arith.constant 0 : i32
      %dma_start3A_146 = tpu.memref_slice %arg18[%dma_start3A_144, %dma_start3A_145] : memref<320x48xf32, #tpu.memory_space<vmem>> -> memref<320x48xf32, #tpu.memory_space<vmem>>
      %dma_start3A_147 = arith.constant 0 : i32
      %dma_start3A_148 = tpu.memref_slice %arg5[%add3A_12, %dma_start3A_147] : memref<10112x48xf32, #tpu.memory_space<hbm>> -> memref<320x48xf32, #tpu.memory_space<hbm>>
      tpu.enqueue_dma source(%dma_start3A_148 : memref<320x48xf32, #tpu.memory_space<hbm>>) target(%dma_start3A_146 : memref<320x48xf32, #tpu.memory_space<vmem>>) target_semaphore(%run_scoped3A_138 : memref<!tpu.dma_semaphore, #tpu.memory_space<semaphore_mem>>)
      %dma_wait3A_149 = arith.constant 0 : i32
      %dma_wait3A_150 = arith.constant 0 : i32
      %dma_wait3A_151 = tpu.memref_slice %arg18[%dma_wait3A_149, %dma_wait3A_150] : memref<320x48xf32, #tpu.memory_space<vmem>> -> memref<320x48xf32, #tpu.memory_space<vmem>>
      %dma_wait3A_152 = arith.constant 0 : i32
      %dma_wait3A_153 = tpu.memref_slice %arg5[%add3A_12, %dma_wait3A_152] : memref<10112x48xf32, #tpu.memory_space<hbm>> -> memref<320x48xf32, #tpu.memory_space<hbm>>
      %dma_wait3A_154 = arith.constant 0 : i32
      %dma_wait3A_155 = arith.constant 0 : i32
      %dma_wait3A_156 = tpu.memref_slice %arg18[%dma_wait3A_154, %dma_wait3A_155] : memref<320x48xf32, #tpu.memory_space<vmem>> -> memref<320x48xf32, #tpu.memory_space<vmem>>
      %dma_wait3A_157 = arith.constant 0 : i32
      %dma_wait3A_158 = tpu.memref_slice %arg5[%add3A_12, %dma_wait3A_157] : memref<10112x48xf32, #tpu.memory_space<hbm>> -> memref<320x48xf32, #tpu.memory_space<hbm>>
      tpu.wait_dma2 semaphore(%run_scoped3A_138 : memref<!tpu.dma_semaphore, #tpu.memory_space<semaphore_mem>>) src(%dma_wait3A_158 : memref<320x48xf32, #tpu.memory_space<hbm>>) dst(%dma_wait3A_156 : memref<320x48xf32, #tpu.memory_space<vmem>>)
      tpu.yield
    }) : () -> ()
    "tpu.region"() ({
      %run_scoped3A_138 = tpu.sem_alloc : memref<!tpu.dma_semaphore, #tpu.memory_space<semaphore_mem>>
      %dma_start3A_139 = arith.constant 0 : i32
      %dma_start3A_140 = arith.constant 0 : i32
      %dma_start3A_141 = tpu.memref_slice %arg19[%dma_start3A_139, %dma_start3A_140] : memref<320x16xf32, #tpu.memory_space<vmem>> -> memref<320x16xf32, #tpu.memory_space<vmem>>
      %dma_start3A_142 = arith.constant 0 : i32
      %dma_start3A_143 = tpu.memref_slice %arg6[%add3A_12, %dma_start3A_142] : memref<10112x16xf32, #tpu.memory_space<hbm>> -> memref<320x16xf32, #tpu.memory_space<hbm>>
      %dma_start3A_144 = arith.constant 0 : i32
      %dma_start3A_145 = arith.constant 0 : i32
      %dma_start3A_146 = tpu.memref_slice %arg19[%dma_start3A_144, %dma_start3A_145] : memref<320x16xf32, #tpu.memory_space<vmem>> -> memref<320x16xf32, #tpu.memory_space<vmem>>
      %dma_start3A_147 = arith.constant 0 : i32
      %dma_start3A_148 = tpu.memref_slice %arg6[%add3A_12, %dma_start3A_147] : memref<10112x16xf32, #tpu.memory_space<hbm>> -> memref<320x16xf32, #tpu.memory_space<hbm>>
      tpu.enqueue_dma source(%dma_start3A_148 : memref<320x16xf32, #tpu.memory_space<hbm>>) target(%dma_start3A_146 : memref<320x16xf32, #tpu.memory_space<vmem>>) target_semaphore(%run_scoped3A_138 : memref<!tpu.dma_semaphore, #tpu.memory_space<semaphore_mem>>)
      %dma_wait3A_149 = arith.constant 0 : i32
      %dma_wait3A_150 = arith.constant 0 : i32
      %dma_wait3A_151 = tpu.memref_slice %arg19[%dma_wait3A_149, %dma_wait3A_150] : memref<320x16xf32, #tpu.memory_space<vmem>> -> memref<320x16xf32, #tpu.memory_space<vmem>>
      %dma_wait3A_152 = arith.constant 0 : i32
      %dma_wait3A_153 = tpu.memref_slice %arg6[%add3A_12, %dma_wait3A_152] : memref<10112x16xf32, #tpu.memory_space<hbm>> -> memref<320x16xf32, #tpu.memory_space<hbm>>
      %dma_wait3A_154 = arith.constant 0 : i32
      %dma_wait3A_155 = arith.constant 0 : i32
      %dma_wait3A_156 = tpu.memref_slice %arg19[%dma_wait3A_154, %dma_wait3A_155] : memref<320x16xf32, #tpu.memory_space<vmem>> -> memref<320x16xf32, #tpu.memory_space<vmem>>
      %dma_wait3A_157 = arith.constant 0 : i32
      %dma_wait3A_158 = tpu.memref_slice %arg6[%add3A_12, %dma_wait3A_157] : memref<10112x16xf32, #tpu.memory_space<hbm>> -> memref<320x16xf32, #tpu.memory_space<hbm>>
      tpu.wait_dma2 semaphore(%run_scoped3A_138 : memref<!tpu.dma_semaphore, #tpu.memory_space<semaphore_mem>>) src(%dma_wait3A_158 : memref<320x16xf32, #tpu.memory_space<hbm>>) dst(%dma_wait3A_156 : memref<320x16xf32, #tpu.memory_space<vmem>>)
      tpu.yield
    }) : () -> ()
    %scan3A_15 = arith.constant 0 : i32
    %scan3A_16 = arith.constant 0 : i32
    %scan3A_17 = arith.constant 320 : i32
    %scan3A_18 = arith.addi %scan3A_16, %scan3A_17 : i32
    %scan3A_19 = arith.constant 1 : i32
    scf.for %scan3A_138 = %scan3A_16 to %scan3A_18 step %scan3A_19  : i32 {
      %get3A = arith.index_cast %scan3A_138 : i32 to index
      %get3A_139 = arith.constant 0 : index
      %get3A_140 = tpu.vector_load %arg19[%get3A, %get3A_139] {strides = array<i32>} : memref<320x16xf32, #tpu.memory_space<vmem>>, vector<1x16xf32>,
      %get3A_141 = vector.shape_cast %get3A_140 : vector<1x16xf32> to vector<16xf32>
      %get3A_142 = arith.index_cast %scan3A_138 : i32 to index
      %get3A_143 = arith.constant 0 : index
      %get3A_144 = tpu.vector_load %arg16[%get3A_142, %get3A_143] {strides = array<i32>} : memref<320x48xf32, #tpu.memory_space<vmem>>, vector<1x16xf32>,
      %get3A_145 = vector.shape_cast %get3A_144 : vector<1x16xf32> to vector<16xf32>
      %get3A_146 = arith.index_cast %scan3A_138 : i32 to index
      %get3A_147 = arith.constant 0 : index
      %get3A_148 = tpu.vector_load %arg17[%get3A_146, %get3A_147] {strides = array<i32>} : memref<320x48xf32, #tpu.memory_space<vmem>>, vector<1x16xf32>,
      %get3A_149 = vector.shape_cast %get3A_148 : vector<1x16xf32> to vector<16xf32>
      %add3A_150 = arith.addf %get3A_145, %get3A_149 : vector<16xf32>
      %get3A_151 = arith.index_cast %scan3A_138 : i32 to index
      %get3A_152 = arith.constant 0 : index
      %get3A_153 = tpu.vector_load %arg18[%get3A_151, %get3A_152] {strides = array<i32>} : memref<320x48xf32, #tpu.memory_space<vmem>>, vector<1x16xf32>,
      %get3A_154 = vector.shape_cast %get3A_153 : vector<1x16xf32> to vector<16xf32>
      %add3A_155 = arith.addf %add3A_150, %get3A_154 : vector<16xf32>
      %mul3A_156 = arith.mulf %add3A_155, %get3A_141 : vector<16xf32>
      %swap3A = arith.index_cast %scan3A_138 : i32 to index
      %swap3A_157 = arith.constant 0 : index
      %swap3A_158 = tpu.vector_load %arg16[%swap3A, %swap3A_157] {strides = array<i32>} : memref<320x48xf32, #tpu.memory_space<vmem>>, vector<1x16xf32>,
      %swap3A_159 = vector.shape_cast %swap3A_158 : vector<1x16xf32> to vector<16xf32>
      %swap3A_160 = vector.shape_cast %mul3A_156 : vector<16xf32> to vector<1x16xf32>
      tpu.vector_store %arg16[%swap3A, %swap3A_157], %swap3A_160 {strides = array<i32>} : memref<320x48xf32, #tpu.memory_space<vmem>>, vector<1x16xf32>,
      %get3A_161 = arith.index_cast %scan3A_138 : i32 to index
      %get3A_162 = arith.constant 16 : index
      %get3A_163 = tpu.vector_load %arg16[%get3A_161, %get3A_162] {strides = array<i32>} : memref<320x48xf32, #tpu.memory_space<vmem>>, vector<1x16xf32>,
      %get3A_164 = vector.shape_cast %get3A_163 : vector<1x16xf32> to vector<16xf32>
      %get3A_165 = arith.index_cast %scan3A_138 : i32 to index
      %get3A_166 = arith.constant 16 : index
      %get3A_167 = tpu.vector_load %arg17[%get3A_165, %get3A_166] {strides = array<i32>} : memref<320x48xf32, #tpu.memory_space<vmem>>, vector<1x16xf32>,
      %get3A_168 = vector.shape_cast %get3A_167 : vector<1x16xf32> to vector<16xf32>
      %add3A_169 = arith.addf %get3A_164, %get3A_168 : vector<16xf32>
      %get3A_170 = arith.index_cast %scan3A_138 : i32 to index
      %get3A_171 = arith.constant 16 : index
      %get3A_172 = tpu.vector_load %arg18[%get3A_170, %get3A_171] {strides = array<i32>} : memref<320x48xf32, #tpu.memory_space<vmem>>, vector<1x16xf32>,
      %get3A_173 = vector.shape_cast %get3A_172 : vector<1x16xf32> to vector<16xf32>
      %add3A_174 = arith.addf %add3A_169, %get3A_173 : vector<16xf32>
      %mul3A_175 = arith.mulf %add3A_174, %get3A_141 : vector<16xf32>
      %swap3A_176 = arith.index_cast %scan3A_138 : i32 to index
      %swap3A_177 = arith.constant 16 : index
      %swap3A_178 = tpu.vector_load %arg16[%swap3A_176, %swap3A_177] {strides = array<i32>} : memref<320x48xf32, #tpu.memory_space<vmem>>, vector<1x16xf32>,
      %swap3A_179 = vector.shape_cast %swap3A_178 : vector<1x16xf32> to vector<16xf32>
      %swap3A_180 = vector.shape_cast %mul3A_175 : vector<16xf32> to vector<1x16xf32>
      tpu.vector_store %arg16[%swap3A_176, %swap3A_177], %swap3A_180 {strides = array<i32>} : memref<320x48xf32, #tpu.memory_space<vmem>>, vector<1x16xf32>,
      %get3A_181 = arith.index_cast %scan3A_138 : i32 to index
      %get3A_182 = arith.constant 32 : index
      %get3A_183 = tpu.vector_load %arg16[%get3A_181, %get3A_182] {strides = array<i32>} : memref<320x48xf32, #tpu.memory_space<vmem>>, vector<1x16xf32>,
      %get3A_184 = vector.shape_cast %get3A_183 : vector<1x16xf32> to vector<16xf32>
      %get3A_185 = arith.index_cast %scan3A_138 : i32 to index
      %get3A_186 = arith.constant 32 : index
      %get3A_187 = tpu.vector_load %arg17[%get3A_185, %get3A_186] {strides = array<i32>} : memref<320x48xf32, #tpu.memory_space<vmem>>, vector<1x16xf32>,
      %get3A_188 = vector.shape_cast %get3A_187 : vector<1x16xf32> to vector<16xf32>
      %add3A_189 = arith.addf %get3A_184, %get3A_188 : vector<16xf32>
      %get3A_190 = arith.index_cast %scan3A_138 : i32 to index
      %get3A_191 = arith.constant 32 : index
      %get3A_192 = tpu.vector_load %arg18[%get3A_190, %get3A_191] {strides = array<i32>} : memref<320x48xf32, #tpu.memory_space<vmem>>, vector<1x16xf32>,
      %get3A_193 = vector.shape_cast %get3A_192 : vector<1x16xf32> to vector<16xf32>
      %add3A_194 = arith.addf %add3A_189, %get3A_193 : vector<16xf32>
      %mul3A_195 = arith.mulf %add3A_194, %get3A_141 : vector<16xf32>
      %swap3A_196 = arith.index_cast %scan3A_138 : i32 to index
      %swap3A_197 = arith.constant 32 : index
      %swap3A_198 = tpu.vector_load %arg16[%swap3A_196, %swap3A_197] {strides = array<i32>} : memref<320x48xf32, #tpu.memory_space<vmem>>, vector<1x16xf32>,
      %swap3A_199 = vector.shape_cast %swap3A_198 : vector<1x16xf32> to vector<16xf32>
      %swap3A_200 = vector.shape_cast %mul3A_195 : vector<16xf32> to vector<1x16xf32>
      tpu.vector_store %arg16[%swap3A_196, %swap3A_197], %swap3A_200 {strides = array<i32>} : memref<320x48xf32, #tpu.memory_space<vmem>>, vector<1x16xf32>,
    }
    %scan3A_20 = arith.constant 320 : i32
    "tpu.region"() ({
      %run_scoped3A_138 = tpu.sem_alloc : memref<!tpu.dma_semaphore, #tpu.memory_space<semaphore_mem>>
      %dma_start3A_139 = arith.constant 0 : i32
      %dma_start3A_140 = arith.constant 0 : i32
      %dma_start3A_141 = tpu.memref_slice %arg16[%dma_start3A_139, %dma_start3A_140] : memref<320x48xf32, #tpu.memory_space<vmem>> -> memref<320x48xf32, #tpu.memory_space<vmem>>
      %dma_start3A_142 = arith.constant 0 : i32
      %dma_start3A_143 = tpu.memref_slice %arg9[%add3A_12, %dma_start3A_142] : memref<10112x48xf32, #tpu.memory_space<hbm>> -> memref<320x48xf32, #tpu.memory_space<hbm>>
      %dma_start3A_144 = arith.constant 0 : i32
      %dma_start3A_145 = tpu.memref_slice %arg9[%add3A_12, %dma_start3A_144] : memref<10112x48xf32, #tpu.memory_space<hbm>> -> memref<320x48xf32, #tpu.memory_space<hbm>>
      %dma_start3A_146 = arith.constant 0 : i32
      %dma_start3A_147 = arith.constant 0 : i32
      %dma_start3A_148 = tpu.memref_slice %arg16[%dma_start3A_146, %dma_start3A_147] : memref<320x48xf32, #tpu.memory_space<vmem>> -> memref<320x48xf32, #tpu.memory_space<vmem>>
      tpu.enqueue_dma source(%dma_start3A_148 : memref<320x48xf32, #tpu.memory_space<vmem>>) target(%dma_start3A_145 : memref<320x48xf32, #tpu.memory_space<hbm>>) target_semaphore(%run_scoped3A_138 : memref<!tpu.dma_semaphore, #tpu.memory_space<semaphore_mem>>)
      %dma_wait3A_149 = arith.constant 0 : i32
      %dma_wait3A_150 = arith.constant 0 : i32
      %dma_wait3A_151 = tpu.memref_slice %arg16[%dma_wait3A_149, %dma_wait3A_150] : memref<320x48xf32, #tpu.memory_space<vmem>> -> memref<320x48xf32, #tpu.memory_space<vmem>>
      %dma_wait3A_152 = arith.constant 0 : i32
      %dma_wait3A_153 = tpu.memref_slice %arg9[%add3A_12, %dma_wait3A_152] : memref<10112x48xf32, #tpu.memory_space<hbm>> -> memref<320x48xf32, #tpu.memory_space<hbm>>
      %dma_wait3A_154 = arith.constant 0 : i32
      %dma_wait3A_155 = tpu.memref_slice %arg9[%add3A_12, %dma_wait3A_154] : memref<10112x48xf32, #tpu.memory_space<hbm>> -> memref<320x48xf32, #tpu.memory_space<hbm>>
      %dma_wait3A_156 = arith.constant 0 : i32
      %dma_wait3A_157 = arith.constant 0 : i32
      %dma_wait3A_158 = tpu.memref_slice %arg16[%dma_wait3A_156, %dma_wait3A_157] : memref<320x48xf32, #tpu.memory_space<vmem>> -> memref<320x48xf32, #tpu.memory_space<vmem>>
      tpu.wait_dma2 semaphore(%run_scoped3A_138 : memref<!tpu.dma_semaphore, #tpu.memory_space<semaphore_mem>>) src(%dma_wait3A_158 : memref<320x48xf32, #tpu.memory_space<vmem>>) dst(%dma_wait3A_155 : memref<320x48xf32, #tpu.memory_space<hbm>>)
      tpu.yield
    }) : () -> ()
    %barrier3A = arith.constant 0 : index
    tpu.barrier barrier_id(%barrier3A)
    %dma_start3A = arith.constant 0 : i32
    %dma_start3A_21 = arith.constant 0 : i32
    %dma_start3A_22 = tpu.memref_slice %arg10[%dma_start3A, %dma_start3A_21] : memref<80x128xi32, #tpu.memory_space<vmem>> -> memref<1x128xi32, #tpu.memory_space<vmem>>
    %dma_start3A_23 = tpu.memref_squeeze %dma_start3A_22 : memref<1x128xi32, #tpu.memory_space<vmem>> -> memref<128xi32, #tpu.memory_space<vmem>>
    %dma_start3A_24 = arith.constant 0 : i32
    %dma_start3A_25 = arith.constant 0 : i32
    %dma_start3A_26 = tpu.memref_slice %arg9[%dma_start3A_24, %dma_start3A_25] : memref<10112x48xf32, #tpu.memory_space<hbm>> -> memref<10112x48xf32, #tpu.memory_space<hbm>>
    tpu.enqueue_indirect_dma source(%dma_start3A_26 : memref<10112x48xf32, #tpu.memory_space<hbm>>) target(%arg12 : memref<128x48xf32, #tpu.memory_space<vmem>>) offsets(%dma_start3A_23 : memref<128xi32, #tpu.memory_space<vmem>>) semaphore(%arg21 : memref<!tpu.dma_semaphore, #tpu.memory_space<semaphore_mem>>)
    %dma_start3A_27 = arith.constant 1 : i32
    %dma_start3A_28 = arith.constant 0 : i32
    %dma_start3A_29 = tpu.memref_slice %arg10[%dma_start3A_27, %dma_start3A_28] : memref<80x128xi32, #tpu.memory_space<vmem>> -> memref<1x128xi32, #tpu.memory_space<vmem>>
    %dma_start3A_30 = tpu.memref_squeeze %dma_start3A_29 : memref<1x128xi32, #tpu.memory_space<vmem>> -> memref<128xi32, #tpu.memory_space<vmem>>
    %dma_start3A_31 = arith.constant 0 : i32
    %dma_start3A_32 = arith.constant 0 : i32
    %dma_start3A_33 = tpu.memref_slice %arg9[%dma_start3A_31, %dma_start3A_32] : memref<10112x48xf32, #tpu.memory_space<hbm>> -> memref<10112x48xf32, #tpu.memory_space<hbm>>
    tpu.enqueue_indirect_dma source(%dma_start3A_33 : memref<10112x48xf32, #tpu.memory_space<hbm>>) target(%arg13 : memref<128x48xf32, #tpu.memory_space<vmem>>) offsets(%dma_start3A_30 : memref<128xi32, #tpu.memory_space<vmem>>) semaphore(%arg22 : memref<!tpu.dma_semaphore, #tpu.memory_space<semaphore_mem>>)
    %dma_start3A_34 = arith.constant 2 : i32
    %dma_start3A_35 = arith.constant 0 : i32
    %dma_start3A_36 = tpu.memref_slice %arg10[%dma_start3A_34, %dma_start3A_35] : memref<80x128xi32, #tpu.memory_space<vmem>> -> memref<1x128xi32, #tpu.memory_space<vmem>>
    %dma_start3A_37 = tpu.memref_squeeze %dma_start3A_36 : memref<1x128xi32, #tpu.memory_space<vmem>> -> memref<128xi32, #tpu.memory_space<vmem>>
    %dma_start3A_38 = arith.constant 0 : i32
    %dma_start3A_39 = arith.constant 0 : i32
    %dma_start3A_40 = tpu.memref_slice %arg9[%dma_start3A_38, %dma_start3A_39] : memref<10112x48xf32, #tpu.memory_space<hbm>> -> memref<10112x48xf32, #tpu.memory_space<hbm>>
    tpu.enqueue_indirect_dma source(%dma_start3A_40 : memref<10112x48xf32, #tpu.memory_space<hbm>>) target(%arg14 : memref<128x48xf32, #tpu.memory_space<vmem>>) offsets(%dma_start3A_37 : memref<128xi32, #tpu.memory_space<vmem>>) semaphore(%arg23 : memref<!tpu.dma_semaphore, #tpu.memory_space<semaphore_mem>>)
    %dma_start3A_41 = arith.constant 3 : i32
    %dma_start3A_42 = arith.constant 0 : i32
    %dma_start3A_43 = tpu.memref_slice %arg10[%dma_start3A_41, %dma_start3A_42] : memref<80x128xi32, #tpu.memory_space<vmem>> -> memref<1x128xi32, #tpu.memory_space<vmem>>
    %dma_start3A_44 = tpu.memref_squeeze %dma_start3A_43 : memref<1x128xi32, #tpu.memory_space<vmem>> -> memref<128xi32, #tpu.memory_space<vmem>>
    %dma_start3A_45 = arith.constant 0 : i32
    %dma_start3A_46 = arith.constant 0 : i32
    %dma_start3A_47 = tpu.memref_slice %arg9[%dma_start3A_45, %dma_start3A_46] : memref<10112x48xf32, #tpu.memory_space<hbm>> -> memref<10112x48xf32, #tpu.memory_space<hbm>>
    tpu.enqueue_indirect_dma source(%dma_start3A_47 : memref<10112x48xf32, #tpu.memory_space<hbm>>) target(%arg15 : memref<128x48xf32, #tpu.memory_space<vmem>>) offsets(%dma_start3A_44 : memref<128xi32, #tpu.memory_space<vmem>>) semaphore(%arg24 : memref<!tpu.dma_semaphore, #tpu.memory_space<semaphore_mem>>)
    %dma_wait3A = arith.constant 0 : i32
    %dma_wait3A_48 = arith.constant 0 : i32
    %dma_wait3A_49 = tpu.memref_slice %arg10[%dma_wait3A, %dma_wait3A_48] : memref<80x128xi32, #tpu.memory_space<vmem>> -> memref<1x128xi32, #tpu.memory_space<vmem>>
    %dma_wait3A_50 = tpu.memref_squeeze %dma_wait3A_49 : memref<1x128xi32, #tpu.memory_space<vmem>> -> memref<128xi32, #tpu.memory_space<vmem>>
    %dma_wait3A_51 = arith.constant 0 : i32
    %dma_wait3A_52 = arith.constant 0 : i32
    %dma_wait3A_53 = tpu.memref_slice %arg9[%dma_wait3A_51, %dma_wait3A_52] : memref<10112x48xf32, #tpu.memory_space<hbm>> -> memref<10112x48xf32, #tpu.memory_space<hbm>>
    tpu.wait_indirect_dma semaphore(%arg21 : memref<!tpu.dma_semaphore, #tpu.memory_space<semaphore_mem>>) src(%dma_wait3A_53 : memref<10112x48xf32, #tpu.memory_space<hbm>>) dst(%arg12 : memref<128x48xf32, #tpu.memory_space<vmem>>)
    %dma_start3A_54 = arith.constant 0 : i32
    %dma_start3A_55 = arith.constant 0 : i32
    %dma_start3A_56 = tpu.memref_slice %arg11[%dma_start3A_54, %dma_start3A_55] : memref<80x128xi32, #tpu.memory_space<vmem>> -> memref<1x128xi32, #tpu.memory_space<vmem>>
    %dma_start3A_57 = tpu.memref_squeeze %dma_start3A_56 : memref<1x128xi32, #tpu.memory_space<vmem>> -> memref<128xi32, #tpu.memory_space<vmem>>
    %dma_start3A_58 = arith.constant 0 : i32
    %dma_start3A_59 = arith.constant 0 : i32
    %dma_start3A_60 = tpu.memref_slice %arg20[%dma_start3A_58, %dma_start3A_59] : memref<10112x48xf32, #tpu.memory_space<vmem_shared>> -> memref<10112x48xf32, #tpu.memory_space<vmem_shared>>
    tpu.enqueue_indirect_dma source(%arg12 : memref<128x48xf32, #tpu.memory_space<vmem>>) target(%dma_start3A_60 : memref<10112x48xf32, #tpu.memory_space<vmem_shared>>) offsets(%dma_start3A_57 : memref<128xi32, #tpu.memory_space<vmem>>) semaphore(%arg25 : memref<!tpu.dma_semaphore, #tpu.memory_space<semaphore_mem>>) {add = true}
    %dma_wait3A_61 = arith.constant 1 : i32
    %dma_wait3A_62 = arith.constant 0 : i32
    %dma_wait3A_63 = tpu.memref_slice %arg10[%dma_wait3A_61, %dma_wait3A_62] : memref<80x128xi32, #tpu.memory_space<vmem>> -> memref<1x128xi32, #tpu.memory_space<vmem>>
    %dma_wait3A_64 = tpu.memref_squeeze %dma_wait3A_63 : memref<1x128xi32, #tpu.memory_space<vmem>> -> memref<128xi32, #tpu.memory_space<vmem>>
    %dma_wait3A_65 = arith.constant 0 : i32
    %dma_wait3A_66 = arith.constant 0 : i32
    %dma_wait3A_67 = tpu.memref_slice %arg9[%dma_wait3A_65, %dma_wait3A_66] : memref<10112x48xf32, #tpu.memory_space<hbm>> -> memref<10112x48xf32, #tpu.memory_space<hbm>>
    tpu.wait_indirect_dma semaphore(%arg22 : memref<!tpu.dma_semaphore, #tpu.memory_space<semaphore_mem>>) src(%dma_wait3A_67 : memref<10112x48xf32, #tpu.memory_space<hbm>>) dst(%arg13 : memref<128x48xf32, #tpu.memory_space<vmem>>)
    %dma_start3A_68 = arith.constant 1 : i32
    %dma_start3A_69 = arith.constant 0 : i32
    %dma_start3A_70 = tpu.memref_slice %arg11[%dma_start3A_68, %dma_start3A_69] : memref<80x128xi32, #tpu.memory_space<vmem>> -> memref<1x128xi32, #tpu.memory_space<vmem>>
    %dma_start3A_71 = tpu.memref_squeeze %dma_start3A_70 : memref<1x128xi32, #tpu.memory_space<vmem>> -> memref<128xi32, #tpu.memory_space<vmem>>
    %dma_start3A_72 = arith.constant 0 : i32
    %dma_start3A_73 = arith.constant 0 : i32
    %dma_start3A_74 = tpu.memref_slice %arg20[%dma_start3A_72, %dma_start3A_73] : memref<10112x48xf32, #tpu.memory_space<vmem_shared>> -> memref<10112x48xf32, #tpu.memory_space<vmem_shared>>
    tpu.enqueue_indirect_dma source(%arg13 : memref<128x48xf32, #tpu.memory_space<vmem>>) target(%dma_start3A_74 : memref<10112x48xf32, #tpu.memory_space<vmem_shared>>) offsets(%dma_start3A_71 : memref<128xi32, #tpu.memory_space<vmem>>) semaphore(%arg26 : memref<!tpu.dma_semaphore, #tpu.memory_space<semaphore_mem>>) {add = true}
    %scan3A_75 = arith.constant 0 : i32
    %scan3A_76 = arith.constant 0 : i32
    %scan3A_77 = arith.constant 19 : i32
    %scan3A_78 = arith.addi %scan3A_76, %scan3A_77 : i32
    %scan3A_79 = arith.constant 1 : i32
    scf.for %scan3A_138 = %scan3A_76 to %scan3A_78 step %scan3A_79  : i32 {
      %mul3A_139 = arith.constant 4 : i32
      %mul3A_140 = arith.muli %mul3A_139, %scan3A_138 : i32
      %add3A_141 = arith.constant 2 : i32
      %add3A_142 = arith.addi %mul3A_140, %add3A_141 : i32
      %add3A_143 = arith.constant 0 : i32
      %add3A_144 = arith.addi %add3A_142, %add3A_143 : i32
      %dma_wait3A_145 = arith.constant 0 : i32
      %dma_wait3A_146 = tpu.memref_slice %arg10[%add3A_144, %dma_wait3A_145] : memref<80x128xi32, #tpu.memory_space<vmem>> -> memref<1x128xi32, #tpu.memory_space<vmem>>
      %dma_wait3A_147 = tpu.memref_squeeze %dma_wait3A_146 : memref<1x128xi32, #tpu.memory_space<vmem>> -> memref<128xi32, #tpu.memory_space<vmem>>
      %dma_wait3A_148 = arith.constant 0 : i32
      %dma_wait3A_149 = arith.constant 0 : i32
      %dma_wait3A_150 = tpu.memref_slice %arg9[%dma_wait3A_148, %dma_wait3A_149] : memref<10112x48xf32, #tpu.memory_space<hbm>> -> memref<10112x48xf32, #tpu.memory_space<hbm>>
      tpu.wait_indirect_dma semaphore(%arg23 : memref<!tpu.dma_semaphore, #tpu.memory_space<semaphore_mem>>) src(%dma_wait3A_150 : memref<10112x48xf32, #tpu.memory_space<hbm>>) dst(%arg14 : memref<128x48xf32, #tpu.memory_space<vmem>>)
      %dma_start3A_151 = arith.constant 0 : i32
      %dma_start3A_152 = tpu.memref_slice %arg11[%add3A_144, %dma_start3A_151] : memref<80x128xi32, #tpu.memory_space<vmem>> -> memref<1x128xi32, #tpu.memory_space<vmem>>
      %dma_start3A_153 = tpu.memref_squeeze %dma_start3A_152 : memref<1x128xi32, #tpu.memory_space<vmem>> -> memref<128xi32, #tpu.memory_space<vmem>>
      %dma_start3A_154 = arith.constant 0 : i32
      %dma_start3A_155 = arith.constant 0 : i32
      %dma_start3A_156 = tpu.memref_slice %arg20[%dma_start3A_154, %dma_start3A_155] : memref<10112x48xf32, #tpu.memory_space<vmem_shared>> -> memref<10112x48xf32, #tpu.memory_space<vmem_shared>>
      tpu.enqueue_indirect_dma source(%arg14 : memref<128x48xf32, #tpu.memory_space<vmem>>) target(%dma_start3A_156 : memref<10112x48xf32, #tpu.memory_space<vmem_shared>>) offsets(%dma_start3A_153 : memref<128xi32, #tpu.memory_space<vmem>>) semaphore(%arg27 : memref<!tpu.dma_semaphore, #tpu.memory_space<semaphore_mem>>) {add = true}
      %sub3A = arith.constant 2 : i32
      %sub3A_157 = arith.subi %add3A_144, %sub3A : i32
      %sub3A_158 = arith.constant 2 : i32
      %sub3A_159 = arith.subi %add3A_144, %sub3A_158 : i32
      %dma_wait3A_160 = arith.constant 0 : i32
      %dma_wait3A_161 = tpu.memref_slice %arg11[%sub3A_159, %dma_wait3A_160] : memref<80x128xi32, #tpu.memory_space<vmem>> -> memref<1x128xi32, #tpu.memory_space<vmem>>
      %dma_wait3A_162 = tpu.memref_squeeze %dma_wait3A_161 : memref<1x128xi32, #tpu.memory_space<vmem>> -> memref<128xi32, #tpu.memory_space<vmem>>
      %dma_wait3A_163 = arith.constant 0 : i32
      %dma_wait3A_164 = arith.constant 0 : i32
      %dma_wait3A_165 = tpu.memref_slice %arg20[%dma_wait3A_163, %dma_wait3A_164] : memref<10112x48xf32, #tpu.memory_space<vmem_shared>> -> memref<10112x48xf32, #tpu.memory_space<vmem_shared>>
      tpu.wait_indirect_dma semaphore(%arg25 : memref<!tpu.dma_semaphore, #tpu.memory_space<semaphore_mem>>) src(%arg12 : memref<128x48xf32, #tpu.memory_space<vmem>>) dst(%dma_wait3A_165 : memref<10112x48xf32, #tpu.memory_space<vmem_shared>>)
      %add3A_166 = arith.constant 2 : i32
      %add3A_167 = arith.addi %add3A_144, %add3A_166 : i32
      %add3A_168 = arith.constant 2 : i32
      %add3A_169 = arith.addi %add3A_144, %add3A_168 : i32
      %dma_start3A_170 = arith.constant 0 : i32
      %dma_start3A_171 = tpu.memref_slice %arg10[%add3A_169, %dma_start3A_170] : memref<80x128xi32, #tpu.memory_space<vmem>> -> memref<1x128xi32, #tpu.memory_space<vmem>>
      %dma_start3A_172 = tpu.memref_squeeze %dma_start3A_171 : memref<1x128xi32, #tpu.memory_space<vmem>> -> memref<128xi32, #tpu.memory_space<vmem>>
      %dma_start3A_173 = arith.constant 0 : i32
      %dma_start3A_174 = arith.constant 0 : i32
      %dma_start3A_175 = tpu.memref_slice %arg9[%dma_start3A_173, %dma_start3A_174] : memref<10112x48xf32, #tpu.memory_space<hbm>> -> memref<10112x48xf32, #tpu.memory_space<hbm>>
      tpu.enqueue_indirect_dma source(%dma_start3A_175 : memref<10112x48xf32, #tpu.memory_space<hbm>>) target(%arg12 : memref<128x48xf32, #tpu.memory_space<vmem>>) offsets(%dma_start3A_172 : memref<128xi32, #tpu.memory_space<vmem>>) semaphore(%arg21 : memref<!tpu.dma_semaphore, #tpu.memory_space<semaphore_mem>>)
      %mul3A_176 = arith.constant 4 : i32
      %mul3A_177 = arith.muli %mul3A_176, %scan3A_138 : i32
      %add3A_178 = arith.constant 2 : i32
      %add3A_179 = arith.addi %mul3A_177, %add3A_178 : i32
      %add3A_180 = arith.constant 1 : i32
      %add3A_181 = arith.addi %add3A_179, %add3A_180 : i32
      %dma_wait3A_182 = arith.constant 0 : i32
      %dma_wait3A_183 = tpu.memref_slice %arg10[%add3A_181, %dma_wait3A_182] : memref<80x128xi32, #tpu.memory_space<vmem>> -> memref<1x128xi32, #tpu.memory_space<vmem>>
      %dma_wait3A_184 = tpu.memref_squeeze %dma_wait3A_183 : memref<1x128xi32, #tpu.memory_space<vmem>> -> memref<128xi32, #tpu.memory_space<vmem>>
      %dma_wait3A_185 = arith.constant 0 : i32
      %dma_wait3A_186 = arith.constant 0 : i32
      %dma_wait3A_187 = tpu.memref_slice %arg9[%dma_wait3A_185, %dma_wait3A_186] : memref<10112x48xf32, #tpu.memory_space<hbm>> -> memref<10112x48xf32, #tpu.memory_space<hbm>>
      tpu.wait_indirect_dma semaphore(%arg24 : memref<!tpu.dma_semaphore, #tpu.memory_space<semaphore_mem>>) src(%dma_wait3A_187 : memref<10112x48xf32, #tpu.memory_space<hbm>>) dst(%arg15 : memref<128x48xf32, #tpu.memory_space<vmem>>)
      %dma_start3A_188 = arith.constant 0 : i32
      %dma_start3A_189 = tpu.memref_slice %arg11[%add3A_181, %dma_start3A_188] : memref<80x128xi32, #tpu.memory_space<vmem>> -> memref<1x128xi32, #tpu.memory_space<vmem>>
      %dma_start3A_190 = tpu.memref_squeeze %dma_start3A_189 : memref<1x128xi32, #tpu.memory_space<vmem>> -> memref<128xi32, #tpu.memory_space<vmem>>
      %dma_start3A_191 = arith.constant 0 : i32
      %dma_start3A_192 = arith.constant 0 : i32
      %dma_start3A_193 = tpu.memref_slice %arg20[%dma_start3A_191, %dma_start3A_192] : memref<10112x48xf32, #tpu.memory_space<vmem_shared>> -> memref<10112x48xf32, #tpu.memory_space<vmem_shared>>
      tpu.enqueue_indirect_dma source(%arg15 : memref<128x48xf32, #tpu.memory_space<vmem>>) target(%dma_start3A_193 : memref<10112x48xf32, #tpu.memory_space<vmem_shared>>) offsets(%dma_start3A_190 : memref<128xi32, #tpu.memory_space<vmem>>) semaphore(%arg28 : memref<!tpu.dma_semaphore, #tpu.memory_space<semaphore_mem>>) {add = true}
      %sub3A_194 = arith.constant 2 : i32
      %sub3A_195 = arith.subi %add3A_181, %sub3A_194 : i32
      %sub3A_196 = arith.constant 2 : i32
      %sub3A_197 = arith.subi %add3A_181, %sub3A_196 : i32
      %dma_wait3A_198 = arith.constant 0 : i32
      %dma_wait3A_199 = tpu.memref_slice %arg11[%sub3A_197, %dma_wait3A_198] : memref<80x128xi32, #tpu.memory_space<vmem>> -> memref<1x128xi32, #tpu.memory_space<vmem>>
      %dma_wait3A_200 = tpu.memref_squeeze %dma_wait3A_199 : memref<1x128xi32, #tpu.memory_space<vmem>> -> memref<128xi32, #tpu.memory_space<vmem>>
      %dma_wait3A_201 = arith.constant 0 : i32
      %dma_wait3A_202 = arith.constant 0 : i32
      %dma_wait3A_203 = tpu.memref_slice %arg20[%dma_wait3A_201, %dma_wait3A_202] : memref<10112x48xf32, #tpu.memory_space<vmem_shared>> -> memref<10112x48xf32, #tpu.memory_space<vmem_shared>>
      tpu.wait_indirect_dma semaphore(%arg26 : memref<!tpu.dma_semaphore, #tpu.memory_space<semaphore_mem>>) src(%arg13 : memref<128x48xf32, #tpu.memory_space<vmem>>) dst(%dma_wait3A_203 : memref<10112x48xf32, #tpu.memory_space<vmem_shared>>)
      %add3A_204 = arith.constant 2 : i32
      %add3A_205 = arith.addi %add3A_181, %add3A_204 : i32
      %add3A_206 = arith.constant 2 : i32
      %add3A_207 = arith.addi %add3A_181, %add3A_206 : i32
      %dma_start3A_208 = arith.constant 0 : i32
      %dma_start3A_209 = tpu.memref_slice %arg10[%add3A_207, %dma_start3A_208] : memref<80x128xi32, #tpu.memory_space<vmem>> -> memref<1x128xi32, #tpu.memory_space<vmem>>
      %dma_start3A_210 = tpu.memref_squeeze %dma_start3A_209 : memref<1x128xi32, #tpu.memory_space<vmem>> -> memref<128xi32, #tpu.memory_space<vmem>>
      %dma_start3A_211 = arith.constant 0 : i32
      %dma_start3A_212 = arith.constant 0 : i32
      %dma_start3A_213 = tpu.memref_slice %arg9[%dma_start3A_211, %dma_start3A_212] : memref<10112x48xf32, #tpu.memory_space<hbm>> -> memref<10112x48xf32, #tpu.memory_space<hbm>>
      tpu.enqueue_indirect_dma source(%dma_start3A_213 : memref<10112x48xf32, #tpu.memory_space<hbm>>) target(%arg13 : memref<128x48xf32, #tpu.memory_space<vmem>>) offsets(%dma_start3A_210 : memref<128xi32, #tpu.memory_space<vmem>>) semaphore(%arg22 : memref<!tpu.dma_semaphore, #tpu.memory_space<semaphore_mem>>)
      %mul3A_214 = arith.constant 4 : i32
      %mul3A_215 = arith.muli %mul3A_214, %scan3A_138 : i32
      %add3A_216 = arith.constant 2 : i32
      %add3A_217 = arith.addi %mul3A_215, %add3A_216 : i32
      %add3A_218 = arith.constant 2 : i32
      %add3A_219 = arith.addi %add3A_217, %add3A_218 : i32
      %dma_wait3A_220 = arith.constant 0 : i32
      %dma_wait3A_221 = tpu.memref_slice %arg10[%add3A_219, %dma_wait3A_220] : memref<80x128xi32, #tpu.memory_space<vmem>> -> memref<1x128xi32, #tpu.memory_space<vmem>>
      %dma_wait3A_222 = tpu.memref_squeeze %dma_wait3A_221 : memref<1x128xi32, #tpu.memory_space<vmem>> -> memref<128xi32, #tpu.memory_space<vmem>>
      %dma_wait3A_223 = arith.constant 0 : i32
      %dma_wait3A_224 = arith.constant 0 : i32
      %dma_wait3A_225 = tpu.memref_slice %arg9[%dma_wait3A_223, %dma_wait3A_224] : memref<10112x48xf32, #tpu.memory_space<hbm>> -> memref<10112x48xf32, #tpu.memory_space<hbm>>
      tpu.wait_indirect_dma semaphore(%arg21 : memref<!tpu.dma_semaphore, #tpu.memory_space<semaphore_mem>>) src(%dma_wait3A_225 : memref<10112x48xf32, #tpu.memory_space<hbm>>) dst(%arg12 : memref<128x48xf32, #tpu.memory_space<vmem>>)
      %dma_start3A_226 = arith.constant 0 : i32
      %dma_start3A_227 = tpu.memref_slice %arg11[%add3A_219, %dma_start3A_226] : memref<80x128xi32, #tpu.memory_space<vmem>> -> memref<1x128xi32, #tpu.memory_space<vmem>>
      %dma_start3A_228 = tpu.memref_squeeze %dma_start3A_227 : memref<1x128xi32, #tpu.memory_space<vmem>> -> memref<128xi32, #tpu.memory_space<vmem>>
      %dma_start3A_229 = arith.constant 0 : i32
      %dma_start3A_230 = arith.constant 0 : i32
      %dma_start3A_231 = tpu.memref_slice %arg20[%dma_start3A_229, %dma_start3A_230] : memref<10112x48xf32, #tpu.memory_space<vmem_shared>> -> memref<10112x48xf32, #tpu.memory_space<vmem_shared>>
      tpu.enqueue_indirect_dma source(%arg12 : memref<128x48xf32, #tpu.memory_space<vmem>>) target(%dma_start3A_231 : memref<10112x48xf32, #tpu.memory_space<vmem_shared>>) offsets(%dma_start3A_228 : memref<128xi32, #tpu.memory_space<vmem>>) semaphore(%arg25 : memref<!tpu.dma_semaphore, #tpu.memory_space<semaphore_mem>>) {add = true}
      %sub3A_232 = arith.constant 2 : i32
      %sub3A_233 = arith.subi %add3A_219, %sub3A_232 : i32
      %sub3A_234 = arith.constant 2 : i32
      %sub3A_235 = arith.subi %add3A_219, %sub3A_234 : i32
      %dma_wait3A_236 = arith.constant 0 : i32
      %dma_wait3A_237 = tpu.memref_slice %arg11[%sub3A_235, %dma_wait3A_236] : memref<80x128xi32, #tpu.memory_space<vmem>> -> memref<1x128xi32, #tpu.memory_space<vmem>>
      %dma_wait3A_238 = tpu.memref_squeeze %dma_wait3A_237 : memref<1x128xi32, #tpu.memory_space<vmem>> -> memref<128xi32, #tpu.memory_space<vmem>>
      %dma_wait3A_239 = arith.constant 0 : i32
      %dma_wait3A_240 = arith.constant 0 : i32
      %dma_wait3A_241 = tpu.memref_slice %arg20[%dma_wait3A_239, %dma_wait3A_240] : memref<10112x48xf32, #tpu.memory_space<vmem_shared>> -> memref<10112x48xf32, #tpu.memory_space<vmem_shared>>
      tpu.wait_indirect_dma semaphore(%arg27 : memref<!tpu.dma_semaphore, #tpu.memory_space<semaphore_mem>>) src(%arg14 : memref<128x48xf32, #tpu.memory_space<vmem>>) dst(%dma_wait3A_241 : memref<10112x48xf32, #tpu.memory_space<vmem_shared>>)
      %add3A_242 = arith.constant 2 : i32
      %add3A_243 = arith.addi %add3A_219, %add3A_242 : i32
      %add3A_244 = arith.constant 2 : i32
      %add3A_245 = arith.addi %add3A_219, %add3A_244 : i32
      %dma_start3A_246 = arith.constant 0 : i32
      %dma_start3A_247 = tpu.memref_slice %arg10[%add3A_245, %dma_start3A_246] : memref<80x128xi32, #tpu.memory_space<vmem>> -> memref<1x128xi32, #tpu.memory_space<vmem>>
      %dma_start3A_248 = tpu.memref_squeeze %dma_start3A_247 : memref<1x128xi32, #tpu.memory_space<vmem>> -> memref<128xi32, #tpu.memory_space<vmem>>
      %dma_start3A_249 = arith.constant 0 : i32
      %dma_start3A_250 = arith.constant 0 : i32
      %dma_start3A_251 = tpu.memref_slice %arg9[%dma_start3A_249, %dma_start3A_250] : memref<10112x48xf32, #tpu.memory_space<hbm>> -> memref<10112x48xf32, #tpu.memory_space<hbm>>
      tpu.enqueue_indirect_dma source(%dma_start3A_251 : memref<10112x48xf32, #tpu.memory_space<hbm>>) target(%arg14 : memref<128x48xf32, #tpu.memory_space<vmem>>) offsets(%dma_start3A_248 : memref<128xi32, #tpu.memory_space<vmem>>) semaphore(%arg23 : memref<!tpu.dma_semaphore, #tpu.memory_space<semaphore_mem>>)
      %mul3A_252 = arith.constant 4 : i32
      %mul3A_253 = arith.muli %mul3A_252, %scan3A_138 : i32
      %add3A_254 = arith.constant 2 : i32
      %add3A_255 = arith.addi %mul3A_253, %add3A_254 : i32
      %add3A_256 = arith.constant 3 : i32
      %add3A_257 = arith.addi %add3A_255, %add3A_256 : i32
      %dma_wait3A_258 = arith.constant 0 : i32
      %dma_wait3A_259 = tpu.memref_slice %arg10[%add3A_257, %dma_wait3A_258] : memref<80x128xi32, #tpu.memory_space<vmem>> -> memref<1x128xi32, #tpu.memory_space<vmem>>
      %dma_wait3A_260 = tpu.memref_squeeze %dma_wait3A_259 : memref<1x128xi32, #tpu.memory_space<vmem>> -> memref<128xi32, #tpu.memory_space<vmem>>
      %dma_wait3A_261 = arith.constant 0 : i32
      %dma_wait3A_262 = arith.constant 0 : i32
      %dma_wait3A_263 = tpu.memref_slice %arg9[%dma_wait3A_261, %dma_wait3A_262] : memref<10112x48xf32, #tpu.memory_space<hbm>> -> memref<10112x48xf32, #tpu.memory_space<hbm>>
      tpu.wait_indirect_dma semaphore(%arg22 : memref<!tpu.dma_semaphore, #tpu.memory_space<semaphore_mem>>) src(%dma_wait3A_263 : memref<10112x48xf32, #tpu.memory_space<hbm>>) dst(%arg13 : memref<128x48xf32, #tpu.memory_space<vmem>>)
      %dma_start3A_264 = arith.constant 0 : i32
      %dma_start3A_265 = tpu.memref_slice %arg11[%add3A_257, %dma_start3A_264] : memref<80x128xi32, #tpu.memory_space<vmem>> -> memref<1x128xi32, #tpu.memory_space<vmem>>
      %dma_start3A_266 = tpu.memref_squeeze %dma_start3A_265 : memref<1x128xi32, #tpu.memory_space<vmem>> -> memref<128xi32, #tpu.memory_space<vmem>>
      %dma_start3A_267 = arith.constant 0 : i32
      %dma_start3A_268 = arith.constant 0 : i32
      %dma_start3A_269 = tpu.memref_slice %arg20[%dma_start3A_267, %dma_start3A_268] : memref<10112x48xf32, #tpu.memory_space<vmem_shared>> -> memref<10112x48xf32, #tpu.memory_space<vmem_shared>>
      tpu.enqueue_indirect_dma source(%arg13 : memref<128x48xf32, #tpu.memory_space<vmem>>) target(%dma_start3A_269 : memref<10112x48xf32, #tpu.memory_space<vmem_shared>>) offsets(%dma_start3A_266 : memref<128xi32, #tpu.memory_space<vmem>>) semaphore(%arg26 : memref<!tpu.dma_semaphore, #tpu.memory_space<semaphore_mem>>) {add = true}
      %sub3A_270 = arith.constant 2 : i32
      %sub3A_271 = arith.subi %add3A_257, %sub3A_270 : i32
      %sub3A_272 = arith.constant 2 : i32
      %sub3A_273 = arith.subi %add3A_257, %sub3A_272 : i32
      %dma_wait3A_274 = arith.constant 0 : i32
      %dma_wait3A_275 = tpu.memref_slice %arg11[%sub3A_273, %dma_wait3A_274] : memref<80x128xi32, #tpu.memory_space<vmem>> -> memref<1x128xi32, #tpu.memory_space<vmem>>
      %dma_wait3A_276 = tpu.memref_squeeze %dma_wait3A_275 : memref<1x128xi32, #tpu.memory_space<vmem>> -> memref<128xi32, #tpu.memory_space<vmem>>
      %dma_wait3A_277 = arith.constant 0 : i32
      %dma_wait3A_278 = arith.constant 0 : i32
      %dma_wait3A_279 = tpu.memref_slice %arg20[%dma_wait3A_277, %dma_wait3A_278] : memref<10112x48xf32, #tpu.memory_space<vmem_shared>> -> memref<10112x48xf32, #tpu.memory_space<vmem_shared>>
      tpu.wait_indirect_dma semaphore(%arg28 : memref<!tpu.dma_semaphore, #tpu.memory_space<semaphore_mem>>) src(%arg15 : memref<128x48xf32, #tpu.memory_space<vmem>>) dst(%dma_wait3A_279 : memref<10112x48xf32, #tpu.memory_space<vmem_shared>>)
      %add3A_280 = arith.constant 2 : i32
      %add3A_281 = arith.addi %add3A_257, %add3A_280 : i32
      %add3A_282 = arith.constant 2 : i32
      %add3A_283 = arith.addi %add3A_257, %add3A_282 : i32
      %dma_start3A_284 = arith.constant 0 : i32
      %dma_start3A_285 = tpu.memref_slice %arg10[%add3A_283, %dma_start3A_284] : memref<80x128xi32, #tpu.memory_space<vmem>> -> memref<1x128xi32, #tpu.memory_space<vmem>>
      %dma_start3A_286 = tpu.memref_squeeze %dma_start3A_285 : memref<1x128xi32, #tpu.memory_space<vmem>> -> memref<128xi32, #tpu.memory_space<vmem>>
      %dma_start3A_287 = arith.constant 0 : i32
      %dma_start3A_288 = arith.constant 0 : i32
      %dma_start3A_289 = tpu.memref_slice %arg9[%dma_start3A_287, %dma_start3A_288] : memref<10112x48xf32, #tpu.memory_space<hbm>> -> memref<10112x48xf32, #tpu.memory_space<hbm>>
      tpu.enqueue_indirect_dma source(%dma_start3A_289 : memref<10112x48xf32, #tpu.memory_space<hbm>>) target(%arg15 : memref<128x48xf32, #tpu.memory_space<vmem>>) offsets(%dma_start3A_286 : memref<128xi32, #tpu.memory_space<vmem>>) semaphore(%arg24 : memref<!tpu.dma_semaphore, #tpu.memory_space<semaphore_mem>>)
    }
    %scan3A_80 = arith.constant 19 : i32
    %dma_wait3A_81 = arith.constant 78 : i32
    %dma_wait3A_82 = arith.constant 0 : i32
    %dma_wait3A_83 = tpu.memref_slice %arg10[%dma_wait3A_81, %dma_wait3A_82] : memref<80x128xi32, #tpu.memory_space<vmem>> -> memref<1x128xi32, #tpu.memory_space<vmem>>
    %dma_wait3A_84 = tpu.memref_squeeze %dma_wait3A_83 : memref<1x128xi32, #tpu.memory_space<vmem>> -> memref<128xi32, #tpu.memory_space<vmem>>
    %dma_wait3A_85 = arith.constant 0 : i32
    %dma_wait3A_86 = arith.constant 0 : i32
    %dma_wait3A_87 = tpu.memref_slice %arg9[%dma_wait3A_85, %dma_wait3A_86] : memref<10112x48xf32, #tpu.memory_space<hbm>> -> memref<10112x48xf32, #tpu.memory_space<hbm>>
    tpu.wait_indirect_dma semaphore(%arg23 : memref<!tpu.dma_semaphore, #tpu.memory_space<semaphore_mem>>) src(%dma_wait3A_87 : memref<10112x48xf32, #tpu.memory_space<hbm>>) dst(%arg14 : memref<128x48xf32, #tpu.memory_space<vmem>>)
    %dma_start3A_88 = arith.constant 78 : i32
    %dma_start3A_89 = arith.constant 0 : i32
    %dma_start3A_90 = tpu.memref_slice %arg11[%dma_start3A_88, %dma_start3A_89] : memref<80x128xi32, #tpu.memory_space<vmem>> -> memref<1x128xi32, #tpu.memory_space<vmem>>
    %dma_start3A_91 = tpu.memref_squeeze %dma_start3A_90 : memref<1x128xi32, #tpu.memory_space<vmem>> -> memref<128xi32, #tpu.memory_space<vmem>>
    %dma_start3A_92 = arith.constant 0 : i32
    %dma_start3A_93 = arith.constant 0 : i32
    %dma_start3A_94 = tpu.memref_slice %arg20[%dma_start3A_92, %dma_start3A_93] : memref<10112x48xf32, #tpu.memory_space<vmem_shared>> -> memref<10112x48xf32, #tpu.memory_space<vmem_shared>>
    tpu.enqueue_indirect_dma source(%arg14 : memref<128x48xf32, #tpu.memory_space<vmem>>) target(%dma_start3A_94 : memref<10112x48xf32, #tpu.memory_space<vmem_shared>>) offsets(%dma_start3A_91 : memref<128xi32, #tpu.memory_space<vmem>>) semaphore(%arg27 : memref<!tpu.dma_semaphore, #tpu.memory_space<semaphore_mem>>) {add = true}
    %dma_wait3A_95 = arith.constant 79 : i32
    %dma_wait3A_96 = arith.constant 0 : i32
    %dma_wait3A_97 = tpu.memref_slice %arg10[%dma_wait3A_95, %dma_wait3A_96] : memref<80x128xi32, #tpu.memory_space<vmem>> -> memref<1x128xi32, #tpu.memory_space<vmem>>
    %dma_wait3A_98 = tpu.memref_squeeze %dma_wait3A_97 : memref<1x128xi32, #tpu.memory_space<vmem>> -> memref<128xi32, #tpu.memory_space<vmem>>
    %dma_wait3A_99 = arith.constant 0 : i32
    %dma_wait3A_100 = arith.constant 0 : i32
    %dma_wait3A_101 = tpu.memref_slice %arg9[%dma_wait3A_99, %dma_wait3A_100] : memref<10112x48xf32, #tpu.memory_space<hbm>> -> memref<10112x48xf32, #tpu.memory_space<hbm>>
    tpu.wait_indirect_dma semaphore(%arg24 : memref<!tpu.dma_semaphore, #tpu.memory_space<semaphore_mem>>) src(%dma_wait3A_101 : memref<10112x48xf32, #tpu.memory_space<hbm>>) dst(%arg15 : memref<128x48xf32, #tpu.memory_space<vmem>>)
    %dma_start3A_102 = arith.constant 79 : i32
    %dma_start3A_103 = arith.constant 0 : i32
    %dma_start3A_104 = tpu.memref_slice %arg11[%dma_start3A_102, %dma_start3A_103] : memref<80x128xi32, #tpu.memory_space<vmem>> -> memref<1x128xi32, #tpu.memory_space<vmem>>
    %dma_start3A_105 = tpu.memref_squeeze %dma_start3A_104 : memref<1x128xi32, #tpu.memory_space<vmem>> -> memref<128xi32, #tpu.memory_space<vmem>>
    %dma_start3A_106 = arith.constant 0 : i32
    %dma_start3A_107 = arith.constant 0 : i32
    %dma_start3A_108 = tpu.memref_slice %arg20[%dma_start3A_106, %dma_start3A_107] : memref<10112x48xf32, #tpu.memory_space<vmem_shared>> -> memref<10112x48xf32, #tpu.memory_space<vmem_shared>>
    tpu.enqueue_indirect_dma source(%arg15 : memref<128x48xf32, #tpu.memory_space<vmem>>) target(%dma_start3A_108 : memref<10112x48xf32, #tpu.memory_space<vmem_shared>>) offsets(%dma_start3A_105 : memref<128xi32, #tpu.memory_space<vmem>>) semaphore(%arg28 : memref<!tpu.dma_semaphore, #tpu.memory_space<semaphore_mem>>) {add = true}
    %dma_wait3A_109 = arith.constant 76 : i32
    %dma_wait3A_110 = arith.constant 0 : i32
    %dma_wait3A_111 = tpu.memref_slice %arg11[%dma_wait3A_109, %dma_wait3A_110] : memref<80x128xi32, #tpu.memory_space<vmem>> -> memref<1x128xi32, #tpu.memory_space<vmem>>
    %dma_wait3A_112 = tpu.memref_squeeze %dma_wait3A_111 : memref<1x128xi32, #tpu.memory_space<vmem>> -> memref<128xi32, #tpu.memory_space<vmem>>
    %dma_wait3A_113 = arith.constant 0 : i32
    %dma_wait3A_114 = arith.constant 0 : i32
    %dma_wait3A_115 = tpu.memref_slice %arg20[%dma_wait3A_113, %dma_wait3A_114] : memref<10112x48xf32, #tpu.memory_space<vmem_shared>> -> memref<10112x48xf32, #tpu.memory_space<vmem_shared>>
    tpu.wait_indirect_dma semaphore(%arg25 : memref<!tpu.dma_semaphore, #tpu.memory_space<semaphore_mem>>) src(%arg12 : memref<128x48xf32, #tpu.memory_space<vmem>>) dst(%dma_wait3A_115 : memref<10112x48xf32, #tpu.memory_space<vmem_shared>>)
    %dma_wait3A_116 = arith.constant 77 : i32
    %dma_wait3A_117 = arith.constant 0 : i32
    %dma_wait3A_118 = tpu.memref_slice %arg11[%dma_wait3A_116, %dma_wait3A_117] : memref<80x128xi32, #tpu.memory_space<vmem>> -> memref<1x128xi32, #tpu.memory_space<vmem>>
    %dma_wait3A_119 = tpu.memref_squeeze %dma_wait3A_118 : memref<1x128xi32, #tpu.memory_space<vmem>> -> memref<128xi32, #tpu.memory_space<vmem>>
    %dma_wait3A_120 = arith.constant 0 : i32
    %dma_wait3A_121 = arith.constant 0 : i32
    %dma_wait3A_122 = tpu.memref_slice %arg20[%dma_wait3A_120, %dma_wait3A_121] : memref<10112x48xf32, #tpu.memory_space<vmem_shared>> -> memref<10112x48xf32, #tpu.memory_space<vmem_shared>>
    tpu.wait_indirect_dma semaphore(%arg26 : memref<!tpu.dma_semaphore, #tpu.memory_space<semaphore_mem>>) src(%arg13 : memref<128x48xf32, #tpu.memory_space<vmem>>) dst(%dma_wait3A_122 : memref<10112x48xf32, #tpu.memory_space<vmem_shared>>)
    %dma_wait3A_123 = arith.constant 78 : i32
    %dma_wait3A_124 = arith.constant 0 : i32
    %dma_wait3A_125 = tpu.memref_slice %arg11[%dma_wait3A_123, %dma_wait3A_124] : memref<80x128xi32, #tpu.memory_space<vmem>> -> memref<1x128xi32, #tpu.memory_space<vmem>>
    %dma_wait3A_126 = tpu.memref_squeeze %dma_wait3A_125 : memref<1x128xi32, #tpu.memory_space<vmem>> -> memref<128xi32, #tpu.memory_space<vmem>>
    %dma_wait3A_127 = arith.constant 0 : i32
    %dma_wait3A_128 = arith.constant 0 : i32
    %dma_wait3A_129 = tpu.memref_slice %arg20[%dma_wait3A_127, %dma_wait3A_128] : memref<10112x48xf32, #tpu.memory_space<vmem_shared>> -> memref<10112x48xf32, #tpu.memory_space<vmem_shared>>
    tpu.wait_indirect_dma semaphore(%arg27 : memref<!tpu.dma_semaphore, #tpu.memory_space<semaphore_mem>>) src(%arg14 : memref<128x48xf32, #tpu.memory_space<vmem>>) dst(%dma_wait3A_129 : memref<10112x48xf32, #tpu.memory_space<vmem_shared>>)
    %dma_wait3A_130 = arith.constant 79 : i32
    %dma_wait3A_131 = arith.constant 0 : i32
    %dma_wait3A_132 = tpu.memref_slice %arg11[%dma_wait3A_130, %dma_wait3A_131] : memref<80x128xi32, #tpu.memory_space<vmem>> -> memref<1x128xi32, #tpu.memory_space<vmem>>
    %dma_wait3A_133 = tpu.memref_squeeze %dma_wait3A_132 : memref<1x128xi32, #tpu.memory_space<vmem>> -> memref<128xi32, #tpu.memory_space<vmem>>
    %dma_wait3A_134 = arith.constant 0 : i32
    %dma_wait3A_135 = arith.constant 0 : i32
    %dma_wait3A_136 = tpu.memref_slice %arg20[%dma_wait3A_134, %dma_wait3A_135] : memref<10112x48xf32, #tpu.memory_space<vmem_shared>> -> memref<10112x48xf32, #tpu.memory_space<vmem_shared>>
    tpu.wait_indirect_dma semaphore(%arg28 : memref<!tpu.dma_semaphore, #tpu.memory_space<semaphore_mem>>) src(%arg15 : memref<128x48xf32, #tpu.memory_space<vmem>>) dst(%dma_wait3A_136 : memref<10112x48xf32, #tpu.memory_space<vmem_shared>>)
    %barrier3A_137 = arith.constant 0 : index
    tpu.barrier barrier_id(%barrier3A_137)
    "tpu.region"() ({
      %run_scoped3A_138 = tpu.sem_alloc : memref<!tpu.dma_semaphore, #tpu.memory_space<semaphore_mem>>
      %dma_start3A_139 = arith.constant 0 : i32
      %dma_start3A_140 = tpu.memref_slice %arg8[%arg0, %mul3A_2, %dma_start3A_139] : memref<2x10112x48xf32, #tpu.memory_space<hbm>> -> memref<1x632x48xf32, #tpu.memory_space<hbm>>
      %dma_start3A_141 = tpu.memref_squeeze %dma_start3A_140 : memref<1x632x48xf32, #tpu.memory_space<hbm>> -> memref<632x48xf32, #tpu.memory_space<hbm>>
      %dma_start3A_142 = arith.constant 0 : i32
      %dma_start3A_143 = tpu.memref_slice %arg20[%mul3A_2, %dma_start3A_142] : memref<10112x48xf32, #tpu.memory_space<vmem_shared>> -> memref<632x48xf32, #tpu.memory_space<vmem_shared>>
      tpu.enqueue_dma source(%dma_start3A_143 : memref<632x48xf32, #tpu.memory_space<vmem_shared>>) target(%dma_start3A_141 : memref<632x48xf32, #tpu.memory_space<hbm>>) target_semaphore(%run_scoped3A_138 : memref<!tpu.dma_semaphore, #tpu.memory_space<semaphore_mem>>)
      %dma_wait3A_144 = arith.constant 0 : i32
      %dma_wait3A_145 = tpu.memref_slice %arg8[%arg0, %mul3A_2, %dma_wait3A_144] : memref<2x10112x48xf32, #tpu.memory_space<hbm>> -> memref<1x632x48xf32, #tpu.memory_space<hbm>>
      %dma_wait3A_146 = tpu.memref_squeeze %dma_wait3A_145 : memref<1x632x48xf32, #tpu.memory_space<hbm>> -> memref<632x48xf32, #tpu.memory_space<hbm>>
      %dma_wait3A_147 = arith.constant 0 : i32
      %dma_wait3A_148 = tpu.memref_slice %arg20[%mul3A_2, %dma_wait3A_147] : memref<10112x48xf32, #tpu.memory_space<vmem_shared>> -> memref<632x48xf32, #tpu.memory_space<vmem_shared>>
      tpu.wait_dma2 semaphore(%run_scoped3A_138 : memref<!tpu.dma_semaphore, #tpu.memory_space<semaphore_mem>>) src(%dma_wait3A_148 : memref<632x48xf32, #tpu.memory_space<vmem_shared>>) dst(%dma_wait3A_146 : memref<632x48xf32, #tpu.memory_space<hbm>>)
      tpu.yield
    }) : () -> ()
    return
  }
}

#map = affine_map<(d0, d1) -> (0, 0, 0)>
#map1 = affine_map<(d0, d1) -> (0, 0)>
module attributes {stable_mosaic.version = 14 : i64} {
  func.func @_deg_body(%arg0: i32, %arg1: i32, %arg2: memref<32x80x128xi32, #tpu.memory_space<hbm>>, %arg3: memref<128x16xf32, #tpu.memory_space<hbm>>, %arg4: memref<10112x16xf32, #tpu.memory_space<hbm>>, %arg5: memref<2x10112x16xf32, #tpu.memory_space<hbm>>, %arg6: memref<80x128xi32, #tpu.memory_space<vmem>>, %arg7: memref<128x16xf32, #tpu.memory_space<vmem>>, %arg8: memref<10112x16xf32, #tpu.memory_space<vmem_shared>>, %arg9: memref<!tpu.dma_semaphore, #tpu.memory_space<semaphore_mem>>, %arg10: memref<!tpu.dma_semaphore, #tpu.memory_space<semaphore_mem>>, %arg11: memref<!tpu.dma_semaphore, #tpu.memory_space<semaphore_mem>>, %arg12: memref<!tpu.dma_semaphore, #tpu.memory_space<semaphore_mem>>, %arg13: memref<!tpu.dma_semaphore, #tpu.memory_space<semaphore_mem>>, %arg14: memref<!tpu.dma_semaphore, #tpu.memory_space<semaphore_mem>>, %arg15: memref<!tpu.dma_semaphore, #tpu.memory_space<semaphore_mem>>, %arg16: memref<!tpu.dma_semaphore, #tpu.memory_space<semaphore_mem>>) attributes {dimension_semantics = [#tpu.dimension_semantics<core_parallel>, #tpu.dimension_semantics<subcore_parallel>], iteration_bounds = array<i64: 2, 16>, scalar_prefetch = 0 : i64, scratch_operands = 11 : i64, tpu.core_type = #tpu.core_type<sc_vector_subcore>, window_params = [{transform_indices = #map}, {transform_indices = #map1}, {transform_indices = #map1}, {transform_indices = #map}]} {
    %mul3A = arith.constant 16 : i32
    %mul3A_0 = arith.muli %arg0, %mul3A : i32
    %add3A = arith.addi %mul3A_0, %arg1 : i32
    "tpu.region"() ({
      %run_scoped3A = tpu.sem_alloc : memref<!tpu.dma_semaphore, #tpu.memory_space<semaphore_mem>>
      %dma_start3A_119 = arith.constant 0 : i32
      %dma_start3A_120 = arith.constant 0 : i32
      %dma_start3A_121 = tpu.memref_slice %arg2[%add3A, %dma_start3A_119, %dma_start3A_120] : memref<32x80x128xi32, #tpu.memory_space<hbm>> -> memref<1x80x128xi32, #tpu.memory_space<hbm>>
      %dma_start3A_122 = tpu.memref_squeeze %dma_start3A_121 : memref<1x80x128xi32, #tpu.memory_space<hbm>> -> memref<80x128xi32, #tpu.memory_space<hbm>>
      %dma_start3A_123 = arith.constant 0 : i32
      %dma_start3A_124 = arith.constant 0 : i32
      %dma_start3A_125 = tpu.memref_slice %arg2[%add3A, %dma_start3A_123, %dma_start3A_124] : memref<32x80x128xi32, #tpu.memory_space<hbm>> -> memref<1x80x128xi32, #tpu.memory_space<hbm>>
      %dma_start3A_126 = tpu.memref_squeeze %dma_start3A_125 : memref<1x80x128xi32, #tpu.memory_space<hbm>> -> memref<80x128xi32, #tpu.memory_space<hbm>>
      tpu.enqueue_dma source(%dma_start3A_126 : memref<80x128xi32, #tpu.memory_space<hbm>>) target(%arg6 : memref<80x128xi32, #tpu.memory_space<vmem>>) target_semaphore(%run_scoped3A : memref<!tpu.dma_semaphore, #tpu.memory_space<semaphore_mem>>)
      %dma_wait3A_127 = arith.constant 0 : i32
      %dma_wait3A_128 = arith.constant 0 : i32
      %dma_wait3A_129 = tpu.memref_slice %arg2[%add3A, %dma_wait3A_127, %dma_wait3A_128] : memref<32x80x128xi32, #tpu.memory_space<hbm>> -> memref<1x80x128xi32, #tpu.memory_space<hbm>>
      %dma_wait3A_130 = tpu.memref_squeeze %dma_wait3A_129 : memref<1x80x128xi32, #tpu.memory_space<hbm>> -> memref<80x128xi32, #tpu.memory_space<hbm>>
      %dma_wait3A_131 = arith.constant 0 : i32
      %dma_wait3A_132 = arith.constant 0 : i32
      %dma_wait3A_133 = tpu.memref_slice %arg2[%add3A, %dma_wait3A_131, %dma_wait3A_132] : memref<32x80x128xi32, #tpu.memory_space<hbm>> -> memref<1x80x128xi32, #tpu.memory_space<hbm>>
      %dma_wait3A_134 = tpu.memref_squeeze %dma_wait3A_133 : memref<1x80x128xi32, #tpu.memory_space<hbm>> -> memref<80x128xi32, #tpu.memory_space<hbm>>
      tpu.wait_dma2 semaphore(%run_scoped3A : memref<!tpu.dma_semaphore, #tpu.memory_space<semaphore_mem>>) src(%dma_wait3A_134 : memref<80x128xi32, #tpu.memory_space<hbm>>) dst(%arg6 : memref<80x128xi32, #tpu.memory_space<vmem>>)
      tpu.yield
    }) : () -> ()
    "tpu.region"() ({
      %run_scoped3A = tpu.sem_alloc : memref<!tpu.dma_semaphore, #tpu.memory_space<semaphore_mem>>
      tpu.enqueue_dma source(%arg3 : memref<128x16xf32, #tpu.memory_space<hbm>>) target(%arg7 : memref<128x16xf32, #tpu.memory_space<vmem>>) target_semaphore(%run_scoped3A : memref<!tpu.dma_semaphore, #tpu.memory_space<semaphore_mem>>)
      tpu.wait_dma2 semaphore(%run_scoped3A : memref<!tpu.dma_semaphore, #tpu.memory_space<semaphore_mem>>) src(%arg3 : memref<128x16xf32, #tpu.memory_space<hbm>>) dst(%arg7 : memref<128x16xf32, #tpu.memory_space<vmem>>)
      tpu.yield
    }) : () -> ()
    %mul3A_1 = arith.constant 632 : i32
    %mul3A_2 = arith.muli %arg1, %mul3A_1 : i32
    "tpu.region"() ({
      %run_scoped3A = tpu.sem_alloc : memref<!tpu.dma_semaphore, #tpu.memory_space<semaphore_mem>>
      %dma_start3A_119 = arith.constant 0 : i32
      %dma_start3A_120 = tpu.memref_slice %arg8[%mul3A_2, %dma_start3A_119] : memref<10112x16xf32, #tpu.memory_space<vmem_shared>> -> memref<632x16xf32, #tpu.memory_space<vmem_shared>>
      %dma_start3A_121 = arith.constant 0 : i32
      %dma_start3A_122 = tpu.memref_slice %arg4[%mul3A_2, %dma_start3A_121] : memref<10112x16xf32, #tpu.memory_space<hbm>> -> memref<632x16xf32, #tpu.memory_space<hbm>>
      tpu.enqueue_dma source(%dma_start3A_122 : memref<632x16xf32, #tpu.memory_space<hbm>>) target(%dma_start3A_120 : memref<632x16xf32, #tpu.memory_space<vmem_shared>>) target_semaphore(%run_scoped3A : memref<!tpu.dma_semaphore, #tpu.memory_space<semaphore_mem>>)
      %dma_wait3A_123 = arith.constant 0 : i32
      %dma_wait3A_124 = tpu.memref_slice %arg8[%mul3A_2, %dma_wait3A_123] : memref<10112x16xf32, #tpu.memory_space<vmem_shared>> -> memref<632x16xf32, #tpu.memory_space<vmem_shared>>
      %dma_wait3A_125 = arith.constant 0 : i32
      %dma_wait3A_126 = tpu.memref_slice %arg4[%mul3A_2, %dma_wait3A_125] : memref<10112x16xf32, #tpu.memory_space<hbm>> -> memref<632x16xf32, #tpu.memory_space<hbm>>
      tpu.wait_dma2 semaphore(%run_scoped3A : memref<!tpu.dma_semaphore, #tpu.memory_space<semaphore_mem>>) src(%dma_wait3A_126 : memref<632x16xf32, #tpu.memory_space<hbm>>) dst(%dma_wait3A_124 : memref<632x16xf32, #tpu.memory_space<vmem_shared>>)
      tpu.yield
    }) : () -> ()
    %barrier3A = arith.constant 0 : index
    tpu.barrier barrier_id(%barrier3A)
    %dma_start3A = arith.constant 0 : i32
    %dma_start3A_3 = arith.constant 0 : i32
    %dma_start3A_4 = tpu.memref_slice %arg6[%dma_start3A, %dma_start3A_3] : memref<80x128xi32, #tpu.memory_space<vmem>> -> memref<1x128xi32, #tpu.memory_space<vmem>>
    %dma_start3A_5 = tpu.memref_squeeze %dma_start3A_4 : memref<1x128xi32, #tpu.memory_space<vmem>> -> memref<128xi32, #tpu.memory_space<vmem>>
    %dma_start3A_6 = arith.constant 0 : i32
    %dma_start3A_7 = arith.constant 0 : i32
    %dma_start3A_8 = tpu.memref_slice %arg8[%dma_start3A_6, %dma_start3A_7] : memref<10112x16xf32, #tpu.memory_space<vmem_shared>> -> memref<10112x16xf32, #tpu.memory_space<vmem_shared>>
    tpu.enqueue_indirect_dma source(%arg7 : memref<128x16xf32, #tpu.memory_space<vmem>>) target(%dma_start3A_8 : memref<10112x16xf32, #tpu.memory_space<vmem_shared>>) offsets(%dma_start3A_5 : memref<128xi32, #tpu.memory_space<vmem>>) semaphore(%arg9 : memref<!tpu.dma_semaphore, #tpu.memory_space<semaphore_mem>>) {add = true}
    %dma_start3A_9 = arith.constant 1 : i32
    %dma_start3A_10 = arith.constant 0 : i32
    %dma_start3A_11 = tpu.memref_slice %arg6[%dma_start3A_9, %dma_start3A_10] : memref<80x128xi32, #tpu.memory_space<vmem>> -> memref<1x128xi32, #tpu.memory_space<vmem>>
    %dma_start3A_12 = tpu.memref_squeeze %dma_start3A_11 : memref<1x128xi32, #tpu.memory_space<vmem>> -> memref<128xi32, #tpu.memory_space<vmem>>
    %dma_start3A_13 = arith.constant 0 : i32
    %dma_start3A_14 = arith.constant 0 : i32
    %dma_start3A_15 = tpu.memref_slice %arg8[%dma_start3A_13, %dma_start3A_14] : memref<10112x16xf32, #tpu.memory_space<vmem_shared>> -> memref<10112x16xf32, #tpu.memory_space<vmem_shared>>
    tpu.enqueue_indirect_dma source(%arg7 : memref<128x16xf32, #tpu.memory_space<vmem>>) target(%dma_start3A_15 : memref<10112x16xf32, #tpu.memory_space<vmem_shared>>) offsets(%dma_start3A_12 : memref<128xi32, #tpu.memory_space<vmem>>) semaphore(%arg10 : memref<!tpu.dma_semaphore, #tpu.memory_space<semaphore_mem>>) {add = true}
    %dma_start3A_16 = arith.constant 2 : i32
    %dma_start3A_17 = arith.constant 0 : i32
    %dma_start3A_18 = tpu.memref_slice %arg6[%dma_start3A_16, %dma_start3A_17] : memref<80x128xi32, #tpu.memory_space<vmem>> -> memref<1x128xi32, #tpu.memory_space<vmem>>
    %dma_start3A_19 = tpu.memref_squeeze %dma_start3A_18 : memref<1x128xi32, #tpu.memory_space<vmem>> -> memref<128xi32, #tpu.memory_space<vmem>>
    %dma_start3A_20 = arith.constant 0 : i32
    %dma_start3A_21 = arith.constant 0 : i32
    %dma_start3A_22 = tpu.memref_slice %arg8[%dma_start3A_20, %dma_start3A_21] : memref<10112x16xf32, #tpu.memory_space<vmem_shared>> -> memref<10112x16xf32, #tpu.memory_space<vmem_shared>>
    tpu.enqueue_indirect_dma source(%arg7 : memref<128x16xf32, #tpu.memory_space<vmem>>) target(%dma_start3A_22 : memref<10112x16xf32, #tpu.memory_space<vmem_shared>>) offsets(%dma_start3A_19 : memref<128xi32, #tpu.memory_space<vmem>>) semaphore(%arg11 : memref<!tpu.dma_semaphore, #tpu.memory_space<semaphore_mem>>) {add = true}
    %dma_start3A_23 = arith.constant 3 : i32
    %dma_start3A_24 = arith.constant 0 : i32
    %dma_start3A_25 = tpu.memref_slice %arg6[%dma_start3A_23, %dma_start3A_24] : memref<80x128xi32, #tpu.memory_space<vmem>> -> memref<1x128xi32, #tpu.memory_space<vmem>>
    %dma_start3A_26 = tpu.memref_squeeze %dma_start3A_25 : memref<1x128xi32, #tpu.memory_space<vmem>> -> memref<128xi32, #tpu.memory_space<vmem>>
    %dma_start3A_27 = arith.constant 0 : i32
    %dma_start3A_28 = arith.constant 0 : i32
    %dma_start3A_29 = tpu.memref_slice %arg8[%dma_start3A_27, %dma_start3A_28] : memref<10112x16xf32, #tpu.memory_space<vmem_shared>> -> memref<10112x16xf32, #tpu.memory_space<vmem_shared>>
    tpu.enqueue_indirect_dma source(%arg7 : memref<128x16xf32, #tpu.memory_space<vmem>>) target(%dma_start3A_29 : memref<10112x16xf32, #tpu.memory_space<vmem_shared>>) offsets(%dma_start3A_26 : memref<128xi32, #tpu.memory_space<vmem>>) semaphore(%arg12 : memref<!tpu.dma_semaphore, #tpu.memory_space<semaphore_mem>>) {add = true}
    %dma_start3A_30 = arith.constant 4 : i32
    %dma_start3A_31 = arith.constant 0 : i32
    %dma_start3A_32 = tpu.memref_slice %arg6[%dma_start3A_30, %dma_start3A_31] : memref<80x128xi32, #tpu.memory_space<vmem>> -> memref<1x128xi32, #tpu.memory_space<vmem>>
    %dma_start3A_33 = tpu.memref_squeeze %dma_start3A_32 : memref<1x128xi32, #tpu.memory_space<vmem>> -> memref<128xi32, #tpu.memory_space<vmem>>
    %dma_start3A_34 = arith.constant 0 : i32
    %dma_start3A_35 = arith.constant 0 : i32
    %dma_start3A_36 = tpu.memref_slice %arg8[%dma_start3A_34, %dma_start3A_35] : memref<10112x16xf32, #tpu.memory_space<vmem_shared>> -> memref<10112x16xf32, #tpu.memory_space<vmem_shared>>
    tpu.enqueue_indirect_dma source(%arg7 : memref<128x16xf32, #tpu.memory_space<vmem>>) target(%dma_start3A_36 : memref<10112x16xf32, #tpu.memory_space<vmem_shared>>) offsets(%dma_start3A_33 : memref<128xi32, #tpu.memory_space<vmem>>) semaphore(%arg13 : memref<!tpu.dma_semaphore, #tpu.memory_space<semaphore_mem>>) {add = true}
    %dma_start3A_37 = arith.constant 5 : i32
    %dma_start3A_38 = arith.constant 0 : i32
    %dma_start3A_39 = tpu.memref_slice %arg6[%dma_start3A_37, %dma_start3A_38] : memref<80x128xi32, #tpu.memory_space<vmem>> -> memref<1x128xi32, #tpu.memory_space<vmem>>
    %dma_start3A_40 = tpu.memref_squeeze %dma_start3A_39 : memref<1x128xi32, #tpu.memory_space<vmem>> -> memref<128xi32, #tpu.memory_space<vmem>>
    %dma_start3A_41 = arith.constant 0 : i32
    %dma_start3A_42 = arith.constant 0 : i32
    %dma_start3A_43 = tpu.memref_slice %arg8[%dma_start3A_41, %dma_start3A_42] : memref<10112x16xf32, #tpu.memory_space<vmem_shared>> -> memref<10112x16xf32, #tpu.memory_space<vmem_shared>>
    tpu.enqueue_indirect_dma source(%arg7 : memref<128x16xf32, #tpu.memory_space<vmem>>) target(%dma_start3A_43 : memref<10112x16xf32, #tpu.memory_space<vmem_shared>>) offsets(%dma_start3A_40 : memref<128xi32, #tpu.memory_space<vmem>>) semaphore(%arg14 : memref<!tpu.dma_semaphore, #tpu.memory_space<semaphore_mem>>) {add = true}
    %dma_start3A_44 = arith.constant 6 : i32
    %dma_start3A_45 = arith.constant 0 : i32
    %dma_start3A_46 = tpu.memref_slice %arg6[%dma_start3A_44, %dma_start3A_45] : memref<80x128xi32, #tpu.memory_space<vmem>> -> memref<1x128xi32, #tpu.memory_space<vmem>>
    %dma_start3A_47 = tpu.memref_squeeze %dma_start3A_46 : memref<1x128xi32, #tpu.memory_space<vmem>> -> memref<128xi32, #tpu.memory_space<vmem>>
    %dma_start3A_48 = arith.constant 0 : i32
    %dma_start3A_49 = arith.constant 0 : i32
    %dma_start3A_50 = tpu.memref_slice %arg8[%dma_start3A_48, %dma_start3A_49] : memref<10112x16xf32, #tpu.memory_space<vmem_shared>> -> memref<10112x16xf32, #tpu.memory_space<vmem_shared>>
    tpu.enqueue_indirect_dma source(%arg7 : memref<128x16xf32, #tpu.memory_space<vmem>>) target(%dma_start3A_50 : memref<10112x16xf32, #tpu.memory_space<vmem_shared>>) offsets(%dma_start3A_47 : memref<128xi32, #tpu.memory_space<vmem>>) semaphore(%arg15 : memref<!tpu.dma_semaphore, #tpu.memory_space<semaphore_mem>>) {add = true}
    %dma_start3A_51 = arith.constant 7 : i32
    %dma_start3A_52 = arith.constant 0 : i32
    %dma_start3A_53 = tpu.memref_slice %arg6[%dma_start3A_51, %dma_start3A_52] : memref<80x128xi32, #tpu.memory_space<vmem>> -> memref<1x128xi32, #tpu.memory_space<vmem>>
    %dma_start3A_54 = tpu.memref_squeeze %dma_start3A_53 : memref<1x128xi32, #tpu.memory_space<vmem>> -> memref<128xi32, #tpu.memory_space<vmem>>
    %dma_start3A_55 = arith.constant 0 : i32
    %dma_start3A_56 = arith.constant 0 : i32
    %dma_start3A_57 = tpu.memref_slice %arg8[%dma_start3A_55, %dma_start3A_56] : memref<10112x16xf32, #tpu.memory_space<vmem_shared>> -> memref<10112x16xf32, #tpu.memory_space<vmem_shared>>
    tpu.enqueue_indirect_dma source(%arg7 : memref<128x16xf32, #tpu.memory_space<vmem>>) target(%dma_start3A_57 : memref<10112x16xf32, #tpu.memory_space<vmem_shared>>) offsets(%dma_start3A_54 : memref<128xi32, #tpu.memory_space<vmem>>) semaphore(%arg16 : memref<!tpu.dma_semaphore, #tpu.memory_space<semaphore_mem>>) {add = true}
    %scan3A = arith.constant 0 : i32
    %scan3A_58 = arith.constant 0 : i32
    %scan3A_59 = arith.constant 9 : i32
    %scan3A_60 = arith.addi %scan3A_58, %scan3A_59 : i32
    %scan3A_61 = arith.constant 1 : i32
    scf.for %scan3A_119 = %scan3A_58 to %scan3A_60 step %scan3A_61  : i32 {
      %mul3A_120 = arith.constant 8 : i32
      %mul3A_121 = arith.muli %mul3A_120, %scan3A_119 : i32
      %add3A_122 = arith.constant 8 : i32
      %add3A_123 = arith.addi %mul3A_121, %add3A_122 : i32
      %add3A_124 = arith.constant 0 : i32
      %add3A_125 = arith.addi %add3A_123, %add3A_124 : i32
      %sub3A = arith.constant 8 : i32
      %sub3A_126 = arith.subi %add3A_125, %sub3A : i32
      %dma_wait3A_127 = arith.constant 0 : i32
      %dma_wait3A_128 = tpu.memref_slice %arg6[%sub3A_126, %dma_wait3A_127] : memref<80x128xi32, #tpu.memory_space<vmem>> -> memref<1x128xi32, #tpu.memory_space<vmem>>
      %dma_wait3A_129 = tpu.memref_squeeze %dma_wait3A_128 : memref<1x128xi32, #tpu.memory_space<vmem>> -> memref<128xi32, #tpu.memory_space<vmem>>
      %dma_wait3A_130 = arith.constant 0 : i32
      %dma_wait3A_131 = arith.constant 0 : i32
      %dma_wait3A_132 = tpu.memref_slice %arg8[%dma_wait3A_130, %dma_wait3A_131] : memref<10112x16xf32, #tpu.memory_space<vmem_shared>> -> memref<10112x16xf32, #tpu.memory_space<vmem_shared>>
      tpu.wait_indirect_dma semaphore(%arg9 : memref<!tpu.dma_semaphore, #tpu.memory_space<semaphore_mem>>) src(%arg7 : memref<128x16xf32, #tpu.memory_space<vmem>>) dst(%dma_wait3A_132 : memref<10112x16xf32, #tpu.memory_space<vmem_shared>>)
      %dma_start3A_133 = arith.constant 0 : i32
      %dma_start3A_134 = tpu.memref_slice %arg6[%add3A_125, %dma_start3A_133] : memref<80x128xi32, #tpu.memory_space<vmem>> -> memref<1x128xi32, #tpu.memory_space<vmem>>
      %dma_start3A_135 = tpu.memref_squeeze %dma_start3A_134 : memref<1x128xi32, #tpu.memory_space<vmem>> -> memref<128xi32, #tpu.memory_space<vmem>>
      %dma_start3A_136 = arith.constant 0 : i32
      %dma_start3A_137 = arith.constant 0 : i32
      %dma_start3A_138 = tpu.memref_slice %arg8[%dma_start3A_136, %dma_start3A_137] : memref<10112x16xf32, #tpu.memory_space<vmem_shared>> -> memref<10112x16xf32, #tpu.memory_space<vmem_shared>>
      tpu.enqueue_indirect_dma source(%arg7 : memref<128x16xf32, #tpu.memory_space<vmem>>) target(%dma_start3A_138 : memref<10112x16xf32, #tpu.memory_space<vmem_shared>>) offsets(%dma_start3A_135 : memref<128xi32, #tpu.memory_space<vmem>>) semaphore(%arg9 : memref<!tpu.dma_semaphore, #tpu.memory_space<semaphore_mem>>) {add = true}
      %mul3A_139 = arith.constant 8 : i32
      %mul3A_140 = arith.muli %mul3A_139, %scan3A_119 : i32
      %add3A_141 = arith.constant 8 : i32
      %add3A_142 = arith.addi %mul3A_140, %add3A_141 : i32
      %add3A_143 = arith.constant 1 : i32
      %add3A_144 = arith.addi %add3A_142, %add3A_143 : i32
      %sub3A_145 = arith.constant 8 : i32
      %sub3A_146 = arith.subi %add3A_144, %sub3A_145 : i32
      %dma_wait3A_147 = arith.constant 0 : i32
      %dma_wait3A_148 = tpu.memref_slice %arg6[%sub3A_146, %dma_wait3A_147] : memref<80x128xi32, #tpu.memory_space<vmem>> -> memref<1x128xi32, #tpu.memory_space<vmem>>
      %dma_wait3A_149 = tpu.memref_squeeze %dma_wait3A_148 : memref<1x128xi32, #tpu.memory_space<vmem>> -> memref<128xi32, #tpu.memory_space<vmem>>
      %dma_wait3A_150 = arith.constant 0 : i32
      %dma_wait3A_151 = arith.constant 0 : i32
      %dma_wait3A_152 = tpu.memref_slice %arg8[%dma_wait3A_150, %dma_wait3A_151] : memref<10112x16xf32, #tpu.memory_space<vmem_shared>> -> memref<10112x16xf32, #tpu.memory_space<vmem_shared>>
      tpu.wait_indirect_dma semaphore(%arg10 : memref<!tpu.dma_semaphore, #tpu.memory_space<semaphore_mem>>) src(%arg7 : memref<128x16xf32, #tpu.memory_space<vmem>>) dst(%dma_wait3A_152 : memref<10112x16xf32, #tpu.memory_space<vmem_shared>>)
      %dma_start3A_153 = arith.constant 0 : i32
      %dma_start3A_154 = tpu.memref_slice %arg6[%add3A_144, %dma_start3A_153] : memref<80x128xi32, #tpu.memory_space<vmem>> -> memref<1x128xi32, #tpu.memory_space<vmem>>
      %dma_start3A_155 = tpu.memref_squeeze %dma_start3A_154 : memref<1x128xi32, #tpu.memory_space<vmem>> -> memref<128xi32, #tpu.memory_space<vmem>>
      %dma_start3A_156 = arith.constant 0 : i32
      %dma_start3A_157 = arith.constant 0 : i32
      %dma_start3A_158 = tpu.memref_slice %arg8[%dma_start3A_156, %dma_start3A_157] : memref<10112x16xf32, #tpu.memory_space<vmem_shared>> -> memref<10112x16xf32, #tpu.memory_space<vmem_shared>>
      tpu.enqueue_indirect_dma source(%arg7 : memref<128x16xf32, #tpu.memory_space<vmem>>) target(%dma_start3A_158 : memref<10112x16xf32, #tpu.memory_space<vmem_shared>>) offsets(%dma_start3A_155 : memref<128xi32, #tpu.memory_space<vmem>>) semaphore(%arg10 : memref<!tpu.dma_semaphore, #tpu.memory_space<semaphore_mem>>) {add = true}
      %mul3A_159 = arith.constant 8 : i32
      %mul3A_160 = arith.muli %mul3A_159, %scan3A_119 : i32
      %add3A_161 = arith.constant 8 : i32
      %add3A_162 = arith.addi %mul3A_160, %add3A_161 : i32
      %add3A_163 = arith.constant 2 : i32
      %add3A_164 = arith.addi %add3A_162, %add3A_163 : i32
      %sub3A_165 = arith.constant 8 : i32
      %sub3A_166 = arith.subi %add3A_164, %sub3A_165 : i32
      %dma_wait3A_167 = arith.constant 0 : i32
      %dma_wait3A_168 = tpu.memref_slice %arg6[%sub3A_166, %dma_wait3A_167] : memref<80x128xi32, #tpu.memory_space<vmem>> -> memref<1x128xi32, #tpu.memory_space<vmem>>
      %dma_wait3A_169 = tpu.memref_squeeze %dma_wait3A_168 : memref<1x128xi32, #tpu.memory_space<vmem>> -> memref<128xi32, #tpu.memory_space<vmem>>
      %dma_wait3A_170 = arith.constant 0 : i32
      %dma_wait3A_171 = arith.constant 0 : i32
      %dma_wait3A_172 = tpu.memref_slice %arg8[%dma_wait3A_170, %dma_wait3A_171] : memref<10112x16xf32, #tpu.memory_space<vmem_shared>> -> memref<10112x16xf32, #tpu.memory_space<vmem_shared>>
      tpu.wait_indirect_dma semaphore(%arg11 : memref<!tpu.dma_semaphore, #tpu.memory_space<semaphore_mem>>) src(%arg7 : memref<128x16xf32, #tpu.memory_space<vmem>>) dst(%dma_wait3A_172 : memref<10112x16xf32, #tpu.memory_space<vmem_shared>>)
      %dma_start3A_173 = arith.constant 0 : i32
      %dma_start3A_174 = tpu.memref_slice %arg6[%add3A_164, %dma_start3A_173] : memref<80x128xi32, #tpu.memory_space<vmem>> -> memref<1x128xi32, #tpu.memory_space<vmem>>
      %dma_start3A_175 = tpu.memref_squeeze %dma_start3A_174 : memref<1x128xi32, #tpu.memory_space<vmem>> -> memref<128xi32, #tpu.memory_space<vmem>>
      %dma_start3A_176 = arith.constant 0 : i32
      %dma_start3A_177 = arith.constant 0 : i32
      %dma_start3A_178 = tpu.memref_slice %arg8[%dma_start3A_176, %dma_start3A_177] : memref<10112x16xf32, #tpu.memory_space<vmem_shared>> -> memref<10112x16xf32, #tpu.memory_space<vmem_shared>>
      tpu.enqueue_indirect_dma source(%arg7 : memref<128x16xf32, #tpu.memory_space<vmem>>) target(%dma_start3A_178 : memref<10112x16xf32, #tpu.memory_space<vmem_shared>>) offsets(%dma_start3A_175 : memref<128xi32, #tpu.memory_space<vmem>>) semaphore(%arg11 : memref<!tpu.dma_semaphore, #tpu.memory_space<semaphore_mem>>) {add = true}
      %mul3A_179 = arith.constant 8 : i32
      %mul3A_180 = arith.muli %mul3A_179, %scan3A_119 : i32
      %add3A_181 = arith.constant 8 : i32
      %add3A_182 = arith.addi %mul3A_180, %add3A_181 : i32
      %add3A_183 = arith.constant 3 : i32
      %add3A_184 = arith.addi %add3A_182, %add3A_183 : i32
      %sub3A_185 = arith.constant 8 : i32
      %sub3A_186 = arith.subi %add3A_184, %sub3A_185 : i32
      %dma_wait3A_187 = arith.constant 0 : i32
      %dma_wait3A_188 = tpu.memref_slice %arg6[%sub3A_186, %dma_wait3A_187] : memref<80x128xi32, #tpu.memory_space<vmem>> -> memref<1x128xi32, #tpu.memory_space<vmem>>
      %dma_wait3A_189 = tpu.memref_squeeze %dma_wait3A_188 : memref<1x128xi32, #tpu.memory_space<vmem>> -> memref<128xi32, #tpu.memory_space<vmem>>
      %dma_wait3A_190 = arith.constant 0 : i32
      %dma_wait3A_191 = arith.constant 0 : i32
      %dma_wait3A_192 = tpu.memref_slice %arg8[%dma_wait3A_190, %dma_wait3A_191] : memref<10112x16xf32, #tpu.memory_space<vmem_shared>> -> memref<10112x16xf32, #tpu.memory_space<vmem_shared>>
      tpu.wait_indirect_dma semaphore(%arg12 : memref<!tpu.dma_semaphore, #tpu.memory_space<semaphore_mem>>) src(%arg7 : memref<128x16xf32, #tpu.memory_space<vmem>>) dst(%dma_wait3A_192 : memref<10112x16xf32, #tpu.memory_space<vmem_shared>>)
      %dma_start3A_193 = arith.constant 0 : i32
      %dma_start3A_194 = tpu.memref_slice %arg6[%add3A_184, %dma_start3A_193] : memref<80x128xi32, #tpu.memory_space<vmem>> -> memref<1x128xi32, #tpu.memory_space<vmem>>
      %dma_start3A_195 = tpu.memref_squeeze %dma_start3A_194 : memref<1x128xi32, #tpu.memory_space<vmem>> -> memref<128xi32, #tpu.memory_space<vmem>>
      %dma_start3A_196 = arith.constant 0 : i32
      %dma_start3A_197 = arith.constant 0 : i32
      %dma_start3A_198 = tpu.memref_slice %arg8[%dma_start3A_196, %dma_start3A_197] : memref<10112x16xf32, #tpu.memory_space<vmem_shared>> -> memref<10112x16xf32, #tpu.memory_space<vmem_shared>>
      tpu.enqueue_indirect_dma source(%arg7 : memref<128x16xf32, #tpu.memory_space<vmem>>) target(%dma_start3A_198 : memref<10112x16xf32, #tpu.memory_space<vmem_shared>>) offsets(%dma_start3A_195 : memref<128xi32, #tpu.memory_space<vmem>>) semaphore(%arg12 : memref<!tpu.dma_semaphore, #tpu.memory_space<semaphore_mem>>) {add = true}
      %mul3A_199 = arith.constant 8 : i32
      %mul3A_200 = arith.muli %mul3A_199, %scan3A_119 : i32
      %add3A_201 = arith.constant 8 : i32
      %add3A_202 = arith.addi %mul3A_200, %add3A_201 : i32
      %add3A_203 = arith.constant 4 : i32
      %add3A_204 = arith.addi %add3A_202, %add3A_203 : i32
      %sub3A_205 = arith.constant 8 : i32
      %sub3A_206 = arith.subi %add3A_204, %sub3A_205 : i32
      %dma_wait3A_207 = arith.constant 0 : i32
      %dma_wait3A_208 = tpu.memref_slice %arg6[%sub3A_206, %dma_wait3A_207] : memref<80x128xi32, #tpu.memory_space<vmem>> -> memref<1x128xi32, #tpu.memory_space<vmem>>
      %dma_wait3A_209 = tpu.memref_squeeze %dma_wait3A_208 : memref<1x128xi32, #tpu.memory_space<vmem>> -> memref<128xi32, #tpu.memory_space<vmem>>
      %dma_wait3A_210 = arith.constant 0 : i32
      %dma_wait3A_211 = arith.constant 0 : i32
      %dma_wait3A_212 = tpu.memref_slice %arg8[%dma_wait3A_210, %dma_wait3A_211] : memref<10112x16xf32, #tpu.memory_space<vmem_shared>> -> memref<10112x16xf32, #tpu.memory_space<vmem_shared>>
      tpu.wait_indirect_dma semaphore(%arg13 : memref<!tpu.dma_semaphore, #tpu.memory_space<semaphore_mem>>) src(%arg7 : memref<128x16xf32, #tpu.memory_space<vmem>>) dst(%dma_wait3A_212 : memref<10112x16xf32, #tpu.memory_space<vmem_shared>>)
      %dma_start3A_213 = arith.constant 0 : i32
      %dma_start3A_214 = tpu.memref_slice %arg6[%add3A_204, %dma_start3A_213] : memref<80x128xi32, #tpu.memory_space<vmem>> -> memref<1x128xi32, #tpu.memory_space<vmem>>
      %dma_start3A_215 = tpu.memref_squeeze %dma_start3A_214 : memref<1x128xi32, #tpu.memory_space<vmem>> -> memref<128xi32, #tpu.memory_space<vmem>>
      %dma_start3A_216 = arith.constant 0 : i32
      %dma_start3A_217 = arith.constant 0 : i32
      %dma_start3A_218 = tpu.memref_slice %arg8[%dma_start3A_216, %dma_start3A_217] : memref<10112x16xf32, #tpu.memory_space<vmem_shared>> -> memref<10112x16xf32, #tpu.memory_space<vmem_shared>>
      tpu.enqueue_indirect_dma source(%arg7 : memref<128x16xf32, #tpu.memory_space<vmem>>) target(%dma_start3A_218 : memref<10112x16xf32, #tpu.memory_space<vmem_shared>>) offsets(%dma_start3A_215 : memref<128xi32, #tpu.memory_space<vmem>>) semaphore(%arg13 : memref<!tpu.dma_semaphore, #tpu.memory_space<semaphore_mem>>) {add = true}
      %mul3A_219 = arith.constant 8 : i32
      %mul3A_220 = arith.muli %mul3A_219, %scan3A_119 : i32
      %add3A_221 = arith.constant 8 : i32
      %add3A_222 = arith.addi %mul3A_220, %add3A_221 : i32
      %add3A_223 = arith.constant 5 : i32
      %add3A_224 = arith.addi %add3A_222, %add3A_223 : i32
      %sub3A_225 = arith.constant 8 : i32
      %sub3A_226 = arith.subi %add3A_224, %sub3A_225 : i32
      %dma_wait3A_227 = arith.constant 0 : i32
      %dma_wait3A_228 = tpu.memref_slice %arg6[%sub3A_226, %dma_wait3A_227] : memref<80x128xi32, #tpu.memory_space<vmem>> -> memref<1x128xi32, #tpu.memory_space<vmem>>
      %dma_wait3A_229 = tpu.memref_squeeze %dma_wait3A_228 : memref<1x128xi32, #tpu.memory_space<vmem>> -> memref<128xi32, #tpu.memory_space<vmem>>
      %dma_wait3A_230 = arith.constant 0 : i32
      %dma_wait3A_231 = arith.constant 0 : i32
      %dma_wait3A_232 = tpu.memref_slice %arg8[%dma_wait3A_230, %dma_wait3A_231] : memref<10112x16xf32, #tpu.memory_space<vmem_shared>> -> memref<10112x16xf32, #tpu.memory_space<vmem_shared>>
      tpu.wait_indirect_dma semaphore(%arg14 : memref<!tpu.dma_semaphore, #tpu.memory_space<semaphore_mem>>) src(%arg7 : memref<128x16xf32, #tpu.memory_space<vmem>>) dst(%dma_wait3A_232 : memref<10112x16xf32, #tpu.memory_space<vmem_shared>>)
      %dma_start3A_233 = arith.constant 0 : i32
      %dma_start3A_234 = tpu.memref_slice %arg6[%add3A_224, %dma_start3A_233] : memref<80x128xi32, #tpu.memory_space<vmem>> -> memref<1x128xi32, #tpu.memory_space<vmem>>
      %dma_start3A_235 = tpu.memref_squeeze %dma_start3A_234 : memref<1x128xi32, #tpu.memory_space<vmem>> -> memref<128xi32, #tpu.memory_space<vmem>>
      %dma_start3A_236 = arith.constant 0 : i32
      %dma_start3A_237 = arith.constant 0 : i32
      %dma_start3A_238 = tpu.memref_slice %arg8[%dma_start3A_236, %dma_start3A_237] : memref<10112x16xf32, #tpu.memory_space<vmem_shared>> -> memref<10112x16xf32, #tpu.memory_space<vmem_shared>>
      tpu.enqueue_indirect_dma source(%arg7 : memref<128x16xf32, #tpu.memory_space<vmem>>) target(%dma_start3A_238 : memref<10112x16xf32, #tpu.memory_space<vmem_shared>>) offsets(%dma_start3A_235 : memref<128xi32, #tpu.memory_space<vmem>>) semaphore(%arg14 : memref<!tpu.dma_semaphore, #tpu.memory_space<semaphore_mem>>) {add = true}
      %mul3A_239 = arith.constant 8 : i32
      %mul3A_240 = arith.muli %mul3A_239, %scan3A_119 : i32
      %add3A_241 = arith.constant 8 : i32
      %add3A_242 = arith.addi %mul3A_240, %add3A_241 : i32
      %add3A_243 = arith.constant 6 : i32
      %add3A_244 = arith.addi %add3A_242, %add3A_243 : i32
      %sub3A_245 = arith.constant 8 : i32
      %sub3A_246 = arith.subi %add3A_244, %sub3A_245 : i32
      %dma_wait3A_247 = arith.constant 0 : i32
      %dma_wait3A_248 = tpu.memref_slice %arg6[%sub3A_246, %dma_wait3A_247] : memref<80x128xi32, #tpu.memory_space<vmem>> -> memref<1x128xi32, #tpu.memory_space<vmem>>
      %dma_wait3A_249 = tpu.memref_squeeze %dma_wait3A_248 : memref<1x128xi32, #tpu.memory_space<vmem>> -> memref<128xi32, #tpu.memory_space<vmem>>
      %dma_wait3A_250 = arith.constant 0 : i32
      %dma_wait3A_251 = arith.constant 0 : i32
      %dma_wait3A_252 = tpu.memref_slice %arg8[%dma_wait3A_250, %dma_wait3A_251] : memref<10112x16xf32, #tpu.memory_space<vmem_shared>> -> memref<10112x16xf32, #tpu.memory_space<vmem_shared>>
      tpu.wait_indirect_dma semaphore(%arg15 : memref<!tpu.dma_semaphore, #tpu.memory_space<semaphore_mem>>) src(%arg7 : memref<128x16xf32, #tpu.memory_space<vmem>>) dst(%dma_wait3A_252 : memref<10112x16xf32, #tpu.memory_space<vmem_shared>>)
      %dma_start3A_253 = arith.constant 0 : i32
      %dma_start3A_254 = tpu.memref_slice %arg6[%add3A_244, %dma_start3A_253] : memref<80x128xi32, #tpu.memory_space<vmem>> -> memref<1x128xi32, #tpu.memory_space<vmem>>
      %dma_start3A_255 = tpu.memref_squeeze %dma_start3A_254 : memref<1x128xi32, #tpu.memory_space<vmem>> -> memref<128xi32, #tpu.memory_space<vmem>>
      %dma_start3A_256 = arith.constant 0 : i32
      %dma_start3A_257 = arith.constant 0 : i32
      %dma_start3A_258 = tpu.memref_slice %arg8[%dma_start3A_256, %dma_start3A_257] : memref<10112x16xf32, #tpu.memory_space<vmem_shared>> -> memref<10112x16xf32, #tpu.memory_space<vmem_shared>>
      tpu.enqueue_indirect_dma source(%arg7 : memref<128x16xf32, #tpu.memory_space<vmem>>) target(%dma_start3A_258 : memref<10112x16xf32, #tpu.memory_space<vmem_shared>>) offsets(%dma_start3A_255 : memref<128xi32, #tpu.memory_space<vmem>>) semaphore(%arg15 : memref<!tpu.dma_semaphore, #tpu.memory_space<semaphore_mem>>) {add = true}
      %mul3A_259 = arith.constant 8 : i32
      %mul3A_260 = arith.muli %mul3A_259, %scan3A_119 : i32
      %add3A_261 = arith.constant 8 : i32
      %add3A_262 = arith.addi %mul3A_260, %add3A_261 : i32
      %add3A_263 = arith.constant 7 : i32
      %add3A_264 = arith.addi %add3A_262, %add3A_263 : i32
      %sub3A_265 = arith.constant 8 : i32
      %sub3A_266 = arith.subi %add3A_264, %sub3A_265 : i32
      %dma_wait3A_267 = arith.constant 0 : i32
      %dma_wait3A_268 = tpu.memref_slice %arg6[%sub3A_266, %dma_wait3A_267] : memref<80x128xi32, #tpu.memory_space<vmem>> -> memref<1x128xi32, #tpu.memory_space<vmem>>
      %dma_wait3A_269 = tpu.memref_squeeze %dma_wait3A_268 : memref<1x128xi32, #tpu.memory_space<vmem>> -> memref<128xi32, #tpu.memory_space<vmem>>
      %dma_wait3A_270 = arith.constant 0 : i32
      %dma_wait3A_271 = arith.constant 0 : i32
      %dma_wait3A_272 = tpu.memref_slice %arg8[%dma_wait3A_270, %dma_wait3A_271] : memref<10112x16xf32, #tpu.memory_space<vmem_shared>> -> memref<10112x16xf32, #tpu.memory_space<vmem_shared>>
      tpu.wait_indirect_dma semaphore(%arg16 : memref<!tpu.dma_semaphore, #tpu.memory_space<semaphore_mem>>) src(%arg7 : memref<128x16xf32, #tpu.memory_space<vmem>>) dst(%dma_wait3A_272 : memref<10112x16xf32, #tpu.memory_space<vmem_shared>>)
      %dma_start3A_273 = arith.constant 0 : i32
      %dma_start3A_274 = tpu.memref_slice %arg6[%add3A_264, %dma_start3A_273] : memref<80x128xi32, #tpu.memory_space<vmem>> -> memref<1x128xi32, #tpu.memory_space<vmem>>
      %dma_start3A_275 = tpu.memref_squeeze %dma_start3A_274 : memref<1x128xi32, #tpu.memory_space<vmem>> -> memref<128xi32, #tpu.memory_space<vmem>>
      %dma_start3A_276 = arith.constant 0 : i32
      %dma_start3A_277 = arith.constant 0 : i32
      %dma_start3A_278 = tpu.memref_slice %arg8[%dma_start3A_276, %dma_start3A_277] : memref<10112x16xf32, #tpu.memory_space<vmem_shared>> -> memref<10112x16xf32, #tpu.memory_space<vmem_shared>>
      tpu.enqueue_indirect_dma source(%arg7 : memref<128x16xf32, #tpu.memory_space<vmem>>) target(%dma_start3A_278 : memref<10112x16xf32, #tpu.memory_space<vmem_shared>>) offsets(%dma_start3A_275 : memref<128xi32, #tpu.memory_space<vmem>>) semaphore(%arg16 : memref<!tpu.dma_semaphore, #tpu.memory_space<semaphore_mem>>) {add = true}
    }
    %scan3A_62 = arith.constant 9 : i32
    %dma_wait3A = arith.constant 72 : i32
    %dma_wait3A_63 = arith.constant 0 : i32
    %dma_wait3A_64 = tpu.memref_slice %arg6[%dma_wait3A, %dma_wait3A_63] : memref<80x128xi32, #tpu.memory_space<vmem>> -> memref<1x128xi32, #tpu.memory_space<vmem>>
    %dma_wait3A_65 = tpu.memref_squeeze %dma_wait3A_64 : memref<1x128xi32, #tpu.memory_space<vmem>> -> memref<128xi32, #tpu.memory_space<vmem>>
    %dma_wait3A_66 = arith.constant 0 : i32
    %dma_wait3A_67 = arith.constant 0 : i32
    %dma_wait3A_68 = tpu.memref_slice %arg8[%dma_wait3A_66, %dma_wait3A_67] : memref<10112x16xf32, #tpu.memory_space<vmem_shared>> -> memref<10112x16xf32, #tpu.memory_space<vmem_shared>>
    tpu.wait_indirect_dma semaphore(%arg9 : memref<!tpu.dma_semaphore, #tpu.memory_space<semaphore_mem>>) src(%arg7 : memref<128x16xf32, #tpu.memory_space<vmem>>) dst(%dma_wait3A_68 : memref<10112x16xf32, #tpu.memory_space<vmem_shared>>)
    %dma_wait3A_69 = arith.constant 73 : i32
    %dma_wait3A_70 = arith.constant 0 : i32
    %dma_wait3A_71 = tpu.memref_slice %arg6[%dma_wait3A_69, %dma_wait3A_70] : memref<80x128xi32, #tpu.memory_space<vmem>> -> memref<1x128xi32, #tpu.memory_space<vmem>>
    %dma_wait3A_72 = tpu.memref_squeeze %dma_wait3A_71 : memref<1x128xi32, #tpu.memory_space<vmem>> -> memref<128xi32, #tpu.memory_space<vmem>>
    %dma_wait3A_73 = arith.constant 0 : i32
    %dma_wait3A_74 = arith.constant 0 : i32
    %dma_wait3A_75 = tpu.memref_slice %arg8[%dma_wait3A_73, %dma_wait3A_74] : memref<10112x16xf32, #tpu.memory_space<vmem_shared>> -> memref<10112x16xf32, #tpu.memory_space<vmem_shared>>
    tpu.wait_indirect_dma semaphore(%arg10 : memref<!tpu.dma_semaphore, #tpu.memory_space<semaphore_mem>>) src(%arg7 : memref<128x16xf32, #tpu.memory_space<vmem>>) dst(%dma_wait3A_75 : memref<10112x16xf32, #tpu.memory_space<vmem_shared>>)
    %dma_wait3A_76 = arith.constant 74 : i32
    %dma_wait3A_77 = arith.constant 0 : i32
    %dma_wait3A_78 = tpu.memref_slice %arg6[%dma_wait3A_76, %dma_wait3A_77] : memref<80x128xi32, #tpu.memory_space<vmem>> -> memref<1x128xi32, #tpu.memory_space<vmem>>
    %dma_wait3A_79 = tpu.memref_squeeze %dma_wait3A_78 : memref<1x128xi32, #tpu.memory_space<vmem>> -> memref<128xi32, #tpu.memory_space<vmem>>
    %dma_wait3A_80 = arith.constant 0 : i32
    %dma_wait3A_81 = arith.constant 0 : i32
    %dma_wait3A_82 = tpu.memref_slice %arg8[%dma_wait3A_80, %dma_wait3A_81] : memref<10112x16xf32, #tpu.memory_space<vmem_shared>> -> memref<10112x16xf32, #tpu.memory_space<vmem_shared>>
    tpu.wait_indirect_dma semaphore(%arg11 : memref<!tpu.dma_semaphore, #tpu.memory_space<semaphore_mem>>) src(%arg7 : memref<128x16xf32, #tpu.memory_space<vmem>>) dst(%dma_wait3A_82 : memref<10112x16xf32, #tpu.memory_space<vmem_shared>>)
    %dma_wait3A_83 = arith.constant 75 : i32
    %dma_wait3A_84 = arith.constant 0 : i32
    %dma_wait3A_85 = tpu.memref_slice %arg6[%dma_wait3A_83, %dma_wait3A_84] : memref<80x128xi32, #tpu.memory_space<vmem>> -> memref<1x128xi32, #tpu.memory_space<vmem>>
    %dma_wait3A_86 = tpu.memref_squeeze %dma_wait3A_85 : memref<1x128xi32, #tpu.memory_space<vmem>> -> memref<128xi32, #tpu.memory_space<vmem>>
    %dma_wait3A_87 = arith.constant 0 : i32
    %dma_wait3A_88 = arith.constant 0 : i32
    %dma_wait3A_89 = tpu.memref_slice %arg8[%dma_wait3A_87, %dma_wait3A_88] : memref<10112x16xf32, #tpu.memory_space<vmem_shared>> -> memref<10112x16xf32, #tpu.memory_space<vmem_shared>>
    tpu.wait_indirect_dma semaphore(%arg12 : memref<!tpu.dma_semaphore, #tpu.memory_space<semaphore_mem>>) src(%arg7 : memref<128x16xf32, #tpu.memory_space<vmem>>) dst(%dma_wait3A_89 : memref<10112x16xf32, #tpu.memory_space<vmem_shared>>)
    %dma_wait3A_90 = arith.constant 76 : i32
    %dma_wait3A_91 = arith.constant 0 : i32
    %dma_wait3A_92 = tpu.memref_slice %arg6[%dma_wait3A_90, %dma_wait3A_91] : memref<80x128xi32, #tpu.memory_space<vmem>> -> memref<1x128xi32, #tpu.memory_space<vmem>>
    %dma_wait3A_93 = tpu.memref_squeeze %dma_wait3A_92 : memref<1x128xi32, #tpu.memory_space<vmem>> -> memref<128xi32, #tpu.memory_space<vmem>>
    %dma_wait3A_94 = arith.constant 0 : i32
    %dma_wait3A_95 = arith.constant 0 : i32
    %dma_wait3A_96 = tpu.memref_slice %arg8[%dma_wait3A_94, %dma_wait3A_95] : memref<10112x16xf32, #tpu.memory_space<vmem_shared>> -> memref<10112x16xf32, #tpu.memory_space<vmem_shared>>
    tpu.wait_indirect_dma semaphore(%arg13 : memref<!tpu.dma_semaphore, #tpu.memory_space<semaphore_mem>>) src(%arg7 : memref<128x16xf32, #tpu.memory_space<vmem>>) dst(%dma_wait3A_96 : memref<10112x16xf32, #tpu.memory_space<vmem_shared>>)
    %dma_wait3A_97 = arith.constant 77 : i32
    %dma_wait3A_98 = arith.constant 0 : i32
    %dma_wait3A_99 = tpu.memref_slice %arg6[%dma_wait3A_97, %dma_wait3A_98] : memref<80x128xi32, #tpu.memory_space<vmem>> -> memref<1x128xi32, #tpu.memory_space<vmem>>
    %dma_wait3A_100 = tpu.memref_squeeze %dma_wait3A_99 : memref<1x128xi32, #tpu.memory_space<vmem>> -> memref<128xi32, #tpu.memory_space<vmem>>
    %dma_wait3A_101 = arith.constant 0 : i32
    %dma_wait3A_102 = arith.constant 0 : i32
    %dma_wait3A_103 = tpu.memref_slice %arg8[%dma_wait3A_101, %dma_wait3A_102] : memref<10112x16xf32, #tpu.memory_space<vmem_shared>> -> memref<10112x16xf32, #tpu.memory_space<vmem_shared>>
    tpu.wait_indirect_dma semaphore(%arg14 : memref<!tpu.dma_semaphore, #tpu.memory_space<semaphore_mem>>) src(%arg7 : memref<128x16xf32, #tpu.memory_space<vmem>>) dst(%dma_wait3A_103 : memref<10112x16xf32, #tpu.memory_space<vmem_shared>>)
    %dma_wait3A_104 = arith.constant 78 : i32
    %dma_wait3A_105 = arith.constant 0 : i32
    %dma_wait3A_106 = tpu.memref_slice %arg6[%dma_wait3A_104, %dma_wait3A_105] : memref<80x128xi32, #tpu.memory_space<vmem>> -> memref<1x128xi32, #tpu.memory_space<vmem>>
    %dma_wait3A_107 = tpu.memref_squeeze %dma_wait3A_106 : memref<1x128xi32, #tpu.memory_space<vmem>> -> memref<128xi32, #tpu.memory_space<vmem>>
    %dma_wait3A_108 = arith.constant 0 : i32
    %dma_wait3A_109 = arith.constant 0 : i32
    %dma_wait3A_110 = tpu.memref_slice %arg8[%dma_wait3A_108, %dma_wait3A_109] : memref<10112x16xf32, #tpu.memory_space<vmem_shared>> -> memref<10112x16xf32, #tpu.memory_space<vmem_shared>>
    tpu.wait_indirect_dma semaphore(%arg15 : memref<!tpu.dma_semaphore, #tpu.memory_space<semaphore_mem>>) src(%arg7 : memref<128x16xf32, #tpu.memory_space<vmem>>) dst(%dma_wait3A_110 : memref<10112x16xf32, #tpu.memory_space<vmem_shared>>)
    %dma_wait3A_111 = arith.constant 79 : i32
    %dma_wait3A_112 = arith.constant 0 : i32
    %dma_wait3A_113 = tpu.memref_slice %arg6[%dma_wait3A_111, %dma_wait3A_112] : memref<80x128xi32, #tpu.memory_space<vmem>> -> memref<1x128xi32, #tpu.memory_space<vmem>>
    %dma_wait3A_114 = tpu.memref_squeeze %dma_wait3A_113 : memref<1x128xi32, #tpu.memory_space<vmem>> -> memref<128xi32, #tpu.memory_space<vmem>>
    %dma_wait3A_115 = arith.constant 0 : i32
    %dma_wait3A_116 = arith.constant 0 : i32
    %dma_wait3A_117 = tpu.memref_slice %arg8[%dma_wait3A_115, %dma_wait3A_116] : memref<10112x16xf32, #tpu.memory_space<vmem_shared>> -> memref<10112x16xf32, #tpu.memory_space<vmem_shared>>
    tpu.wait_indirect_dma semaphore(%arg16 : memref<!tpu.dma_semaphore, #tpu.memory_space<semaphore_mem>>) src(%arg7 : memref<128x16xf32, #tpu.memory_space<vmem>>) dst(%dma_wait3A_117 : memref<10112x16xf32, #tpu.memory_space<vmem_shared>>)
    %barrier3A_118 = arith.constant 0 : index
    tpu.barrier barrier_id(%barrier3A_118)
    "tpu.region"() ({
      %run_scoped3A = tpu.sem_alloc : memref<!tpu.dma_semaphore, #tpu.memory_space<semaphore_mem>>
      %dma_start3A_119 = arith.constant 0 : i32
      %dma_start3A_120 = tpu.memref_slice %arg5[%arg0, %mul3A_2, %dma_start3A_119] : memref<2x10112x16xf32, #tpu.memory_space<hbm>> -> memref<1x632x16xf32, #tpu.memory_space<hbm>>
      %dma_start3A_121 = tpu.memref_squeeze %dma_start3A_120 : memref<1x632x16xf32, #tpu.memory_space<hbm>> -> memref<632x16xf32, #tpu.memory_space<hbm>>
      %dma_start3A_122 = arith.constant 0 : i32
      %dma_start3A_123 = tpu.memref_slice %arg8[%mul3A_2, %dma_start3A_122] : memref<10112x16xf32, #tpu.memory_space<vmem_shared>> -> memref<632x16xf32, #tpu.memory_space<vmem_shared>>
      tpu.enqueue_dma source(%dma_start3A_123 : memref<632x16xf32, #tpu.memory_space<vmem_shared>>) target(%dma_start3A_121 : memref<632x16xf32, #tpu.memory_space<hbm>>) target_semaphore(%run_scoped3A : memref<!tpu.dma_semaphore, #tpu.memory_space<semaphore_mem>>)
      %dma_wait3A_124 = arith.constant 0 : i32
      %dma_wait3A_125 = tpu.memref_slice %arg5[%arg0, %mul3A_2, %dma_wait3A_124] : memref<2x10112x16xf32, #tpu.memory_space<hbm>> -> memref<1x632x16xf32, #tpu.memory_space<hbm>>
      %dma_wait3A_126 = tpu.memref_squeeze %dma_wait3A_125 : memref<1x632x16xf32, #tpu.memory_space<hbm>> -> memref<632x16xf32, #tpu.memory_space<hbm>>
      %dma_wait3A_127 = arith.constant 0 : i32
      %dma_wait3A_128 = tpu.memref_slice %arg8[%mul3A_2, %dma_wait3A_127] : memref<10112x16xf32, #tpu.memory_space<vmem_shared>> -> memref<632x16xf32, #tpu.memory_space<vmem_shared>>
      tpu.wait_dma2 semaphore(%run_scoped3A : memref<!tpu.dma_semaphore, #tpu.memory_space<semaphore_mem>>) src(%dma_wait3A_128 : memref<632x16xf32, #tpu.memory_space<vmem_shared>>) dst(%dma_wait3A_126 : memref<632x16xf32, #tpu.memory_space<hbm>>)
      tpu.yield
    }) : () -> ()
    return
  }
}

module attributes {stable_mosaic.version = 14 : i64} {
  func.func @_prep_body(%arg0: memref<10112x128xf32, #tpu.memory_space<vmem>>, %arg1: memref<128x48xf32, #tpu.memory_space<vmem>>, %arg2: memref<2x10112x16xf32, #tpu.memory_space<vmem>>, %arg3: memref<10112x48xf32, #tpu.memory_space<vmem>>, %arg4: memref<10112x16xf32, #tpu.memory_space<vmem>>) attributes {dimension_semantics = [], scalar_prefetch = 0 : i64, scratch_operands = 0 : i64, tpu.core_type = #tpu.core_type<tc>} {
    %get3A = arith.constant 0 : index
    %get3A_0 = arith.constant 0 : index
    %get3A_1 = arith.constant 0 : index
    %get3A_2 = vector.load %arg2[%get3A, %get3A_0, %get3A_1] : memref<2x10112x16xf32, #tpu.memory_space<vmem>>, vector<1x10112x16xf32>
    %get3A_3 = vector.shape_cast %get3A_2 : vector<1x10112x16xf32> to vector<10112x16xf32>
    %reduce_sum3A = arith.constant dense<0.000000e+00> : vector<10112xf32>
    %reduce_sum3A_4 = vector.multi_reduction <add>, %get3A_3, %reduce_sum3A [1] : vector<10112x16xf32> to vector<10112xf32>
    %broadcast_in_dim3A = vector.shape_cast %reduce_sum3A_4 : vector<10112xf32> to vector<10112x1xf32>
    %get3A_5 = arith.constant 1 : index
    %get3A_6 = arith.constant 0 : index
    %get3A_7 = arith.constant 0 : index
    %get3A_8 = vector.load %arg2[%get3A_5, %get3A_6, %get3A_7] : memref<2x10112x16xf32, #tpu.memory_space<vmem>>, vector<1x10112x16xf32>
    %get3A_9 = vector.shape_cast %get3A_8 : vector<1x10112x16xf32> to vector<10112x16xf32>
    %reduce_sum3A_10 = arith.constant dense<0.000000e+00> : vector<10112xf32>
    %reduce_sum3A_11 = vector.multi_reduction <add>, %get3A_9, %reduce_sum3A_10 [1] : vector<10112x16xf32> to vector<10112xf32>
    %broadcast_in_dim3A_12 = vector.shape_cast %reduce_sum3A_11 : vector<10112xf32> to vector<10112x1xf32>
    %add3A = arith.addf %broadcast_in_dim3A, %broadcast_in_dim3A_12 : vector<10112x1xf32>
    %add3A_13 = arith.constant 1.000000e+00 : f32
    %add3A_14 = vector.broadcast %add3A_13 : f32 to vector<10112x1xf32>
    %add3A_15 = arith.addf %add3A, %add3A_14 : vector<10112x1xf32>
    %get3A_16 = arith.constant 0 : index
    %get3A_17 = arith.constant 0 : index
    %get3A_18 = vector.load %arg0[%get3A_16, %get3A_17] : memref<10112x128xf32, #tpu.memory_space<vmem>>, vector<10112x128xf32>
    %get3A_19 = arith.constant 0 : index
    %get3A_20 = arith.constant 0 : index
    %get3A_21 = vector.load %arg1[%get3A_19, %get3A_20] : memref<128x48xf32, #tpu.memory_space<vmem>>, vector<128x48xf32>
    %dot_general3A = arith.constant dense<0.000000e+00> : vector<10112x48xf32>
    %dot_general3A_22 = tpu.matmul %get3A_18, %get3A_21, %dot_general3A {dimension_numbers = #tpu.dot_dimension_numbers<[1], [0], [0], [1], [0, 0, 1, 1], [], []>, transpose_lhs_hint = false} : vector<10112x128xf32>, vector<128x48xf32>, vector<10112x48xf32> -> vector<10112x48xf32>
    %rsqrt3A = math.rsqrt %add3A_15 : vector<10112x1xf32>
    %mul3A = vector.broadcast %rsqrt3A : vector<10112x1xf32> to vector<10112x48xf32>
    %mul3A_23 = arith.mulf %dot_general3A_22, %mul3A : vector<10112x48xf32>
    %swap3A = arith.constant 0 : index
    %swap3A_24 = arith.constant 0 : index
    %swap3A_25 = vector.load %arg3[%swap3A, %swap3A_24] : memref<10112x48xf32, #tpu.memory_space<vmem>>, vector<10112x48xf32>
    tpu.vector_store %arg3[%swap3A, %swap3A_24], %mul3A_23 {strides = array<i32>} : memref<10112x48xf32, #tpu.memory_space<vmem>>, vector<10112x48xf32>,
    %div3A = arith.constant 1.000000e+00 : f32
    %div3A_26 = vector.broadcast %div3A : f32 to vector<10112x1xf32>
    %div3A_27 = arith.divf %div3A_26, %add3A_15 : vector<10112x1xf32>
    %broadcast_in_dim3A_28 = vector.shape_cast %div3A_27 : vector<10112x1xf32> to vector<10112x1xf32>
    %broadcast_in_dim3A_29 = vector.broadcast %broadcast_in_dim3A_28 : vector<10112x1xf32> to vector<10112x16xf32>
    %swap3A_30 = arith.constant 0 : index
    %swap3A_31 = arith.constant 0 : index
    %swap3A_32 = vector.load %arg4[%swap3A_30, %swap3A_31] : memref<10112x16xf32, #tpu.memory_space<vmem>>, vector<10112x16xf32>
    tpu.vector_store %arg4[%swap3A_30, %swap3A_31], %broadcast_in_dim3A_29 {strides = array<i32>} : memref<10112x16xf32, #tpu.memory_space<vmem>>, vector<10112x16xf32>,
    return
  }
}

module attributes {stable_mosaic.version = 14 : i64} {
  func.func @_fin_body(%arg0: memref<2x10112x16xf32, #tpu.memory_space<vmem>>, %arg1: memref<2x10112x48xf32, #tpu.memory_space<vmem>>, %arg2: memref<10112x48xf32, #tpu.memory_space<vmem>>, %arg3: memref<1x48xf32, #tpu.memory_space<vmem>>, %arg4: memref<10112x48xf32, #tpu.memory_space<vmem>>) attributes {dimension_semantics = [], scalar_prefetch = 0 : i64, scratch_operands = 0 : i64, tpu.core_type = #tpu.core_type<tc>} {
    %get3A = arith.constant 0 : index
    %get3A_0 = arith.constant 0 : index
    %get3A_1 = arith.constant 0 : index
    %get3A_2 = vector.load %arg0[%get3A, %get3A_0, %get3A_1] : memref<2x10112x16xf32, #tpu.memory_space<vmem>>, vector<1x10112x16xf32>
    %get3A_3 = vector.shape_cast %get3A_2 : vector<1x10112x16xf32> to vector<10112x16xf32>
    %reduce_sum3A = arith.constant dense<0.000000e+00> : vector<10112xf32>
    %reduce_sum3A_4 = vector.multi_reduction <add>, %get3A_3, %reduce_sum3A [1] : vector<10112x16xf32> to vector<10112xf32>
    %broadcast_in_dim3A = vector.shape_cast %reduce_sum3A_4 : vector<10112xf32> to vector<10112x1xf32>
    %get3A_5 = arith.constant 1 : index
    %get3A_6 = arith.constant 0 : index
    %get3A_7 = arith.constant 0 : index
    %get3A_8 = vector.load %arg0[%get3A_5, %get3A_6, %get3A_7] : memref<2x10112x16xf32, #tpu.memory_space<vmem>>, vector<1x10112x16xf32>
    %get3A_9 = vector.shape_cast %get3A_8 : vector<1x10112x16xf32> to vector<10112x16xf32>
    %reduce_sum3A_10 = arith.constant dense<0.000000e+00> : vector<10112xf32>
    %reduce_sum3A_11 = vector.multi_reduction <add>, %get3A_9, %reduce_sum3A_10 [1] : vector<10112x16xf32> to vector<10112xf32>
    %broadcast_in_dim3A_12 = vector.shape_cast %reduce_sum3A_11 : vector<10112xf32> to vector<10112x1xf32>
    %add3A = arith.addf %broadcast_in_dim3A, %broadcast_in_dim3A_12 : vector<10112x1xf32>
    %add3A_13 = arith.constant 1.000000e+00 : f32
    %add3A_14 = vector.broadcast %add3A_13 : f32 to vector<10112x1xf32>
    %add3A_15 = arith.addf %add3A, %add3A_14 : vector<10112x1xf32>
    %rsqrt3A = math.rsqrt %add3A_15 : vector<10112x1xf32>
    %get3A_16 = arith.constant 0 : index
    %get3A_17 = arith.constant 0 : index
    %get3A_18 = arith.constant 0 : index
    %get3A_19 = vector.load %arg1[%get3A_16, %get3A_17, %get3A_18] : memref<2x10112x48xf32, #tpu.memory_space<vmem>>, vector<1x10112x48xf32>
    %get3A_20 = vector.shape_cast %get3A_19 : vector<1x10112x48xf32> to vector<10112x48xf32>
    %get3A_21 = arith.constant 1 : index
    %get3A_22 = arith.constant 0 : index
    %get3A_23 = arith.constant 0 : index
    %get3A_24 = vector.load %arg1[%get3A_21, %get3A_22, %get3A_23] : memref<2x10112x48xf32, #tpu.memory_space<vmem>>, vector<1x10112x48xf32>
    %get3A_25 = vector.shape_cast %get3A_24 : vector<1x10112x48xf32> to vector<10112x48xf32>
    %add3A_26 = arith.addf %get3A_20, %get3A_25 : vector<10112x48xf32>
    %get3A_27 = arith.constant 0 : index
    %get3A_28 = arith.constant 0 : index
    %get3A_29 = vector.load %arg2[%get3A_27, %get3A_28] : memref<10112x48xf32, #tpu.memory_space<vmem>>, vector<10112x48xf32>
    %add3A_30 = arith.addf %add3A_26, %get3A_29 : vector<10112x48xf32>
    %mul3A = vector.broadcast %rsqrt3A : vector<10112x1xf32> to vector<10112x48xf32>
    %mul3A_31 = arith.mulf %mul3A, %add3A_30 : vector<10112x48xf32>
    %get3A_32 = arith.constant 0 : index
    %get3A_33 = arith.constant 0 : index
    %get3A_34 = vector.load %arg3[%get3A_32, %get3A_33] : memref<1x48xf32, #tpu.memory_space<vmem>>, vector<1x48xf32>
    %add3A_35 = vector.broadcast %get3A_34 : vector<1x48xf32> to vector<10112x48xf32>
    %add3A_36 = arith.addf %mul3A_31, %add3A_35 : vector<10112x48xf32>
    %swap3A = arith.constant 0 : index
    %swap3A_37 = arith.constant 0 : index
    %swap3A_38 = vector.load %arg4[%swap3A, %swap3A_37] : memref<10112x48xf32, #tpu.memory_space<vmem>>, vector<10112x48xf32>
    tpu.vector_store %arg4[%swap3A, %swap3A_37], %add3A_36 {strides = array<i32>} : memref<10112x48xf32, #tpu.memory_space<vmem>>, vector<10112x48xf32>,
    return
  }
}

</mosaic_0001>

<sc_bundles>
// kernel: kernel.10.cloned.1.call-start
scs
__scs_entry_jumppad:
0x0: {  	(pc) =	sbr.rel $0x88, $3  }
0x1: {  	(tag) =	ssettag $0x0;
	lr =	simm.s32 $0x1  }
0x2: {  	[smem:$0x3F9D] =	sst lr;
	_ =	strace $0xD0000000  }
0x3: {  	_ = 	snop  }
0x4: {  	_ = 	snop  }
0x5: {  	_ = 	snop  }
0x6: {  	_ = 	snop  }
0x7: {  	_ = 	snop  }
__scs_overlays_trampoline_lowered:
0x8: {  	[smem:$0x3FAC] =	sst s0  }
0x9: {  	[smem:$0x3FAD] =	sst s1  }
0xa: {  	[smem:$0x3FAE] =	sst s2  }
0xb: {  	[smem:$0x3FAF] =	sst s3  }
0xc: {  	[smem:$0x3FB0] =	sst s4  }
0xd: {  	[smem:$0x3FB1] =	sst s5  }
0xe: {  	[smem:$0x3FB2] =	sst s6  }
0xf: {  	[smem:$0x3FB3] =	sst s7  }
0x10: {  	[smem:$0x3FB4] =	sst s8  }
0x11: {  	[smem:$0x3FB5] =	sst s9;
	s0 =	simm.s32 @!p0 $0x0  }
0x12: {  	s1 =	sld [smem:$0x3F9B];
	s0 =	simm.s32 @p0 $0x1  }
0x13: {  	[smem:$0x3FB6] =	sst s0;
	s0 =	simm.s32 @!p1 $0x0  }
0x14: {  	s2 =	sld [smem:$0x3F9A];
	s0 =	simm.s32 @p1 $0x1  }
0x15: {  	[smem:$0x3FB7] =	sst s0;
	s0 =	simm.s32 @!p2 $0x0  }
0x16: {  	s3 =	sld [smem:$0x3FDB];
	s0 =	simm.s32 @p2 $0x1  }
0x17: {  	s4 =	simm.s32 $0x1BF5;
	[smem:$0x3FB9] =	sst s0  }
0x18: {  	s0 =	sld [smem:$0x3F9C];
	_ =	swait.ge [sflag:s4], $0x0  }
0x19: {  	s7 =	sld [smem:$0x3F9D]  }
0x1a: {  	s8 =	sadd.s32 $0xFFFFE003, lr  }
0x1b: {  	s9 =	sadd.s32 $0xFFFFFEF7, lr;
	s5 =	simm.s32 $0xFFFFFFFF;
	p2 =	slt.u32 s8, $0xFFFFF086  }
0x1c: {  	p1 =	slt.u32 s9, $0xF7A;
	s5 =	simm.s32 @!p2 $0x0  }
0x1d: {  	s5 =	simm.s32 @p1 $0x1;
	p0 =	seq.s32 s7, s2  }
0x1e: {  	s7 =	smul.u32 @!p0 $0xF7A, s2;
	p2 =	seq.s32 @!p0 s5, $0x0  }
0x1f: {  	s9 =	smul.u32 $0xF7A, s1;
	s8 =	simm.s32 @!p0 $0x1BF5;
	p2 =	por !p2, p0  }
0x20: {  	[sflag:s8] =	ssyncset.s32 @!p0 $0xFFFFF086;
	s6 =	sadd.s32 @!p0 s3, s7;
	s7 =	simm.s32 @!p0 $0x108  }
0x21: {  	s3 =	sadd.s32 s3, s9;
	s6 =	sadd.s32 @!p0 $0x88, s6;
	s7 =	simm.s32 @p2 $0x1082  }
0x22: {  	[simem:s7], [sflag:s8] =	dma.local @!p0 [hbm:s6], $0xF7A  }
0x23: {  	s9 =	sor.u32 $0xD0000000, s2;
	s6 =	simm.s32 $0x108;
	_ =	swait.ge @!p0 [sflag:s8], $0x0  }
0x24: {  	s3 =	sadd.s32 $0x88, s3;
	s6 =	simm.s32 @!p1 $0x1082;
	[sflag:s4] =	ssyncset.s32 $0xFFFFF086  }
0x25: {  	[simem:s6], [sflag:s4] =	dma.local [hbm:s3], $0xF7A  }
0x26: {  	[smem:$0x3F9D] =	sst s1;
	(tag) =	ssettag s2;
	_ =	strace s9  }
0x27: {  	s1 =	sld [smem:$0x3FAD]  }
0x28: {  	s2 =	sld [smem:$0x3FAE]  }
0x29: {  	s4 =	sld [smem:$0x3FB0]  }
0x2a: {  	p0 =	seq.s32 s5, $0x0;
	s5 =	sld [smem:$0x3FB1]  }
0x2b: {  	s6 =	sld [smem:$0x3FB2]  }
0x2c: {  	s7 =	sld [smem:$0x3FB3]  }
0x2d: {  	s3 =	simm.s32 $0x108;
	s8 =	sld [smem:$0x3FB4]  }
0x2e: {  	s3 =	simm.s32 @!p0 $0x1082;
	s9 =	sld [smem:$0x3FB5]  }
0x2f: {  	lr =	sadd.s32 s0, s3;
	s0 =	sld [smem:$0x3FAC]  }
0x30: {  	s3 =	sld [smem:$0x3FAF]  }
0x31: {  	[smem:$0x3FB8] =	sst s10  }
0x32: {  	s10 =	sld [smem:$0x3FB6];
	_ =	sdelay $0x3  }
0x33: {  	p0 =	seq.s32 s10, $0x1;
	s10 =	sld [smem:$0x3FB8];
	_ =	sdelay $0x3  }
0x34: {  	[smem:$0x3FB8] =	sst s10  }
0x35: {  	s10 =	sld [smem:$0x3FB7];
	_ =	sdelay $0x3  }
0x36: {  	p1 =	seq.s32 s10, $0x1;
	s10 =	sld [smem:$0x3FB8];
	_ =	sdelay $0x3  }
0x37: {  	[smem:$0x3FB8] =	sst s10  }
0x38: {  	s10 =	sld [smem:$0x3FB9]  }
0x39: {  	_ = 	snop;
	(pc) =	sbr.ind lr, $3  }
0x3a: {  	_ = 	snop  }
0x3b: {  	_ = 	snop  }
0x3c: {  	p2 =	seq.s32 s10, $0x1;
	s10 =	sld [smem:$0x3FB8]  }
0x3d: {  	_ =	shalt  }
0x3e: {  	_ =	shalt  }
0x3f: {  	_ =	shalt  }
0x40: {  	_ =	shalt  }
0x41: {  	_ =	shalt  }
0x42: {  	_ =	shalt  }
0x43: {  	_ =	shalt  }
0x44: {  	_ =	shalt  }
0x45: {  	_ =	shalt  }
0x46: {  	_ =	shalt  }
0x47: {  	_ =	shalt  }
0x48: {  	_ =	shalt  }
0x49: {  	_ =	shalt  }
0x4a: {  	_ =	shalt  }
0x4b: {  	_ =	shalt  }
0x4c: {  	_ =	shalt  }
0x4d: {  	_ =	shalt  }
0x4e: {  	_ =	shalt  }
0x4f: {  	_ =	shalt  }
0x50: {  	_ =	shalt  }
0x51: {  	_ =	shalt  }
0x52: {  	_ =	shalt  }
0x53: {  	_ =	shalt  }
0x54: {  	_ =	shalt  }
0x55: {  	_ =	shalt  }
0x56: {  	_ =	shalt  }
0x57: {  	_ =	shalt  }
0x58: {  	_ =	shalt  }
0x59: {  	_ =	shalt  }
0x5a: {  	_ =	shalt  }
0x5b: {  	_ =	shalt  }
0x5c: {  	_ =	shalt  }
0x5d: {  	_ =	shalt  }
0x5e: {  	_ =	shalt  }
0x5f: {  	_ =	shalt  }
0x60: {  	_ =	shalt  }
0x61: {  	_ =	shalt  }
0x62: {  	_ =	shalt  }
0x63: {  	_ =	shalt  }
0x64: {  	_ =	shalt  }
0x65: {  	_ =	shalt  }
0x66: {  	_ =	shalt  }
0x67: {  	_ =	shalt  }
0x68: {  	_ =	shalt  }
0x69: {  	_ =	shalt  }
0x6a: {  	_ =	shalt  }
0x6b: {  	_ =	shalt  }
0x6c: {  	_ =	shalt  }
0x6d: {  	_ =	shalt  }
0x6e: {  	_ =	shalt  }
0x6f: {  	_ =	shalt  }
0x70: {  	_ =	shalt  }
0x71: {  	_ =	shalt  }
0x72: {  	_ =	shalt  }
0x73: {  	_ =	shalt  }
0x74: {  	_ =	shalt  }
0x75: {  	_ =	shalt  }
0x76: {  	_ =	shalt  }
0x77: {  	_ =	shalt  }
0x78: {  	_ =	shalt  }
0x79: {  	_ =	shalt  }
0x7a: {  	_ =	shalt  }
0x7b: {  	_ =	shalt  }
0x7c: {  	_ =	shalt  }
0x7d: {  	_ =	shalt  }
0x7e: {  	_ =	shalt  }
0x7f: {  	_ =	shalt  }
0x80: {  	_ =	shalt  }
0x81: {  	_ =	shalt  }
0x82: {  	_ =	shalt  }
0x83: {  	_ =	shalt  }
0x84: {  	_ =	shalt  }
0x85: {  	_ =	shalt  }
0x86: {  	_ =	shalt  }
0x87: {  	_ =	shalt  }
.Lfunc_end0:
.L_simem_size_0:
called_computation.1_lowered:
.L_overlay_start_0:
0x88: {  	s2 =	sld [smem:$0x3FD9]  }
0x89: {  	s3 =	sld [smem:$0x3FFE];
	_ =	sdelay $0x1  }
0x8a: {  	s1 =	srdreg.scid  }
0x8b: {  	s0 =	sand.u32 $0x1, s1  }
0x8c: {  	s17 =	sshll.u32 s0, $0xA;
	s2 =	sadd.s32 s3, s2  }
0x8d: {  	s2 =	sadd.s32 s2, s17  }
0x8e: {  	[smem:$0x3FC4] =	sst s2  }
0x8f: {  	_ = 	snop  }
0x90: {  	s2 =	sld [smem:$0x3FD0];
	(tm) =	ssettm $0x1  }
0x91: {  	s18 =	sld [smem:$0x3FFB];
	_ =	sdelay $0x3  }
0x92: {  	_ =	strace s18  }
0x93: {  	s3 =	sld [smem:$0x3FFC];
	_ =	sdelay $0x3  }
0x94: {  	_ =	strace s3  }
0x95: {  	s3 =	sld [smem:$0x3FFD];
	_ =	sdelay $0x3  }
0x96: {  	_ =	strace s3  }
0x97: {  	_ =	strace $0x8FFFFFFF  }
0x98: {  	s19 =	sld [smem:$0x3FDB];
	_ =	sdelay $0x1  }
0x99: {  	s4 =	simm.s32 $_scs_section_size  }
0x9a: {  	s5 =	simm.s32 $_size__tile_overlayer_lowered;
	s6 =	simm.s32 $_tile_overlayer_lowered  }
0x9b: {  	s22 =	simm.s32 $0x1BFF;
	s21 =	sshll.u32 s6, $0x1;
	s3 =	sadd.s32 s4, s19  }
0x9c: {  	s7 =	simm.s32 $0x0;
	s20 =	sshll.u32 s5, $0x1;
	s5 =	sadd.s32 s21, s3  }
0x9d: {  	[timem:s7], [sflag:s22] =	dma.local [hbm:s5], s20  }
0x9e: {  	_ =	swait.ge [sflag:s22], s20  }
0x9f: {  	s4 =	ssub.s32 $0x0, s20;
	[sflag:s22] =	ssyncset.done $0x0  }
0xa0: {  	[sflag:s22] =	ssyncadd.s32 s4;
	_ =	sdelay $0x1  }
0xa1: {  	s23 =	simm.s32 $0x1B8B  }
0xa2: {  	_ =	swait.ge [sflag:s23], $0x1  }
0xa3: {  	[sflag:s23] =	ssyncset.done $0x0  }
0xa4: {  	s25 =	simm.s32 $0x1B8E;
	s24 =	sld [smem:$0x3FFE];
	[sflag:s23] =	ssyncadd.s32 $0xFFFFFFFF  }
0xa5: {  	s26 =	simm.s32 $execute0_lowered;
	[smem:$0x3FD2] =	sst s25  }
0xa6: {  	s5 =	sshll.u32 s26, $0x1;
	_ =	strace $0x80000049;
	[dreg:$0x1] =	wrdreg $0xFFFFFFFF  }
0xa7: {  	s28 =	simm.s32 $_size_execute0_lowered;
	s3 =	sadd.s32 s3, s5;
	[dreg:$0x0] =	wrdreg $0x0  }
0xa8: {  	s5 =	sshll.u32 s28, $0x1;
	[dreg:$0x2] =	wrdreg s3  }
0xa9: {  	[dreg:$0x3] =	wrdreg s5  }
0xaa: {  	[dreg:$0x4] =	wrdreg $0xC0  }
0xab: {  	_ =	task [dreg:s7], $0x5FFFF  }
0xac: {  	[dreg:$0x1] =	wrdreg $0xFFFFFFFF  }
0xad: {  	[dreg:$0x0] =	wrdreg $0x60  }
0xae: {  	[dreg:$0x2] =	wrdreg s2  }
0xaf: {  	[dreg:$0x3] =	wrdreg s24  }
0xb0: {  	[dreg:$0x4] =	wrdreg $0x110000  }
0xb1: {  	[dreg:$0x5] =	wrdreg $0x9  }
0xb2: {  	_ =	task.clear_ibuf [dreg:s7], $0x6FFFF;
	_ =	strace $0x90000049  }
0xb3: {  	s29 =	simm.s32 $0x9;
	_ =	strace $0x8000004B  }
0xb4: {  	_ =	swait.ge [sflag:s29], $0x1  }
0xb5: {  	[sflag:s29] =	ssyncadd.s32 $0xFFFFFFFF  }
0xb6: {  	_ =	strace $0x9000004B  }
0xb7: {  	_ =	sfence  }
0xb8: {  	s30 =	sld [smem:$0x0];
	_ =	sdelay $0x2  }
0xb9: {  	s31 =	sshll.u32 s1, $0xD;
	s1 =	sshrl.u32 s1, $0x2  }
0xba: {  	s3 =	sand.u32 $0x4000, s31;
	s1 =	sadd.s32 s1, s30  }
0xbb: {  	s0 =	sor.u32 s3, s0;
	s1 =	sshll.u32 s1, $0x11  }
0xbc: {  	s0 =	sor.u32 s1, s0  }
0xbd: {  	s0 =	sadd.s32 $0x8F2B, s0  }
0xbe: {  	[sflag:s0] =	ssyncadd.remote.s32 $0x1  }
0xbf: {  	_ =	sfence.sel $0xFFFF  }
0xc0: {  	[dreg:$0x0] =	wrdreg $0xFFFFFFFF;
	(pc) =	sbr.abs _section_cstart, $3  }
0xc1: {  	[dreg:$0x1] =	wrdreg $0xFFFFFFFF  }
0xc2: {  	_ =	task.clear_ibuf [dreg:s7], $0x2FFFF;
	_ =	strace $0x9FFFFFFF  }
0xc3: {  	(tm) =	ssettm $0x7FFFFFFF  }
tec
execute0_lowered:
.L_overlay_start_1:
0x0: {  	(tag) =	ssettag $0x1  }
0x1: {  	s0 =	srdreg.scid;
	s1 =	rddreg [dreg:$0x0]  }
0x2: {  	s10 =	stileid.u32;
	s3 =	rddreg [dreg:$0x1];
	s21 =	simm.s32 $0x0  }
0x3: {  	s13 =	simm.s32 $0x11;
	s14 =	simm.s32 $0x80;
	s15 =	simm.s32 $0x5000  }
0x4: {  	s16 =	simm.s32 $0x6800;
	s18 =	simm.s32 $0x8000;
	s20 =	simm.s32 $0x9800  }
0x5: {  	s29 =	simm.s32 $0xF800;
	s30 =	simm.s32 $0x1;
	s31 =	simm.s32 $0x2  }
0x6: {  	s19 =	simm.s32 $0x4;
	s28 =	simm.s32 $0x6;
	s17 =	simm.s32 $0x7  }
0x7: {  	s11 =	simm.s32 $0xD;
	s0 =	sand.u32 $0x1, s0;
	s6 =	smul.u32 $0x7680, s10  }
0x8: {  	[smem:$0x7FF] =	sst s21;
	s26 =	sshll.u32 s10, $0x6;
	s21 =	simm.s32 $0xB  }
0x9: {  	s2 =	sshll.u32 s0, $0x4;
	s7 =	smul.u32 $0x76800, s0;
	s0 =	ssub.s32 $0x2, s0  }
0xa: {  	s4 =	sor.u32 s10, s2;
	s2 =	rddreg [dreg:$0x2];
	_ =	strace $0x8000004A  }
0xb: {  	s9 =	sshrl.u32 s6, $0x3;
	s22 =	sshrl.u32 s0, $0x1;
	s10 =	simm.s32 $0x0  }
0xc: {  	s5 =	smul.u32 $0x500, s4;
	s4 =	sadd.s32 $0xC200, s3;
	s7 =	sadd.s32 s6, s7  }
0xd: {  	s9 =	sadd.s32 s9, s3;
	s0 =	ssub.s32 s0, s22;
	s24 =	sadd.s32 s6, s2  }
0xe: {  	s22 =	simm.s32 $0xB000;
	s6 =	simm.s32 $0xC;
	[dreg:$0xb] =	wrdreg s10  }
0xf: {  	s7 =	sshrl.u32 s7, $0x3;
	s25 =	sadd.s32 $0x6A000, s9;
	s0 =	smax.u32 s0, $0x1  }
0x10: {  	s12 =	sshrl.u32 s24, $0x3;
	s24 =	simm.s32 $0xC800;
	s9 =	simm.s32 $0x10  }
0x11: {  	s8 =	sadd.s32 s5, s3;
	s3 =	sadd.s32 s7, s3;
	[dreg:$0x6] =	wrdreg s25  }
0x12: {  	s1 =	sadd.s32 s1, s5;
	[dreg:$0x8] =	wrdreg s0;
	s0 =	simm.s32 $0x3  }
0x13: {  	s25 =	simm.s32 $0x9;
	s5 =	simm.s32 $0x8;
	[dreg:$0xa] =	wrdreg s12  }
0x14: {  	s7 =	simm.s32 $0xE;
	[dreg:$0x4] =	wrdreg s1;
	s23 =	sadd.s32 $0x2200, s8  }
0x15: {  	s3 =	sadd.s32 $0x78E00, s3;
	s1 =	simm.s32 $0xA;
	[dreg:$0x5] =	wrdreg s23  }
0x16: {  	s8 =	simm.s32 $0xF;
	[dreg:$0x7] =	wrdreg s3;
	s3 =	sor.u32 $0x1C11, s26  }
0x17: {  	s26 =	simm.s32 $0xE000;
	s23 =	simm.s32 $0x5;
	[dreg:$0x9] =	wrdreg s3  }
.LBB2_1:
0x18: {  	s10 =	simm.s32 $0x0;
	s12 =	rddreg [dreg:$0x4]  }
0x19: {  	[tilespmem:s10], [sflag:$0x11] =	stream.linear.gather [hbm4b:s12+s10], $0x2800, $0x38;
	[tilespmem:$0x18680] =	vst v63  }
0x1a: {  	_ =	swait.ge [sflag:s13], $0x2800  }
0x1b: {  	s3 =	simm.s32 $0x0;
	[sflag:s13] =	ssyncset.done $0x0  }
0x1c: {  	s10 =	simm.s32 $0x2800;
	s12 =	rddreg [dreg:$0x5];
	[sflag:s13] =	ssyncadd.s32 $0xFFFFD800  }
0x1d: {  	[tilespmem:s10], [sflag:$0x11] =	stream.linear.gather [hbm4b:s12+s3], $0x2800, $0x38;
	[tilespmem:$0x18680] =	vst v63  }
0x1e: {  	_ =	swait.ge [sflag:s13], $0x2800  }
0x1f: {  	s12 =	rddreg [dreg:$0x6]  }
0x20: {  	[sflag:s13] =	ssyncset.done $0x0;
	s10 =	rddreg [dreg:$0x9]  }
0x21: {  	s3 =	rddreg [dreg:$0xa];
	[sflag:s13] =	ssyncadd.s32 $0xFFFFD800  }
0x22: {  	[spmem:s3], [sflag:s10] =	dma.local [hbm:s12], $0xED0  }
0x23: {  	_ =	swait.ge [sflag:s13], $0xED0  }
0x24: {  	[sflag:s13] =	ssyncset.done $0x0  }
0x25: {  	[sflag:s13] =	ssyncadd.s32 $0xFFFFF130  }
0x26: {  	s12 =	simm.s32 $0x0;
	[bflag:$0x0] =	sbarrier.arrive $0xFFFF  }
0x27: {  	[tilespmem:s15], [sflag:$0x1] =	stream.indirect.gather [hbm4b:s4+s14], $0x30, s12, s14, $0xb8;
	[tilespmem:$0x18680] =	vst v63  }
0x28: {  	_ = 	snop  }
0x29: {  	[tilespmem:s16], [sflag:$0x2] =	stream.indirect.gather [hbm4b:s4+s14], $0x30, s14, s14, $0xb8;
	[tilespmem:$0x18680] =	vst v63  }
0x2a: {  	s13 =	simm.s32 $0x100  }
0x2b: {  	[tilespmem:s18], [sflag:$0x3] =	stream.indirect.gather [hbm4b:s4+s14], $0x30, s13, s14, $0xb8;
	[tilespmem:$0x18680] =	vst v63  }
0x2c: {  	s10 =	simm.s32 $0x180  }
0x2d: {  	[tilespmem:s20], [sflag:$0x4] =	stream.indirect.gather [hbm4b:s4+s14], $0x30, s10, s14, $0xb8;
	[tilespmem:$0x18680] =	vst v63  }
0x2e: {  	s12 =	simm.s32 $0x200  }
0x2f: {  	[tilespmem:s22], [sflag:$0x5] =	stream.indirect.gather [hbm4b:s4+s14], $0x30, s12, s14, $0xb8;
	[tilespmem:$0x18680] =	vst v63  }
0x30: {  	s13 =	simm.s32 $0x280  }
0x31: {  	[tilespmem:s24], [sflag:$0x6] =	stream.indirect.gather [hbm4b:s4+s14], $0x30, s13, s14, $0xb8;
	[tilespmem:$0x18680] =	vst v63  }
0x32: {  	s10 =	simm.s32 $0x300  }
0x33: {  	[tilespmem:s26], [sflag:$0x7] =	stream.indirect.gather [hbm4b:s4+s14], $0x30, s10, s14, $0xb8;
	[tilespmem:$0x18680] =	vst v63  }
0x34: {  	s12 =	simm.s32 $0x380  }
0x35: {  	[tilespmem:s29], [sflag:$0x8] =	stream.indirect.gather [hbm4b:s4+s14], $0x30, s12, s14, $0xb8;
	[tilespmem:$0x18680] =	vst v63  }
0x36: {  	_ =	swait.ge [sflag:s30], $0x1800  }
0x37: {  	[sflag:s30] =	ssyncset.done $0x0  }
0x38: {  	s13 =	simm.s32 $0x2800;
	[sflag:s30] =	ssyncadd.s32 $0xFFFFE800  }
0x39: {  	[spmem:s2] =	stream.indirect.scatter.add.f32 [tilespmem:s15], [sflag:$0x9], $0x30, s13, s14, $0xb8;
	[tilespmem:$0x18680] =	vst v63  }
0x3a: {  	_ =	swait.ge [sflag:s31], $0x1800  }
0x3b: {  	[sflag:s31] =	ssyncset.done $0x0  }
0x3c: {  	s10 =	simm.s32 $0x2880;
	[sflag:s31] =	ssyncadd.s32 $0xFFFFE800  }
0x3d: {  	[spmem:s2] =	stream.indirect.scatter.add.f32 [tilespmem:s16], [sflag:$0xA], $0x30, s10, s14, $0xb8;
	[tilespmem:$0x18680] =	vst v63  }
0x3e: {  	_ =	swait.ge [sflag:s0], $0x1800  }
0x3f: {  	[sflag:s0] =	ssyncset.done $0x0  }
0x40: {  	s12 =	simm.s32 $0x2900;
	[sflag:s0] =	ssyncadd.s32 $0xFFFFE800  }
0x41: {  	[spmem:s2] =	stream.indirect.scatter.add.f32 [tilespmem:s18], [sflag:$0xB], $0x30, s12, s14, $0xb8;
	[tilespmem:$0x18680] =	vst v63  }
0x42: {  	_ =	swait.ge [sflag:s19], $0x1800  }
0x43: {  	[sflag:s19] =	ssyncset.done $0x0  }
0x44: {  	s13 =	simm.s32 $0x2980;
	[sflag:s19] =	ssyncadd.s32 $0xFFFFE800  }
0x45: {  	[spmem:s2] =	stream.indirect.scatter.add.f32 [tilespmem:s20], [sflag:$0xC], $0x30, s13, s14, $0xb8;
	[tilespmem:$0x18680] =	vst v63  }
0x46: {  	_ =	swait.ge [sflag:s23], $0x1800  }
0x47: {  	[sflag:s23] =	ssyncset.done $0x0  }
0x48: {  	s3 =	simm.s32 $0x2A00;
	[sflag:s23] =	ssyncadd.s32 $0xFFFFE800  }
0x49: {  	[spmem:s2] =	stream.indirect.scatter.add.f32 [tilespmem:s22], [sflag:$0xD], $0x30, s3, s14, $0xb8;
	[tilespmem:$0x18680] =	vst v63  }
0x4a: {  	_ =	swait.ge [sflag:s25], $0x1800  }
0x4b: {  	[sflag:s25] =	ssyncset.done $0x0  }
0x4c: {  	s10 =	simm.s32 $0x400;
	[sflag:s25] =	ssyncadd.s32 $0xFFFFE800  }
0x4d: {  	[tilespmem:s15], [sflag:$0x1] =	stream.indirect.gather [hbm4b:s4+s14], $0x30, s10, s14, $0xb8;
	[tilespmem:$0x18680] =	vst v63  }
0x4e: {  	_ =	swait.ge [sflag:s28], $0x1800  }
0x4f: {  	[sflag:s28] =	ssyncset.done $0x0  }
0x50: {  	s13 =	simm.s32 $0x2A80;
	[sflag:s28] =	ssyncadd.s32 $0xFFFFE800  }
0x51: {  	[spmem:s2] =	stream.indirect.scatter.add.f32 [tilespmem:s24], [sflag:$0xE], $0x30, s13, s14, $0xb8;
	[tilespmem:$0x18680] =	vst v63  }
0x52: {  	_ =	swait.ge [sflag:s1], $0x1800  }
0x53: {  	[sflag:s1] =	ssyncset.done $0x0  }
0x54: {  	s3 =	simm.s32 $0x480;
	[sflag:s1] =	ssyncadd.s32 $0xFFFFE800  }
0x55: {  	[tilespmem:s16], [sflag:$0x2] =	stream.indirect.gather [hbm4b:s4+s14], $0x30, s3, s14, $0xb8;
	[tilespmem:$0x18680] =	vst v63  }
0x56: {  	_ =	swait.ge [sflag:s17], $0x1800  }
0x57: {  	[sflag:s17] =	ssyncset.done $0x0  }
0x58: {  	s10 =	simm.s32 $0x2B00;
	[sflag:s17] =	ssyncadd.s32 $0xFFFFE800  }
0x59: {  	[spmem:s2] =	stream.indirect.scatter.add.f32 [tilespmem:s26], [sflag:$0xF], $0x30, s10, s14, $0xb8;
	[tilespmem:$0x18680] =	vst v63  }
0x5a: {  	_ =	swait.ge [sflag:s21], $0x1800  }
0x5b: {  	[sflag:s21] =	ssyncset.done $0x0  }
0x5c: {  	s13 =	simm.s32 $0x500;
	[sflag:s21] =	ssyncadd.s32 $0xFFFFE800  }
0x5d: {  	[tilespmem:s18], [sflag:$0x3] =	stream.indirect.gather [hbm4b:s4+s14], $0x30, s13, s14, $0xb8;
	[tilespmem:$0x18680] =	vst v63  }
0x5e: {  	_ =	swait.ge [sflag:s5], $0x1800  }
0x5f: {  	[sflag:s5] =	ssyncset.done $0x0  }
0x60: {  	s3 =	simm.s32 $0x2B80;
	[sflag:s5] =	ssyncadd.s32 $0xFFFFE800  }
0x61: {  	[spmem:s2] =	stream.indirect.scatter.add.f32 [tilespmem:s29], [sflag:$0x10], $0x30, s3, s14, $0xb8;
	[tilespmem:$0x18680] =	vst v63  }
0x62: {  	_ =	swait.ge [sflag:s6], $0x1800  }
0x63: {  	[sflag:s6] =	ssyncset.done $0x0  }
0x64: {  	s10 =	simm.s32 $0x580;
	[sflag:s6] =	ssyncadd.s32 $0xFFFFE800  }
0x65: {  	[tilespmem:s20], [sflag:$0x4] =	stream.indirect.gather [hbm4b:s4+s14], $0x30, s10, s14, $0xb8;
	[tilespmem:$0x18680] =	vst v63  }
0x66: {  	_ =	swait.ge [sflag:s30], $0x1800  }
0x67: {  	[sflag:s30] =	ssyncset.done $0x0  }
0x68: {  	s13 =	simm.s32 $0x2C00;
	[sflag:s30] =	ssyncadd.s32 $0xFFFFE800  }
0x69: {  	[spmem:s2] =	stream.indirect.scatter.add.f32 [tilespmem:s15], [sflag:$0x9], $0x30, s13, s14, $0xb8;
	[tilespmem:$0x18680] =	vst v63  }
0x6a: {  	_ =	swait.ge [sflag:s11], $0x1800  }
0x6b: {  	[sflag:s11] =	ssyncset.done $0x0  }
0x6c: {  	s3 =	simm.s32 $0x600;
	[sflag:s11] =	ssyncadd.s32 $0xFFFFE800  }
0x6d: {  	[tilespmem:s22], [sflag:$0x5] =	stream.indirect.gather [hbm4b:s4+s14], $0x30, s3, s14, $0xb8;
	[tilespmem:$0x18680] =	vst v63  }
0x6e: {  	_ =	swait.ge [sflag:s31], $0x1800  }
0x6f: {  	[sflag:s31] =	ssyncset.done $0x0  }
0x70: {  	s10 =	simm.s32 $0x2C80;
	[sflag:s31] =	ssyncadd.s32 $0xFFFFE800  }
0x71: {  	[spmem:s2] =	stream.indirect.scatter.add.f32 [tilespmem:s16], [sflag:$0xA], $0x30, s10, s14, $0xb8;
	[tilespmem:$0x18680] =	vst v63  }
0x72: {  	_ =	swait.ge [sflag:s7], $0x1800  }
0x73: {  	[sflag:s7] =	ssyncset.done $0x0  }
0x74: {  	s13 =	simm.s32 $0x680;
	[sflag:s7] =	ssyncadd.s32 $0xFFFFE800  }
0x75: {  	[tilespmem:s24], [sflag:$0x6] =	stream.indirect.gather [hbm4b:s4+s14], $0x30, s13, s14, $0xb8;
	[tilespmem:$0x18680] =	vst v63  }
0x76: {  	_ =	swait.ge [sflag:s0], $0x1800  }
0x77: {  	[sflag:s0] =	ssyncset.done $0x0  }
0x78: {  	s3 =	simm.s32 $0x2D00;
	[sflag:s0] =	ssyncadd.s32 $0xFFFFE800  }
0x79: {  	[spmem:s2] =	stream.indirect.scatter.add.f32 [tilespmem:s18], [sflag:$0xB], $0x30, s3, s14, $0xb8;
	[tilespmem:$0x18680] =	vst v63  }
0x7a: {  	_ =	swait.ge [sflag:s8], $0x1800  }
0x7b: {  	[sflag:s8] =	ssyncset.done $0x0  }
0x7c: {  	s10 =	simm.s32 $0x700;
	[sflag:s8] =	ssyncadd.s32 $0xFFFFE800  }
0x7d: {  	[tilespmem:s26], [sflag:$0x7] =	stream.indirect.gather [hbm4b:s4+s14], $0x30, s10, s14, $0xb8;
	[tilespmem:$0x18680] =	vst v63  }
0x7e: {  	_ =	swait.ge [sflag:s19], $0x1800  }
0x7f: {  	[sflag:s19] =	ssyncset.done $0x0  }
0x80: {  	s13 =	simm.s32 $0x2D80;
	[sflag:s19] =	ssyncadd.s32 $0xFFFFE800  }
0x81: {  	[spmem:s2] =	stream.indirect.scatter.add.f32 [tilespmem:s20], [sflag:$0xC], $0x30, s13, s14, $0xb8;
	[tilespmem:$0x18680] =	vst v63  }
0x82: {  	_ =	swait.ge [sflag:s9], $0x1800  }
0x83: {  	[sflag:s9] =	ssyncset.done $0x0  }
0x84: {  	s12 =	simm.s32 $0x1000;
	s13 =	simm.s32 $0x780;
	[sflag:s9] =	ssyncadd.s32 $0xFFFFE800  }
.LBB2_2:
0x85: {  	[tilespmem:s29], [sflag:$0x8] =	stream.indirect.gather [hbm4b:s4+s14], $0x30, s13, s14, $0xb8;
	[tilespmem:$0x18680] =	vst v63  }
0x86: {  	s13 =	smov.u32 s12  }
0x87: {  	p0 =	sne.s32 s12, $0x8000;
	s12 =	sadd.s32 $0x1000, s12;
	_ =	swait.ge [sflag:s23], $0x1800  }
0x88: {  	s13 =	sshra.s32 s13, $0x2;
	[sflag:s23] =	ssyncset.done $0x0  }
0x89: {  	s10 =	sadd.s32 $0x2A00, s13;
	[sflag:s23] =	ssyncadd.s32 $0xFFFFE800  }
0x8a: {  	[spmem:s2] =	stream.indirect.scatter.add.f32 [tilespmem:s22], [sflag:$0xD], $0x30, s10, s14, $0xb8;
	[tilespmem:$0x18680] =	vst v63  }
0x8b: {  	_ =	swait.ge [sflag:s25], $0x1800  }
0x8c: {  	[sflag:s25] =	ssyncset.done $0x0  }
0x8d: {  	s10 =	sadd.s32 $0x400, s13;
	[sflag:s25] =	ssyncadd.s32 $0xFFFFE800  }
0x8e: {  	[tilespmem:s15], [sflag:$0x1] =	stream.indirect.gather [hbm4b:s4+s14], $0x30, s10, s14, $0xb8;
	[tilespmem:$0x18680] =	vst v63  }
0x8f: {  	_ =	swait.ge [sflag:s28], $0x1800  }
0x90: {  	[sflag:s28] =	ssyncset.done $0x0  }
0x91: {  	s10 =	sadd.s32 $0x2A80, s13;
	[sflag:s28] =	ssyncadd.s32 $0xFFFFE800  }
0x92: {  	[spmem:s2] =	stream.indirect.scatter.add.f32 [tilespmem:s24], [sflag:$0xE], $0x30, s10, s14, $0xb8;
	[tilespmem:$0x18680] =	vst v63  }
0x93: {  	_ =	swait.ge [sflag:s1], $0x1800  }
0x94: {  	[sflag:s1] =	ssyncset.done $0x0  }
0x95: {  	s10 =	sadd.s32 $0x480, s13;
	[sflag:s1] =	ssyncadd.s32 $0xFFFFE800  }
0x96: {  	[tilespmem:s16], [sflag:$0x2] =	stream.indirect.gather [hbm4b:s4+s14], $0x30, s10, s14, $0xb8;
	[tilespmem:$0x18680] =	vst v63  }
0x97: {  	_ =	swait.ge [sflag:s17], $0x1800  }
0x98: {  	[sflag:s17] =	ssyncset.done $0x0  }
0x99: {  	s10 =	sadd.s32 $0x2B00, s13;
	[sflag:s17] =	ssyncadd.s32 $0xFFFFE800  }
0x9a: {  	[spmem:s2] =	stream.indirect.scatter.add.f32 [tilespmem:s26], [sflag:$0xF], $0x30, s10, s14, $0xb8;
	[tilespmem:$0x18680] =	vst v63  }
0x9b: {  	_ =	swait.ge [sflag:s21], $0x1800  }
0x9c: {  	[sflag:s21] =	ssyncset.done $0x0  }
0x9d: {  	s10 =	sadd.s32 $0x500, s13;
	[sflag:s21] =	ssyncadd.s32 $0xFFFFE800  }
0x9e: {  	[tilespmem:s18], [sflag:$0x3] =	stream.indirect.gather [hbm4b:s4+s14], $0x30, s10, s14, $0xb8;
	[tilespmem:$0x18680] =	vst v63  }
0x9f: {  	_ =	swait.ge [sflag:s5], $0x1800  }
0xa0: {  	[sflag:s5] =	ssyncset.done $0x0  }
0xa1: {  	s10 =	sadd.s32 $0x2B80, s13;
	[sflag:s5] =	ssyncadd.s32 $0xFFFFE800  }
0xa2: {  	[spmem:s2] =	stream.indirect.scatter.add.f32 [tilespmem:s29], [sflag:$0x10], $0x30, s10, s14, $0xb8;
	[tilespmem:$0x18680] =	vst v63  }
0xa3: {  	_ =	swait.ge [sflag:s6], $0x1800  }
0xa4: {  	[sflag:s6] =	ssyncset.done $0x0  }
0xa5: {  	s10 =	sadd.s32 $0x580, s13;
	[sflag:s6] =	ssyncadd.s32 $0xFFFFE800  }
0xa6: {  	[tilespmem:s20], [sflag:$0x4] =	stream.indirect.gather [hbm4b:s4+s14], $0x30, s10, s14, $0xb8;
	[tilespmem:$0x18680] =	vst v63  }
0xa7: {  	_ =	swait.ge [sflag:s30], $0x1800  }
0xa8: {  	[sflag:s30] =	ssyncset.done $0x0  }
0xa9: {  	s10 =	sadd.s32 $0x2C00, s13;
	[sflag:s30] =	ssyncadd.s32 $0xFFFFE800  }
0xaa: {  	[spmem:s2] =	stream.indirect.scatter.add.f32 [tilespmem:s15], [sflag:$0x9], $0x30, s10, s14, $0xb8;
	[tilespmem:$0x18680] =	vst v63  }
0xab: {  	_ =	swait.ge [sflag:s11], $0x1800  }
0xac: {  	[sflag:s11] =	ssyncset.done $0x0  }
0xad: {  	s10 =	sadd.s32 $0x600, s13;
	[sflag:s11] =	ssyncadd.s32 $0xFFFFE800  }
0xae: {  	[tilespmem:s22], [sflag:$0x5] =	stream.indirect.gather [hbm4b:s4+s14], $0x30, s10, s14, $0xb8;
	[tilespmem:$0x18680] =	vst v63  }
0xaf: {  	_ =	swait.ge [sflag:s31], $0x1800  }
0xb0: {  	[sflag:s31] =	ssyncset.done $0x0  }
0xb1: {  	s10 =	sadd.s32 $0x2C80, s13;
	[sflag:s31] =	ssyncadd.s32 $0xFFFFE800  }
0xb2: {  	[spmem:s2] =	stream.indirect.scatter.add.f32 [tilespmem:s16], [sflag:$0xA], $0x30, s10, s14, $0xb8;
	[tilespmem:$0x18680] =	vst v63  }
0xb3: {  	_ =	swait.ge [sflag:s7], $0x1800  }
0xb4: {  	[sflag:s7] =	ssyncset.done $0x0  }
0xb5: {  	s10 =	sadd.s32 $0x680, s13;
	[sflag:s7] =	ssyncadd.s32 $0xFFFFE800  }
0xb6: {  	[tilespmem:s24], [sflag:$0x6] =	stream.indirect.gather [hbm4b:s4+s14], $0x30, s10, s14, $0xb8;
	[tilespmem:$0x18680] =	vst v63  }
0xb7: {  	_ =	swait.ge [sflag:s0], $0x1800  }
0xb8: {  	[sflag:s0] =	ssyncset.done $0x0  }
0xb9: {  	s10 =	sadd.s32 $0x2D00, s13;
	[sflag:s0] =	ssyncadd.s32 $0xFFFFE800  }
0xba: {  	[spmem:s2] =	stream.indirect.scatter.add.f32 [tilespmem:s18], [sflag:$0xB], $0x30, s10, s14, $0xb8;
	[tilespmem:$0x18680] =	vst v63  }
0xbb: {  	_ =	swait.ge [sflag:s8], $0x1800  }
0xbc: {  	[sflag:s8] =	ssyncset.done $0x0  }
0xbd: {  	s10 =	sadd.s32 $0x700, s13;
	[sflag:s8] =	ssyncadd.s32 $0xFFFFE800  }
0xbe: {  	[tilespmem:s26], [sflag:$0x7] =	stream.indirect.gather [hbm4b:s4+s14], $0x30, s10, s14, $0xb8;
	[tilespmem:$0x18680] =	vst v63  }
0xbf: {  	_ =	swait.ge [sflag:s19], $0x1800  }
0xc0: {  	[sflag:s19] =	ssyncset.done $0x0  }
.Ltmp0:
0xc1: {  	s10 =	sadd.s32 $0x2D80, s13;
	[sflag:s19] =	ssyncadd.s32 $0xFFFFE800;
	(pc) =	sbr.rel @p0 .LBB2_2-.Ltmp0, $4  }
0xc2: {  	[spmem:s2] =	stream.indirect.scatter.add.f32 [tilespmem:s20], [sflag:$0xC], $0x30, s10, s14, $0xb8;
	[tilespmem:$0x18680] =	vst v63  }
0xc3: {  	_ =	swait.ge [sflag:s9], $0x1800  }
0xc4: {  	[sflag:s9] =	ssyncset.done $0x0  }
0xc5: {  	s13 =	sadd.s32 $0x780, s13;
	[sflag:s9] =	ssyncadd.s32 $0xFFFFE800  }
0xc6: {  	[tilespmem:s29], [sflag:$0x8] =	stream.indirect.gather [hbm4b:s4+s14], $0x30, s13, s14, $0xb8;
	[tilespmem:$0x18680] =	vst v63  }
0xc7: {  	_ =	swait.ge [sflag:s23], $0x1800  }
0xc8: {  	[sflag:s23] =	ssyncset.done $0x0  }
0xc9: {  	s3 =	simm.s32 $0x4E00;
	[sflag:s23] =	ssyncadd.s32 $0xFFFFE800  }
0xca: {  	[spmem:s2] =	stream.indirect.scatter.add.f32 [tilespmem:s22], [sflag:$0xD], $0x30, s3, s14, $0xb8;
	[tilespmem:$0x18680] =	vst v63  }
0xcb: {  	_ =	swait.ge [sflag:s28], $0x1800  }
0xcc: {  	[sflag:s28] =	ssyncset.done $0x0  }
0xcd: {  	s13 =	simm.s32 $0x4E80;
	[sflag:s28] =	ssyncadd.s32 $0xFFFFE800  }
0xce: {  	[spmem:s2] =	stream.indirect.scatter.add.f32 [tilespmem:s24], [sflag:$0xE], $0x30, s13, s14, $0xb8;
	[tilespmem:$0x18680] =	vst v63  }
0xcf: {  	_ =	swait.ge [sflag:s17], $0x1800  }
0xd0: {  	[sflag:s17] =	ssyncset.done $0x0  }
0xd1: {  	s10 =	simm.s32 $0x4F00;
	[sflag:s17] =	ssyncadd.s32 $0xFFFFE800  }
0xd2: {  	[spmem:s2] =	stream.indirect.scatter.add.f32 [tilespmem:s26], [sflag:$0xF], $0x30, s10, s14, $0xb8;
	[tilespmem:$0x18680] =	vst v63  }
0xd3: {  	_ =	swait.ge [sflag:s5], $0x1800  }
0xd4: {  	[sflag:s5] =	ssyncset.done $0x0  }
0xd5: {  	s12 =	simm.s32 $0x4F80;
	[sflag:s5] =	ssyncadd.s32 $0xFFFFE800  }
0xd6: {  	[spmem:s2] =	stream.indirect.scatter.add.f32 [tilespmem:s29], [sflag:$0x10], $0x30, s12, s14, $0xb8;
	[tilespmem:$0x18680] =	vst v63  }
0xd7: {  	_ =	swait.ge [sflag:s25], $0x1800  }
0xd8: {  	[sflag:s25] =	ssyncset.done $0x0  }
0xd9: {  	[sflag:s25] =	ssyncadd.s32 $0xFFFFE800  }
0xda: {  	_ =	swait.ge [sflag:s1], $0x1800  }
0xdb: {  	[sflag:s1] =	ssyncset.done $0x0  }
0xdc: {  	[sflag:s1] =	ssyncadd.s32 $0xFFFFE800  }
0xdd: {  	_ =	swait.ge [sflag:s21], $0x1800  }
0xde: {  	[sflag:s21] =	ssyncset.done $0x0  }
0xdf: {  	[sflag:s21] =	ssyncadd.s32 $0xFFFFE800  }
0xe0: {  	_ =	swait.ge [sflag:s6], $0x1800  }
0xe1: {  	[sflag:s6] =	ssyncset.done $0x0  }
0xe2: {  	[sflag:s6] =	ssyncadd.s32 $0xFFFFE800  }
0xe3: {  	_ =	swait.ge [sflag:s11], $0x1800  }
0xe4: {  	[sflag:s11] =	ssyncset.done $0x0  }
0xe5: {  	[sflag:s11] =	ssyncadd.s32 $0xFFFFE800  }
0xe6: {  	_ =	swait.ge [sflag:s7], $0x1800  }
0xe7: {  	[sflag:s7] =	ssyncset.done $0x0  }
0xe8: {  	[sflag:s7] =	ssyncadd.s32 $0xFFFFE800  }
0xe9: {  	_ =	swait.ge [sflag:s8], $0x1800  }
0xea: {  	[sflag:s8] =	ssyncset.done $0x0  }
0xeb: {  	[sflag:s8] =	ssyncadd.s32 $0xFFFFE800  }
0xec: {  	_ =	swait.ge [sflag:s9], $0x1800  }
0xed: {  	[sflag:s9] =	ssyncset.done $0x0  }
0xee: {  	[sflag:s9] =	ssyncadd.s32 $0xFFFFE800  }
0xef: {  	[bflag:$0x0] =	sbarrier.arrive $0xFFFF  }
0xf0: {  	s10 =	rddreg [dreg:$0x7]  }
0xf1: {  	s13 =	rddreg [dreg:$0x9]  }
0xf2: {  	s12 =	rddreg [dreg:$0xa]  }
0xf3: {  	[hbm:s10], [sflag:s13] =	dma.local [spmem:s12], $0xED0  }
0xf4: {  	s13 =	simm.s32 $0x11  }
0xf5: {  	_ =	swait.ge [sflag:s13], $0xED0  }
0xf6: {  	s10 =	rddreg [dreg:$0xb]  }
0xf7: {  	s12 =	rddreg [dreg:$0x8];
	s3 =	sadd.s32 $0x1, s10  }
0xf8: {  	p0 =	sne.s32 s3, s12  }
.Ltmp1:
0xf9: {  	_ = 	snop;
	(pc) =	sbr.rel @p0 .LBB2_1-.Ltmp1, $3  }
0xfa: {  	_ =	sdelay $0x1  }
0xfb: {  	[sflag:s13] =	ssyncset.done $0x0  }
0xfc: {  	[sflag:s13] =	ssyncadd.s32 $0xFFFFF130;
	[dreg:$0xb] =	wrdreg s3  }
0xfd: {  	_ =	sfence.sel $0x180000  }
0xfe: {  	[bflag:$0x0] =	sbarrier.arrive $0xFFFF  }
0xff: {  	_ =	strace $0x9000004A  }
0x100: {  	s0 =	stileid.u32;
	[bflag:$0x2] =	sbarrier.arrive $0xFFFF  }
0x101: {  	p0 =	sne.s32 s0, $0x0;
	s0 =	rddreg [dreg:$0x3]  }
0x102: {  	s0 =	sadd.s32 @!p0 $0x100000, s0  }
0x103: {  	[sflag:s0] =	ssyncadd.tile.s32 @!p0 $0x1;
	_ =	shalt  }
.Lfunc_end2:
_tile_overlayer_lowered:
.L_overlay_start_2:
0x104: {  	(tag) =	ssettag $0x2  }
0x105: {  	s0 =	rddreg [dreg:$0x0];
	s2 =	stileid.u32  }
0x106: {  	s1 =	rddreg [dreg:$0x1];
	p0 =	sne.s32 s2, $0x0  }
0x107: {  	s3 =	rddreg [dreg:$0x2];
	[bflag:$0x3] =	sbarrier.arrive $0xFFFF;
	s2 =	simm.s32 @!p0 $0x1C11  }
0x108: {  	[timem:s3], [sflag:s2] =	dma.local @!p0 [hbm:s0], s1  }
0x109: {  	s0 =	simm.s32 @!p0 $0x11  }
0x10a: {  	_ =	swait.ge @!p0 [sflag:s0], s1  }
0x10b: {  	s1 =	ssub.s32 @!p0 $0x0, s1;
	[sflag:s0] =	ssyncset.done @!p0 $0x0  }
0x10c: {  	[sflag:s0] =	ssyncadd.s32 @!p0 s1  }
0x10d: {  	[bflag:$0x3] =	sbarrier.arrive $0xFFFF  }
0x10e: {  	_ =	shalt  }

// kernel: kernel.13.cloned.1.call-start
scs
__scs_entry_jumppad:
0x0: {  	(pc) =	sbr.rel $0x88, $3  }
0x1: {  	(tag) =	ssettag $0x0;
	lr =	simm.s32 $0x1  }
0x2: {  	[smem:$0x3F9D] =	sst lr;
	_ =	strace $0xD0000000  }
0x3: {  	_ = 	snop  }
0x4: {  	_ = 	snop  }
0x5: {  	_ = 	snop  }
0x6: {  	_ = 	snop  }
0x7: {  	_ = 	snop  }
__scs_overlays_trampoline_lowered:
0x8: {  	[smem:$0x3FAC] =	sst s0  }
0x9: {  	[smem:$0x3FAD] =	sst s1  }
0xa: {  	[smem:$0x3FAE] =	sst s2  }
0xb: {  	[smem:$0x3FAF] =	sst s3  }
0xc: {  	[smem:$0x3FB0] =	sst s4  }
0xd: {  	[smem:$0x3FB1] =	sst s5  }
0xe: {  	[smem:$0x3FB2] =	sst s6  }
0xf: {  	[smem:$0x3FB3] =	sst s7  }
0x10: {  	[smem:$0x3FB4] =	sst s8  }
0x11: {  	[smem:$0x3FB5] =	sst s9;
	s0 =	simm.s32 @!p0 $0x0  }
0x12: {  	s1 =	sld [smem:$0x3F9B];
	s0 =	simm.s32 @p0 $0x1  }
0x13: {  	[smem:$0x3FB6] =	sst s0;
	s0 =	simm.s32 @!p1 $0x0  }
0x14: {  	s2 =	sld [smem:$0x3F9A];
	s0 =	simm.s32 @p1 $0x1  }
0x15: {  	[smem:$0x3FB7] =	sst s0;
	s0 =	simm.s32 @!p2 $0x0  }
0x16: {  	s3 =	sld [smem:$0x3FDB];
	s0 =	simm.s32 @p2 $0x1  }
0x17: {  	s4 =	simm.s32 $0x1BF5;
	[smem:$0x3FB9] =	sst s0  }
0x18: {  	s0 =	sld [smem:$0x3F9C];
	_ =	swait.ge [sflag:s4], $0x0  }
0x19: {  	s7 =	sld [smem:$0x3F9D]  }
0x1a: {  	s8 =	sadd.s32 $0xFFFFE003, lr  }
0x1b: {  	s9 =	sadd.s32 $0xFFFFFEF7, lr;
	s5 =	simm.s32 $0xFFFFFFFF;
	p2 =	slt.u32 s8, $0xFFFFF086  }
0x1c: {  	p1 =	slt.u32 s9, $0xF7A;
	s5 =	simm.s32 @!p2 $0x0  }
0x1d: {  	s5 =	simm.s32 @p1 $0x1;
	p0 =	seq.s32 s7, s2  }
0x1e: {  	s7 =	smul.u32 @!p0 $0xF7A, s2;
	p2 =	seq.s32 @!p0 s5, $0x0  }
0x1f: {  	s9 =	smul.u32 $0xF7A, s1;
	s8 =	simm.s32 @!p0 $0x1BF5;
	p2 =	por !p2, p0  }
0x20: {  	[sflag:s8] =	ssyncset.s32 @!p0 $0xFFFFF086;
	s6 =	sadd.s32 @!p0 s3, s7;
	s7 =	simm.s32 @!p0 $0x108  }
0x21: {  	s3 =	sadd.s32 s3, s9;
	s6 =	sadd.s32 @!p0 $0x88, s6;
	s7 =	simm.s32 @p2 $0x1082  }
0x22: {  	[simem:s7], [sflag:s8] =	dma.local @!p0 [hbm:s6], $0xF7A  }
0x23: {  	s9 =	sor.u32 $0xD0000000, s2;
	s6 =	simm.s32 $0x108;
	_ =	swait.ge @!p0 [sflag:s8], $0x0  }
0x24: {  	s3 =	sadd.s32 $0x88, s3;
	s6 =	simm.s32 @!p1 $0x1082;
	[sflag:s4] =	ssyncset.s32 $0xFFFFF086  }
0x25: {  	[simem:s6], [sflag:s4] =	dma.local [hbm:s3], $0xF7A  }
0x26: {  	[smem:$0x3F9D] =	sst s1;
	(tag) =	ssettag s2;
	_ =	strace s9  }
0x27: {  	s1 =	sld [smem:$0x3FAD]  }
0x28: {  	s2 =	sld [smem:$0x3FAE]  }
0x29: {  	s4 =	sld [smem:$0x3FB0]  }
0x2a: {  	p0 =	seq.s32 s5, $0x0;
	s5 =	sld [smem:$0x3FB1]  }
0x2b: {  	s6 =	sld [smem:$0x3FB2]  }
0x2c: {  	s7 =	sld [smem:$0x3FB3]  }
0x2d: {  	s3 =	simm.s32 $0x108;
	s8 =	sld [smem:$0x3FB4]  }
0x2e: {  	s3 =	simm.s32 @!p0 $0x1082;
	s9 =	sld [smem:$0x3FB5]  }
0x2f: {  	lr =	sadd.s32 s0, s3;
	s0 =	sld [smem:$0x3FAC]  }
0x30: {  	s3 =	sld [smem:$0x3FAF]  }
0x31: {  	[smem:$0x3FB8] =	sst s10  }
0x32: {  	s10 =	sld [smem:$0x3FB6];
	_ =	sdelay $0x3  }
0x33: {  	p0 =	seq.s32 s10, $0x1;
	s10 =	sld [smem:$0x3FB8];
	_ =	sdelay $0x3  }
0x34: {  	[smem:$0x3FB8] =	sst s10  }
0x35: {  	s10 =	sld [smem:$0x3FB7];
	_ =	sdelay $0x3  }
0x36: {  	p1 =	seq.s32 s10, $0x1;
	s10 =	sld [smem:$0x3FB8];
	_ =	sdelay $0x3  }
0x37: {  	[smem:$0x3FB8] =	sst s10  }
0x38: {  	s10 =	sld [smem:$0x3FB9]  }
0x39: {  	_ = 	snop;
	(pc) =	sbr.ind lr, $3  }
0x3a: {  	_ = 	snop  }
0x3b: {  	_ = 	snop  }
0x3c: {  	p2 =	seq.s32 s10, $0x1;
	s10 =	sld [smem:$0x3FB8]  }
0x3d: {  	_ =	shalt  }
0x3e: {  	_ =	shalt  }
0x3f: {  	_ =	shalt  }
0x40: {  	_ =	shalt  }
0x41: {  	_ =	shalt  }
0x42: {  	_ =	shalt  }
0x43: {  	_ =	shalt  }
0x44: {  	_ =	shalt  }
0x45: {  	_ =	shalt  }
0x46: {  	_ =	shalt  }
0x47: {  	_ =	shalt  }
0x48: {  	_ =	shalt  }
0x49: {  	_ =	shalt  }
0x4a: {  	_ =	shalt  }
0x4b: {  	_ =	shalt  }
0x4c: {  	_ =	shalt  }
0x4d: {  	_ =	shalt  }
0x4e: {  	_ =	shalt  }
0x4f: {  	_ =	shalt  }
0x50: {  	_ =	shalt  }
0x51: {  	_ =	shalt  }
0x52: {  	_ =	shalt  }
0x53: {  	_ =	shalt  }
0x54: {  	_ =	shalt  }
0x55: {  	_ =	shalt  }
0x56: {  	_ =	shalt  }
0x57: {  	_ =	shalt  }
0x58: {  	_ =	shalt  }
0x59: {  	_ =	shalt  }
0x5a: {  	_ =	shalt  }
0x5b: {  	_ =	shalt  }
0x5c: {  	_ =	shalt  }
0x5d: {  	_ =	shalt  }
0x5e: {  	_ =	shalt  }
0x5f: {  	_ =	shalt  }
0x60: {  	_ =	shalt  }
0x61: {  	_ =	shalt  }
0x62: {  	_ =	shalt  }
0x63: {  	_ =	shalt  }
0x64: {  	_ =	shalt  }
0x65: {  	_ =	shalt  }
0x66: {  	_ =	shalt  }
0x67: {  	_ =	shalt  }
0x68: {  	_ =	shalt  }
0x69: {  	_ =	shalt  }
0x6a: {  	_ =	shalt  }
0x6b: {  	_ =	shalt  }
0x6c: {  	_ =	shalt  }
0x6d: {  	_ =	shalt  }
0x6e: {  	_ =	shalt  }
0x6f: {  	_ =	shalt  }
0x70: {  	_ =	shalt  }
0x71: {  	_ =	shalt  }
0x72: {  	_ =	shalt  }
0x73: {  	_ =	shalt  }
0x74: {  	_ =	shalt  }
0x75: {  	_ =	shalt  }
0x76: {  	_ =	shalt  }
0x77: {  	_ =	shalt  }
0x78: {  	_ =	shalt  }
0x79: {  	_ =	shalt  }
0x7a: {  	_ =	shalt  }
0x7b: {  	_ =	shalt  }
0x7c: {  	_ =	shalt  }
0x7d: {  	_ =	shalt  }
0x7e: {  	_ =	shalt  }
0x7f: {  	_ =	shalt  }
0x80: {  	_ =	shalt  }
0x81: {  	_ =	shalt  }
0x82: {  	_ =	shalt  }
0x83: {  	_ =	shalt  }
0x84: {  	_ =	shalt  }
0x85: {  	_ =	shalt  }
0x86: {  	_ =	shalt  }
0x87: {  	_ =	shalt  }
.Lfunc_end0:
.L_simem_size_0:
called_computation.2_lowered:
.L_overlay_start_0:
0x88: {  	s2 =	sld [smem:$0x3FD9]  }
0x89: {  	s3 =	sld [smem:$0x3FFE];
	_ =	sdelay $0x1  }
0x8a: {  	s1 =	srdreg.scid  }
0x8b: {  	s0 =	sand.u32 $0x1, s1  }
0x8c: {  	s17 =	sshll.u32 s0, $0xA;
	s2 =	sadd.s32 s3, s2  }
0x8d: {  	s2 =	sadd.s32 s2, s17  }
0x8e: {  	[smem:$0x3FC4] =	sst s2  }
0x8f: {  	_ = 	snop  }
0x90: {  	s2 =	sld [smem:$0x3FD0];
	(tm) =	ssettm $0x1  }
0x91: {  	s18 =	sld [smem:$0x3FFB];
	_ =	sdelay $0x3  }
0x92: {  	_ =	strace s18  }
0x93: {  	s3 =	sld [smem:$0x3FFC];
	_ =	sdelay $0x3  }
0x94: {  	_ =	strace s3  }
0x95: {  	s3 =	sld [smem:$0x3FFD];
	_ =	sdelay $0x3  }
0x96: {  	_ =	strace s3  }
0x97: {  	_ =	strace $0x8FFFFFFF  }
0x98: {  	s19 =	sld [smem:$0x3FDB];
	_ =	sdelay $0x1  }
0x99: {  	s4 =	simm.s32 $_scs_section_size  }
0x9a: {  	s5 =	simm.s32 $_size__tile_overlayer_lowered;
	s6 =	simm.s32 $_tile_overlayer_lowered  }
0x9b: {  	s22 =	simm.s32 $0x1BFF;
	s21 =	sshll.u32 s6, $0x1;
	s3 =	sadd.s32 s4, s19  }
0x9c: {  	s7 =	simm.s32 $0x0;
	s20 =	sshll.u32 s5, $0x1;
	s5 =	sadd.s32 s21, s3  }
0x9d: {  	[timem:s7], [sflag:s22] =	dma.local [hbm:s5], s20  }
0x9e: {  	_ =	swait.ge [sflag:s22], s20  }
0x9f: {  	s4 =	ssub.s32 $0x0, s20;
	[sflag:s22] =	ssyncset.done $0x0  }
0xa0: {  	[sflag:s22] =	ssyncadd.s32 s4;
	_ =	sdelay $0x1  }
0xa1: {  	s23 =	simm.s32 $0x1B8B  }
0xa2: {  	_ =	swait.ge [sflag:s23], $0x1  }
0xa3: {  	[sflag:s23] =	ssyncset.done $0x0  }
0xa4: {  	s25 =	simm.s32 $0x1B8E;
	s24 =	sld [smem:$0x3FFE];
	[sflag:s23] =	ssyncadd.s32 $0xFFFFFFFF  }
0xa5: {  	s26 =	simm.s32 $execute0_lowered;
	[smem:$0x3FD2] =	sst s25  }
0xa6: {  	s5 =	sshll.u32 s26, $0x1;
	_ =	strace $0x8000004C;
	[dreg:$0x1] =	wrdreg $0xFFFFFFFF  }
0xa7: {  	s28 =	simm.s32 $_size_execute0_lowered;
	s3 =	sadd.s32 s3, s5;
	[dreg:$0x0] =	wrdreg $0x0  }
0xa8: {  	s5 =	sshll.u32 s28, $0x1;
	[dreg:$0x2] =	wrdreg s3  }
0xa9: {  	[dreg:$0x3] =	wrdreg s5  }
0xaa: {  	[dreg:$0x4] =	wrdreg $0xC0  }
0xab: {  	_ =	task [dreg:s7], $0x5FFFF  }
0xac: {  	[dreg:$0x1] =	wrdreg $0xFFFFFFFF  }
0xad: {  	[dreg:$0x0] =	wrdreg $0x60  }
0xae: {  	[dreg:$0x2] =	wrdreg s2  }
0xaf: {  	[dreg:$0x3] =	wrdreg s24  }
0xb0: {  	[dreg:$0x4] =	wrdreg $0x178000  }
0xb1: {  	[dreg:$0x5] =	wrdreg $0x9  }
0xb2: {  	_ =	task.clear_ibuf [dreg:s7], $0x6FFFF;
	_ =	strace $0x9000004C  }
0xb3: {  	s29 =	simm.s32 $0x9;
	_ =	strace $0x8000004E  }
0xb4: {  	_ =	swait.ge [sflag:s29], $0x1  }
0xb5: {  	[sflag:s29] =	ssyncadd.s32 $0xFFFFFFFF  }
0xb6: {  	_ =	strace $0x9000004E  }
0xb7: {  	_ =	sfence  }
0xb8: {  	s30 =	sld [smem:$0x0];
	_ =	sdelay $0x2  }
0xb9: {  	s31 =	sshll.u32 s1, $0xD;
	s1 =	sshrl.u32 s1, $0x2  }
0xba: {  	s3 =	sand.u32 $0x4000, s31;
	s1 =	sadd.s32 s1, s30  }
0xbb: {  	s0 =	sor.u32 s3, s0;
	s1 =	sshll.u32 s1, $0x11  }
0xbc: {  	s0 =	sor.u32 s1, s0  }
0xbd: {  	s0 =	sadd.s32 $0x8F2B, s0  }
0xbe: {  	[sflag:s0] =	ssyncadd.remote.s32 $0x1  }
0xbf: {  	_ =	sfence.sel $0xFFFF  }
0xc0: {  	[dreg:$0x0] =	wrdreg $0xFFFFFFFF;
	(pc) =	sbr.abs _section_cstart, $3  }
0xc1: {  	[dreg:$0x1] =	wrdreg $0xFFFFFFFF  }
0xc2: {  	_ =	task.clear_ibuf [dreg:s7], $0x2FFFF;
	_ =	strace $0x9FFFFFFF  }
0xc3: {  	(tm) =	ssettm $0x7FFFFFFF  }
tec
execute0_lowered:
.L_overlay_start_1:
0x0: {  	(tag) =	ssettag $0x1  }
0x1: {  	s0 =	rddreg [dreg:$0x0]  }
0x2: {  	s1 =	srdreg.scid;
	s4 =	rddreg [dreg:$0x1]  }
0x3: {  	s2 =	rddreg [dreg:$0x2];
	s16 =	stileid.u32;
	s3 =	simm.s32 $0x0  }
0x4: {  	s28 =	simm.s32 $0x5000;
	s29 =	simm.s32 $0x6800;
	s31 =	simm.s32 $0x8000  }
0x5: {  	s30 =	simm.s32 $0x9800;
	s1 =	sand.u32 $0x1, s1;
	s6 =	smul.u32 $0x7680, s16  }
0x6: {  	[smem:$0x7FF] =	sst s3;
	s8 =	sadd.s32 $0x78E00, s4;
	s15 =	smul.u32 $0x278, s16  }
0x7: {  	s10 =	sadd.s32 $0xC200, s4;
	s11 =	sadd.s32 $0x96800, s4;
	s17 =	smul.u32 $0x4F0, s16  }
0x8: {  	s5 =	sshll.u32 s1, $0x4;
	_ =	strace $0x8000004D;
	s9 =	smul.u32 $0x76800, s1  }
0x9: {  	s1 =	ssub.s32 $0x2, s1;
	s5 =	sor.u32 s16, s5;
	s12 =	sshrl.u32 s6, $0x3  }
0xa: {  	s14 =	sshrl.u32 s1, $0x1;
	s18 =	sadd.s32 $0x138, s15;
	s5 =	smul.u32 $0x500, s5  }
0xb: {  	s13 =	sadd.s32 s12, s4;
	s9 =	sadd.s32 s6, s9;
	s1 =	ssub.s32 s1, s14  }
0xc: {  	s19 =	smul.u32 $0x30, s18;
	s6 =	sadd.s32 s6, s2;
	s22 =	sadd.s32 s10, s12  }
0xd: {  	s9 =	sshrl.u32 s9, $0x3;
	[dreg:$0x6] =	wrdreg s6;
	s20 =	sadd.s32 $0x6A000, s13  }
0xe: {  	[dreg:$0x9] =	wrdreg s22;
	s6 =	simm.s32 $0x5;
	s7 =	sadd.s32 s5, s4  }
0xf: {  	s9 =	sadd.s32 s9, s4;
	s4 =	sadd.s32 $0x9B800, s4;
	s0 =	sadd.s32 s0, s5  }
0x10: {  	[dreg:$0x7] =	wrdreg s20;
	s23 =	sshrl.u32 s19, $0x3;
	s5 =	sshll.u32 s18, $0x1  }
0x11: {  	s20 =	smax.u32 s1, $0x1;
	s1 =	simm.s32 $0x2;
	[dreg:$0x4] =	wrdreg s0  }
0x12: {  	s7 =	sadd.s32 $0x2200, s7;
	s0 =	sadd.s32 s11, s17;
	s24 =	sadd.s32 s4, s12  }
0x13: {  	s14 =	sadd.s32 s8, s23;
	s26 =	sadd.s32 s10, s23;
	s5 =	sadd.s32 s11, s5  }
0x14: {  	s18 =	sadd.s32 s4, s23;
	s19 =	sadd.s32 $0xAA600, s9;
	[dreg:$0x5] =	wrdreg s7  }
0x15: {  	s23 =	simm.s32 $0xB000;
	s9 =	simm.s32 $0x6;
	[dreg:$0xa] =	wrdreg s0  }
0x16: {  	s10 =	simm.s32 $0x7;
	s11 =	simm.s32 $0x8;
	[dreg:$0xb] =	wrdreg s24  }
0x17: {  	s7 =	sadd.s32 s8, s12;
	s25 =	sadd.s32 $0xED00, s14;
	[dreg:$0xd] =	wrdreg s26  }
0x18: {  	[dreg:$0xe] =	wrdreg s5;
	s24 =	simm.s32 $0x2800;
	s26 =	simm.s32 $0x80  }
0x19: {  	s0 =	simm.s32 $0x1;
	s5 =	simm.s32 $0x3;
	s8 =	simm.s32 $0x4  }
0x1a: {  	s12 =	simm.s32 $0x0;
	s21 =	sadd.s32 $0xED00, s7;
	[dreg:$0xc] =	wrdreg s25  }
0x1b: {  	s25 =	simm.s32 $0x12800;
	[dreg:$0x8] =	wrdreg s21;
	s21 =	simm.s32 $0x9  }
.LBB2_1:
0x1c: {  	s13 =	rddreg [dreg:$0x4]  }
0x1d: {  	[tilespmem:s3], [sflag:$0x9] =	stream.linear.gather [hbm4b:s13+s3], $0x2800, $0x38;
	[tilespmem:$0x1EE80] =	vst v63  }
0x1e: {  	_ =	swait.ge [sflag:s21], $0x2800  }
0x1f: {  	[sflag:s21] =	ssyncset.done $0x0  }
0x20: {  	s22 =	stileid.u32;
	s17 =	rddreg [dreg:$0x5];
	[sflag:s21] =	ssyncadd.s32 $0xFFFFD800  }
0x21: {  	[tilespmem:s24], [sflag:$0x9] =	stream.linear.gather [hbm4b:s17+s3], $0x2800, $0x38;
	[tilespmem:$0x1EE80] =	vst v63  }
0x22: {  	s13 =	sshll.u32 s22, $0x6;
	_ =	swait.ge [sflag:s21], $0x2800  }
0x23: {  	s13 =	sor.u32 $0x1C09, s13;
	[sflag:s21] =	ssyncset.done $0x0;
	s15 =	rddreg [dreg:$0x6]  }
0x24: {  	s16 =	rddreg [dreg:$0x7];
	[sflag:s21] =	ssyncadd.s32 $0xFFFFD800;
	s15 =	sshrl.u32 s15, $0x3  }
0x25: {  	[spmem:s15], [sflag:s13] =	dma.local [hbm:s16], $0xED0  }
0x26: {  	_ =	swait.ge [sflag:s21], $0xED0  }
0x27: {  	[sflag:s21] =	ssyncset.done $0x0  }
0x28: {  	[sflag:s21] =	ssyncadd.s32 $0xFFFFF130  }
0x29: {  	[tilespmem:s23], [sflag:$0x9] =	stream.linear.gather [hbm4b:s7+s3], $0x3A80, $0x38;
	[tilespmem:$0x1EE80] =	vst v63  }
0x2a: {  	_ =	swait.ge [sflag:s21], $0x3A80  }
0x2b: {  	[sflag:s21] =	ssyncset.done $0x0  }
0x2c: {  	s17 =	simm.s32 $0xEC00;
	s24 =	rddreg [dreg:$0x8];
	[sflag:s21] =	ssyncadd.s32 $0xFFFFC580  }
0x2d: {  	[tilespmem:s17], [sflag:$0x9] =	stream.linear.gather [hbm4b:s24+s3], $0x3A80, $0x38;
	[tilespmem:$0x1EE80] =	vst v63  }
0x2e: {  	_ =	swait.ge [sflag:s21], $0x3A80  }
0x2f: {  	[sflag:s21] =	ssyncset.done $0x0  }
0x30: {  	s22 =	rddreg [dreg:$0x9];
	[sflag:s21] =	ssyncadd.s32 $0xFFFFC580  }
0x31: {  	[tilespmem:s25], [sflag:$0x9] =	stream.linear.gather [hbm4b:s22+s3], $0x3A80, $0x38;
	[tilespmem:$0x1EE80] =	vst v63  }
0x32: {  	_ =	swait.ge [sflag:s21], $0x3A80  }
0x33: {  	[sflag:s21] =	ssyncset.done $0x0  }
0x34: {  	s22 =	simm.s32 $0x16400;
	s24 =	rddreg [dreg:$0xa];
	[sflag:s21] =	ssyncadd.s32 $0xFFFFC580  }
0x35: {  	[tilespmem:s22], [sflag:$0x9] =	stream.linear.gather [hbm4b:s24+s3], $0x1380, $0x38;
	[tilespmem:$0x1EE80] =	vst v63  }
0x36: {  	_ =	swait.ge [sflag:s21], $0x1380  }
0x37: {  	[sflag:s21] =	ssyncset.done $0x0  }
0x38: {  	s24 =	simm.s32 $0x0;
	[sflag:s21] =	ssyncadd.s32 $0xFFFFEC80  }
0x39: {  	v3 =	vld [tilespmem:s24+$0x12810]  }
0x3a: {  	v0 =	vld [tilespmem:s24+$0x12820]  }
0x3b: {  	v4 =	vld [tilespmem:s24+$0xEC00]  }
0x3c: {  	v1 =	vld [tilespmem:s24+$0xEC20]  }
0x3d: {  	v2 =	vld [tilespmem:s24+$0xB020]  }
0x3e: {  	v5 =	vld [tilespmem:s24+$0xEC10]  }
0x3f: {  	v6 =	vld [tilespmem:s24+$0xB010]  }
0x40: {  	v7 =	vld [tilespmem:s24+$0xB000]  }
0x41: {  	v8 =	vld [tilespmem:s22+$0x0]  }
0x42: {  	v9 =	vld [tilespmem:s24+$0x12800]  }
0x43: {  	v1 =	vadd.f32 v1, v2  }
0x44: {  	s16 =	simm.s32 $0x30;
	v5 =	vadd.f32 v5, v6  }
0x45: {  	v2 =	vld [tilespmem:s16+$0x12810];
	v7 =	vadd.f32 v4, v7;
	v6 =	vadd.f32 v0, v1  }
0x46: {  	v4 =	vld [tilespmem:s16+$0xEC20];
	v5 =	vadd.f32 v3, v5  }
0x47: {  	v0 =	vld [tilespmem:s16+$0x12820];
	v7 =	vadd.f32 v9, v7;
	v6 =	vmul.f32 v6, v8  }
0x48: {  	v1 =	vld [tilespmem:s16+$0xEC00];
	v63 =	vmul.f32 v5, v8  }
0x49: {  	v3 =	vld [tilespmem:s16+$0xEC10];
	v7 =	vmul.f32 v7, v8;
	[tilespmem:s24+$0xB020] =	vst v6  }
0x4a: {  	v5 =	vld [tilespmem:s16+$0xB020];
	[tilespmem:s24+$0xB010] =	vst v63  }
0x4b: {  	s17 =	simm.s32 $0x180;
	v6 =	vld [tilespmem:s16+$0xB010];
	[tilespmem:s24+$0xB000] =	vst v7  }
.LBB2_2:
0x4c: {  	p0 =	sne.s32 s17, $0xE940;
	v7 =	vld [tilespmem:s16+$0xB000];
	s22 =	sadd.s32 $0x10, s22  }
0x4d: {  	v8 =	vld [tilespmem:s22+$0x0]  }
0x4e: {  	v9 =	vld [tilespmem:s16+$0x12800]  }
0x4f: {  	v4 =	vadd.f32 v4, v5  }
0x50: {  	s24 =	sshra.s32 s17, $0x2;
	v3 =	vadd.f32 v3, v6  }
0x51: {  	v6 =	vld [tilespmem:s24+$0x12810];
	v5 =	vadd.f32 v1, v7;
	v4 =	vadd.f32 v0, v4  }
0x52: {  	v0 =	vld [tilespmem:s24+$0x12820];
	v2 =	vadd.f32 v2, v3  }
.Ltmp0:
0x53: {  	v1 =	vld [tilespmem:s24+$0xEC00];
	v5 =	vadd.f32 v9, v5;
	v7 =	vmul.f32 v4, v8;
	(pc) =	sbr.rel @p0 .LBB2_2-.Ltmp0, $4  }
0x54: {  	v3 =	vld [tilespmem:s24+$0xEC10];
	v9 =	vmul.f32 v2, v8  }
0x55: {  	v4 =	vld [tilespmem:s24+$0xEC20];
	v8 =	vmul.f32 v5, v8;
	[tilespmem:s16+$0xB020] =	vst v7  }
0x56: {  	v5 =	vld [tilespmem:s24+$0xB020];
	[tilespmem:s16+$0xB010] =	vst v9;
	v2 =	vmov v6  }
0x57: {  	s17 =	sadd.s32 $0xC0, s17;
	v6 =	vld [tilespmem:s24+$0xB010];
	[tilespmem:s16+$0xB000] =	vst v8;
	s16 =	smov.u32 s24  }
0x58: {  	v7 =	vld [tilespmem:s16+$0xB000]  }
0x59: {  	s17 =	sadd.s32 $0x10, s22;
	v9 =	vld [tilespmem:s16+$0x12800]  }
0x5a: {  	v8 =	vld [tilespmem:s17+$0x0]  }
0x5b: {  	v4 =	vadd.f32 v4, v5  }
0x5c: {  	v3 =	vadd.f32 v3, v6  }
0x5d: {  	v1 =	vadd.f32 v1, v7;
	v0 =	vadd.f32 v0, v4  }
0x5e: {  	v2 =	vadd.f32 v2, v3  }
0x5f: {  	v1 =	vadd.f32 v9, v1;
	v0 =	vmul.f32 v0, v8  }
0x60: {  	v2 =	vmul.f32 v2, v8  }
0x61: {  	v1 =	vmul.f32 v1, v8;
	[tilespmem:s16+$0xB020] =	vst v0  }
0x62: {  	[tilespmem:s16+$0xB010] =	vst v2  }
0x63: {  	s24 =	rddreg [dreg:$0xb];
	[tilespmem:s16+$0xB000] =	vst v1;
	s16 =	simm.s32 $0x0  }
0x64: {  	[hbm4b:s24+s16] =	stream.linear.scatter [tilespmem:s23], [sflag:$0x9], $0x3A80, $0x38;
	[tilespmem:$0x1EE80] =	vst v63  }
0x65: {  	_ =	swait.ge [sflag:s21], $0x3A80  }
0x66: {  	[sflag:s21] =	ssyncset.done $0x0  }
0x67: {  	[sflag:s21] =	ssyncadd.s32 $0xFFFFC580  }
0x68: {  	[tilespmem:s23], [sflag:$0x9] =	stream.linear.gather [hbm4b:s14+s16], $0x3C00, $0x38;
	[tilespmem:$0x1EE80] =	vst v63  }
0x69: {  	_ =	swait.ge [sflag:s21], $0x3C00  }
0x6a: {  	[sflag:s21] =	ssyncset.done $0x0  }
0x6b: {  	s24 =	simm.s32 $0xEC00;
	s22 =	rddreg [dreg:$0xc];
	[sflag:s21] =	ssyncadd.s32 $0xFFFFC400  }
0x6c: {  	[tilespmem:s24], [sflag:$0x9] =	stream.linear.gather [hbm4b:s22+s16], $0x3C00, $0x38;
	[tilespmem:$0x1EE80] =	vst v63  }
0x6d: {  	_ =	swait.ge [sflag:s21], $0x3C00  }
0x6e: {  	[sflag:s21] =	ssyncset.done $0x0  }
0x6f: {  	s22 =	rddreg [dreg:$0xd];
	[sflag:s21] =	ssyncadd.s32 $0xFFFFC400  }
0x70: {  	[tilespmem:s25], [sflag:$0x9] =	stream.linear.gather [hbm4b:s22+s16], $0x3C00, $0x38;
	[tilespmem:$0x1EE80] =	vst v63  }
0x71: {  	_ =	swait.ge [sflag:s21], $0x3C00  }
0x72: {  	[sflag:s21] =	ssyncset.done $0x0  }
0x73: {  	s22 =	simm.s32 $0x16400;
	s24 =	rddreg [dreg:$0xe];
	[sflag:s21] =	ssyncadd.s32 $0xFFFFC400  }
0x74: {  	[tilespmem:s22], [sflag:$0x9] =	stream.linear.gather [hbm4b:s24+s16], $0x1400, $0x38;
	[tilespmem:$0x1EE80] =	vst v63  }
0x75: {  	_ =	swait.ge [sflag:s21], $0x1400  }
0x76: {  	[sflag:s21] =	ssyncset.done $0x0  }
0x77: {  	s24 =	simm.s32 $0x0;
	[sflag:s21] =	ssyncadd.s32 $0xFFFFEC00  }
0x78: {  	v3 =	vld [tilespmem:s24+$0x12810]  }
0x79: {  	v0 =	vld [tilespmem:s24+$0x12820]  }
0x7a: {  	v4 =	vld [tilespmem:s24+$0xEC00]  }
0x7b: {  	v1 =	vld [tilespmem:s24+$0xEC20]  }
0x7c: {  	v2 =	vld [tilespmem:s24+$0xB020]  }
0x7d: {  	v5 =	vld [tilespmem:s24+$0xEC10]  }
0x7e: {  	v6 =	vld [tilespmem:s24+$0xB010]  }
0x7f: {  	v7 =	vld [tilespmem:s24+$0xB000]  }
0x80: {  	v8 =	vld [tilespmem:s22+$0x0]  }
0x81: {  	v62 =	vld [tilespmem:s24+$0x12800]  }
0x82: {  	v1 =	vadd.f32 v1, v2  }
0x83: {  	s16 =	simm.s32 $0x30;
	v5 =	vadd.f32 v5, v6  }
0x84: {  	v2 =	vld [tilespmem:s16+$0x12810];
	v7 =	vadd.f32 v4, v7;
	v6 =	vadd.f32 v0, v1  }
0x85: {  	v4 =	vld [tilespmem:s16+$0xEC20];
	v5 =	vadd.f32 v3, v5  }
0x86: {  	v0 =	vld [tilespmem:s16+$0x12820];
	v7 =	vadd.f32 v62, v7;
	v6 =	vmul.f32 v6, v8  }
0x87: {  	v1 =	vld [tilespmem:s16+$0xEC00];
	v63 =	vmul.f32 v5, v8  }
0x88: {  	v3 =	vld [tilespmem:s16+$0xEC10];
	v7 =	vmul.f32 v7, v8;
	[tilespmem:s24+$0xB020] =	vst v6  }
0x89: {  	v5 =	vld [tilespmem:s16+$0xB020];
	[tilespmem:s24+$0xB010] =	vst v63  }
0x8a: {  	s17 =	simm.s32 $0x180;
	v6 =	vld [tilespmem:s16+$0xB010];
	[tilespmem:s24+$0xB000] =	vst v7  }
.LBB2_4:
0x8b: {  	p0 =	sne.s32 s17, $0xEF40;
	v7 =	vld [tilespmem:s16+$0xB000];
	s22 =	sadd.s32 $0x10, s22  }
0x8c: {  	v8 =	vld [tilespmem:s22+$0x0]  }
0x8d: {  	v9 =	vld [tilespmem:s16+$0x12800]  }
0x8e: {  	v4 =	vadd.f32 v4, v5  }
0x8f: {  	s24 =	sshra.s32 s17, $0x2;
	v3 =	vadd.f32 v3, v6  }
0x90: {  	v6 =	vld [tilespmem:s24+$0x12810];
	v5 =	vadd.f32 v1, v7;
	v4 =	vadd.f32 v0, v4  }
0x91: {  	v0 =	vld [tilespmem:s24+$0x12820];
	v2 =	vadd.f32 v2, v3  }
.Ltmp1:
0x92: {  	v1 =	vld [tilespmem:s24+$0xEC00];
	v5 =	vadd.f32 v9, v5;
	v7 =	vmul.f32 v4, v8;
	(pc) =	sbr.rel @p0 .LBB2_4-.Ltmp1, $4  }
0x93: {  	v3 =	vld [tilespmem:s24+$0xEC10];
	v9 =	vmul.f32 v2, v8  }
0x94: {  	v4 =	vld [tilespmem:s24+$0xEC20];
	v8 =	vmul.f32 v5, v8;
	[tilespmem:s16+$0xB020] =	vst v7  }
0x95: {  	v5 =	vld [tilespmem:s24+$0xB020];
	[tilespmem:s16+$0xB010] =	vst v9;
	v2 =	vmov v6  }
0x96: {  	s17 =	sadd.s32 $0xC0, s17;
	v6 =	vld [tilespmem:s24+$0xB010];
	[tilespmem:s16+$0xB000] =	vst v8;
	s16 =	smov.u32 s24  }
0x97: {  	v7 =	vld [tilespmem:s16+$0xB000]  }
0x98: {  	s17 =	sadd.s32 $0x10, s22;
	v9 =	vld [tilespmem:s16+$0x12800]  }
0x99: {  	v8 =	vld [tilespmem:s17+$0x0]  }
0x9a: {  	v4 =	vadd.f32 v4, v5  }
0x9b: {  	v3 =	vadd.f32 v3, v6  }
0x9c: {  	v1 =	vadd.f32 v1, v7;
	v0 =	vadd.f32 v0, v4  }
0x9d: {  	v2 =	vadd.f32 v2, v3  }
0x9e: {  	v1 =	vadd.f32 v9, v1;
	v0 =	vmul.f32 v0, v8  }
0x9f: {  	v2 =	vmul.f32 v2, v8  }
0xa0: {  	v1 =	vmul.f32 v1, v8;
	[tilespmem:s16+$0xB020] =	vst v0  }
0xa1: {  	[tilespmem:s16+$0xB010] =	vst v2  }
0xa2: {  	s17 =	simm.s32 $0x0;
	[tilespmem:s16+$0xB000] =	vst v1  }
0xa3: {  	[hbm4b:s18+s17] =	stream.linear.scatter [tilespmem:s23], [sflag:$0x9], $0x3C00, $0x38;
	[tilespmem:$0x1EE80] =	vst v63  }
0xa4: {  	_ =	swait.ge [sflag:s21], $0x3C00  }
0xa5: {  	[sflag:s21] =	ssyncset.done $0x0  }
0xa6: {  	[sflag:s21] =	ssyncadd.s32 $0xFFFFC400  }
0xa7: {  	[bflag:$0x0] =	sbarrier.arrive $0xFFFF  }
0xa8: {  	[tilespmem:s28], [sflag:$0x1] =	stream.indirect.gather [hbm4b:s4+s26], $0x30, s17, s26, $0xb8;
	[tilespmem:$0x1EE80] =	vst v63  }
0xa9: {  	_ = 	snop  }
0xaa: {  	[tilespmem:s29], [sflag:$0x2] =	stream.indirect.gather [hbm4b:s4+s26], $0x30, s26, s26, $0xb8;
	[tilespmem:$0x1EE80] =	vst v63  }
0xab: {  	s22 =	simm.s32 $0x100  }
0xac: {  	[tilespmem:s31], [sflag:$0x3] =	stream.indirect.gather [hbm4b:s4+s26], $0x30, s22, s26, $0xb8;
	[tilespmem:$0x1EE80] =	vst v63  }
0xad: {  	s24 =	simm.s32 $0x180  }
0xae: {  	[tilespmem:s30], [sflag:$0x4] =	stream.indirect.gather [hbm4b:s4+s26], $0x30, s24, s26, $0xb8;
	[tilespmem:$0x1EE80] =	vst v63  }
0xaf: {  	_ =	swait.ge [sflag:s0], $0x1800  }
0xb0: {  	[sflag:s0] =	ssyncset.done $0x0  }
0xb1: {  	s24 =	simm.s32 $0x2800;
	[sflag:s0] =	ssyncadd.s32 $0xFFFFE800  }
0xb2: {  	[spmem:s2] =	stream.indirect.scatter.add.f32 [tilespmem:s28], [sflag:$0x5], $0x30, s24, s26, $0xb8;
	[tilespmem:$0x1EE80] =	vst v63  }
0xb3: {  	_ =	swait.ge [sflag:s1], $0x1800  }
0xb4: {  	[sflag:s1] =	ssyncset.done $0x0  }
0xb5: {  	s17 =	simm.s32 $0x2880;
	[sflag:s1] =	ssyncadd.s32 $0xFFFFE800  }
0xb6: {  	[spmem:s2] =	stream.indirect.scatter.add.f32 [tilespmem:s29], [sflag:$0x6], $0x30, s17, s26, $0xb8;
	[tilespmem:$0x1EE80] =	vst v63  }
0xb7: {  	_ =	swait.ge [sflag:s5], $0x1800  }
0xb8: {  	[sflag:s5] =	ssyncset.done $0x0  }
0xb9: {  	s22 =	simm.s32 $0x2900;
	[sflag:s5] =	ssyncadd.s32 $0xFFFFE800  }
0xba: {  	[spmem:s2] =	stream.indirect.scatter.add.f32 [tilespmem:s31], [sflag:$0x7], $0x30, s22, s26, $0xb8;
	[tilespmem:$0x1EE80] =	vst v63  }
0xbb: {  	_ =	swait.ge [sflag:s6], $0x1800  }
0xbc: {  	[sflag:s6] =	ssyncset.done $0x0  }
0xbd: {  	s17 =	simm.s32 $0x200;
	[sflag:s6] =	ssyncadd.s32 $0xFFFFE800  }
0xbe: {  	[tilespmem:s28], [sflag:$0x1] =	stream.indirect.gather [hbm4b:s4+s26], $0x30, s17, s26, $0xb8;
	[tilespmem:$0x1EE80] =	vst v63  }
0xbf: {  	_ =	swait.ge [sflag:s8], $0x1800  }
0xc0: {  	[sflag:s8] =	ssyncset.done $0x0  }
0xc1: {  	s22 =	simm.s32 $0x2980;
	[sflag:s8] =	ssyncadd.s32 $0xFFFFE800  }
0xc2: {  	[spmem:s2] =	stream.indirect.scatter.add.f32 [tilespmem:s30], [sflag:$0x8], $0x30, s22, s26, $0xb8;
	[tilespmem:$0x1EE80] =	vst v63  }
0xc3: {  	_ =	swait.ge [sflag:s9], $0x1800  }
0xc4: {  	[sflag:s9] =	ssyncset.done $0x0  }
0xc5: {  	s17 =	simm.s32 $0x280;
	[sflag:s9] =	ssyncadd.s32 $0xFFFFE800  }
0xc6: {  	[tilespmem:s29], [sflag:$0x2] =	stream.indirect.gather [hbm4b:s4+s26], $0x30, s17, s26, $0xb8;
	[tilespmem:$0x1EE80] =	vst v63  }
0xc7: {  	_ =	swait.ge [sflag:s0], $0x1800  }
0xc8: {  	[sflag:s0] =	ssyncset.done $0x0  }
0xc9: {  	s22 =	simm.s32 $0x2A00;
	[sflag:s0] =	ssyncadd.s32 $0xFFFFE800  }
0xca: {  	[spmem:s2] =	stream.indirect.scatter.add.f32 [tilespmem:s28], [sflag:$0x5], $0x30, s22, s26, $0xb8;
	[tilespmem:$0x1EE80] =	vst v63  }
0xcb: {  	_ =	swait.ge [sflag:s10], $0x1800  }
0xcc: {  	[sflag:s10] =	ssyncset.done $0x0  }
0xcd: {  	s17 =	simm.s32 $0x300;
	[sflag:s10] =	ssyncadd.s32 $0xFFFFE800  }
0xce: {  	[tilespmem:s31], [sflag:$0x3] =	stream.indirect.gather [hbm4b:s4+s26], $0x30, s17, s26, $0xb8;
	[tilespmem:$0x1EE80] =	vst v63  }
0xcf: {  	_ =	swait.ge [sflag:s1], $0x1800  }
0xd0: {  	[sflag:s1] =	ssyncset.done $0x0  }
0xd1: {  	s22 =	simm.s32 $0x2A80;
	[sflag:s1] =	ssyncadd.s32 $0xFFFFE800  }
0xd2: {  	[spmem:s2] =	stream.indirect.scatter.add.f32 [tilespmem:s29], [sflag:$0x6], $0x30, s22, s26, $0xb8;
	[tilespmem:$0x1EE80] =	vst v63  }
0xd3: {  	_ =	swait.ge [sflag:s11], $0x1800  }
0xd4: {  	[sflag:s11] =	ssyncset.done $0x0  }
0xd5: {  	s16 =	simm.s32 $0x380;
	s22 =	simm.s32 $0x800;
	[sflag:s11] =	ssyncadd.s32 $0xFFFFE800  }
.LBB2_6:
0xd6: {  	[tilespmem:s30], [sflag:$0x4] =	stream.indirect.gather [hbm4b:s4+s26], $0x30, s16, s26, $0xb8;
	[tilespmem:$0x1EE80] =	vst v63  }
0xd7: {  	s16 =	smov.u32 s22  }
0xd8: {  	p0 =	sne.s32 s22, $0x9000;
	s22 =	sadd.s32 $0x800, s22;
	_ =	swait.ge [sflag:s5], $0x1800  }
0xd9: {  	s16 =	sshra.s32 s16, $0x2;
	[sflag:s5] =	ssyncset.done $0x0  }
0xda: {  	s17 =	sadd.s32 $0x2900, s16;
	[sflag:s5] =	ssyncadd.s32 $0xFFFFE800  }
0xdb: {  	[spmem:s2] =	stream.indirect.scatter.add.f32 [tilespmem:s31], [sflag:$0x7], $0x30, s17, s26, $0xb8;
	[tilespmem:$0x1EE80] =	vst v63  }
0xdc: {  	_ =	swait.ge [sflag:s6], $0x1800  }
0xdd: {  	[sflag:s6] =	ssyncset.done $0x0  }
0xde: {  	s17 =	sadd.s32 $0x200, s16;
	[sflag:s6] =	ssyncadd.s32 $0xFFFFE800  }
0xdf: {  	[tilespmem:s28], [sflag:$0x1] =	stream.indirect.gather [hbm4b:s4+s26], $0x30, s17, s26, $0xb8;
	[tilespmem:$0x1EE80] =	vst v63  }
0xe0: {  	_ =	swait.ge [sflag:s8], $0x1800  }
0xe1: {  	[sflag:s8] =	ssyncset.done $0x0  }
0xe2: {  	s17 =	sadd.s32 $0x2980, s16;
	[sflag:s8] =	ssyncadd.s32 $0xFFFFE800  }
0xe3: {  	[spmem:s2] =	stream.indirect.scatter.add.f32 [tilespmem:s30], [sflag:$0x8], $0x30, s17, s26, $0xb8;
	[tilespmem:$0x1EE80] =	vst v63  }
0xe4: {  	_ =	swait.ge [sflag:s9], $0x1800  }
0xe5: {  	[sflag:s9] =	ssyncset.done $0x0  }
0xe6: {  	s17 =	sadd.s32 $0x280, s16;
	[sflag:s9] =	ssyncadd.s32 $0xFFFFE800  }
0xe7: {  	[tilespmem:s29], [sflag:$0x2] =	stream.indirect.gather [hbm4b:s4+s26], $0x30, s17, s26, $0xb8;
	[tilespmem:$0x1EE80] =	vst v63  }
0xe8: {  	_ =	swait.ge [sflag:s0], $0x1800  }
0xe9: {  	[sflag:s0] =	ssyncset.done $0x0  }
0xea: {  	s17 =	sadd.s32 $0x2A00, s16;
	[sflag:s0] =	ssyncadd.s32 $0xFFFFE800  }
0xeb: {  	[spmem:s2] =	stream.indirect.scatter.add.f32 [tilespmem:s28], [sflag:$0x5], $0x30, s17, s26, $0xb8;
	[tilespmem:$0x1EE80] =	vst v63  }
0xec: {  	_ =	swait.ge [sflag:s10], $0x1800  }
0xed: {  	[sflag:s10] =	ssyncset.done $0x0  }
0xee: {  	s17 =	sadd.s32 $0x300, s16;
	[sflag:s10] =	ssyncadd.s32 $0xFFFFE800  }
0xef: {  	[tilespmem:s31], [sflag:$0x3] =	stream.indirect.gather [hbm4b:s4+s26], $0x30, s17, s26, $0xb8;
	[tilespmem:$0x1EE80] =	vst v63  }
0xf0: {  	_ =	swait.ge [sflag:s1], $0x1800  }
0xf1: {  	[sflag:s1] =	ssyncset.done $0x0  }
.Ltmp2:
0xf2: {  	s17 =	sadd.s32 $0x2A80, s16;
	[sflag:s1] =	ssyncadd.s32 $0xFFFFE800;
	(pc) =	sbr.rel @p0 .LBB2_6-.Ltmp2, $4  }
0xf3: {  	[spmem:s2] =	stream.indirect.scatter.add.f32 [tilespmem:s29], [sflag:$0x6], $0x30, s17, s26, $0xb8;
	[tilespmem:$0x1EE80] =	vst v63  }
0xf4: {  	_ =	swait.ge [sflag:s11], $0x1800  }
0xf5: {  	[sflag:s11] =	ssyncset.done $0x0  }
0xf6: {  	s16 =	sadd.s32 $0x380, s16;
	[sflag:s11] =	ssyncadd.s32 $0xFFFFE800  }
0xf7: {  	[tilespmem:s30], [sflag:$0x4] =	stream.indirect.gather [hbm4b:s4+s26], $0x30, s16, s26, $0xb8;
	[tilespmem:$0x1EE80] =	vst v63  }
0xf8: {  	_ =	swait.ge [sflag:s5], $0x1800  }
0xf9: {  	[sflag:s5] =	ssyncset.done $0x0  }
0xfa: {  	s17 =	simm.s32 $0x4F00;
	[sflag:s5] =	ssyncadd.s32 $0xFFFFE800  }
0xfb: {  	[spmem:s2] =	stream.indirect.scatter.add.f32 [tilespmem:s31], [sflag:$0x7], $0x30, s17, s26, $0xb8;
	[tilespmem:$0x1EE80] =	vst v63  }
0xfc: {  	_ =	swait.ge [sflag:s8], $0x1800  }
0xfd: {  	[sflag:s8] =	ssyncset.done $0x0  }
0xfe: {  	s22 =	simm.s32 $0x4F80;
	[sflag:s8] =	ssyncadd.s32 $0xFFFFE800  }
0xff: {  	[spmem:s2] =	stream.indirect.scatter.add.f32 [tilespmem:s30], [sflag:$0x8], $0x30, s22, s26, $0xb8;
	[tilespmem:$0x1EE80] =	vst v63  }
0x100: {  	_ =	swait.ge [sflag:s6], $0x1800  }
0x101: {  	[sflag:s6] =	ssyncset.done $0x0  }
0x102: {  	[sflag:s6] =	ssyncadd.s32 $0xFFFFE800  }
0x103: {  	_ =	swait.ge [sflag:s9], $0x1800  }
0x104: {  	[sflag:s9] =	ssyncset.done $0x0  }
0x105: {  	[sflag:s9] =	ssyncadd.s32 $0xFFFFE800  }
0x106: {  	_ =	swait.ge [sflag:s10], $0x1800  }
0x107: {  	[sflag:s10] =	ssyncset.done $0x0  }
0x108: {  	[sflag:s10] =	ssyncadd.s32 $0xFFFFE800  }
0x109: {  	_ =	swait.ge [sflag:s11], $0x1800  }
0x10a: {  	s12 =	sadd.s32 $0x1, s12;
	[sflag:s11] =	ssyncset.done $0x0  }
0x10b: {  	p0 =	sne.s32 s12, s20;
	[sflag:s11] =	ssyncadd.s32 $0xFFFFE800  }
.Ltmp3:
0x10c: {  	[bflag:$0x0] =	sbarrier.arrive $0xFFFF;
	(pc) =	sbr.rel @p0 .LBB2_1-.Ltmp3, $4  }
0x10d: {  	[hbm:s19], [sflag:s13] =	dma.local [spmem:s15], $0xED0  }
0x10e: {  	_ =	swait.ge [sflag:s21], $0xED0  }
0x10f: {  	[sflag:s21] =	ssyncset.done $0x0  }
0x110: {  	[sflag:s21] =	ssyncadd.s32 $0xFFFFF130  }
0x111: {  	_ =	sfence.sel $0x180000  }
0x112: {  	[bflag:$0x0] =	sbarrier.arrive $0xFFFF  }
0x113: {  	_ =	strace $0x9000004D  }
0x114: {  	s0 =	stileid.u32;
	[bflag:$0x2] =	sbarrier.arrive $0xFFFF  }
0x115: {  	p0 =	sne.s32 s0, $0x0;
	s0 =	rddreg [dreg:$0x3]  }
0x116: {  	s0 =	sadd.s32 @!p0 $0x100000, s0  }
0x117: {  	[sflag:s0] =	ssyncadd.tile.s32 @!p0 $0x1;
	_ =	shalt  }
.Lfunc_end2:
_tile_overlayer_lowered:
.L_overlay_start_2:
0x118: {  	(tag) =	ssettag $0x2  }
0x119: {  	s0 =	rddreg [dreg:$0x0];
	s2 =	stileid.u32  }
0x11a: {  	s1 =	rddreg [dreg:$0x1];
	p0 =	sne.s32 s2, $0x0  }
0x11b: {  	s3 =	rddreg [dreg:$0x2];
	[bflag:$0x3] =	sbarrier.arrive $0xFFFF;
	s2 =	simm.s32 @!p0 $0x1C09  }
0x11c: {  	[timem:s3], [sflag:s2] =	dma.local @!p0 [hbm:s0], s1  }
0x11d: {  	s0 =	simm.s32 @!p0 $0x9  }
0x11e: {  	_ =	swait.ge @!p0 [sflag:s0], s1  }
0x11f: {  	s1 =	ssub.s32 @!p0 $0x0, s1;
	[sflag:s0] =	ssyncset.done @!p0 $0x0  }
0x120: {  	[sflag:s0] =	ssyncadd.s32 @!p0 s1  }
0x121: {  	[bflag:$0x3] =	sbarrier.arrive $0xFFFF  }
0x122: {  	_ =	shalt  }

// kernel: kernel.7.cloned.1.call-start
scs
__scs_entry_jumppad:
0x0: {  	(pc) =	sbr.rel $0x88, $3  }
0x1: {  	(tag) =	ssettag $0x0;
	lr =	simm.s32 $0x1  }
0x2: {  	[smem:$0x3F9D] =	sst lr;
	_ =	strace $0xD0000000  }
0x3: {  	_ = 	snop  }
0x4: {  	_ = 	snop  }
0x5: {  	_ = 	snop  }
0x6: {  	_ = 	snop  }
0x7: {  	_ = 	snop  }
__scs_overlays_trampoline_lowered:
0x8: {  	[smem:$0x3FAC] =	sst s0  }
0x9: {  	[smem:$0x3FAD] =	sst s1  }
0xa: {  	[smem:$0x3FAE] =	sst s2  }
0xb: {  	[smem:$0x3FAF] =	sst s3  }
0xc: {  	[smem:$0x3FB0] =	sst s4  }
0xd: {  	[smem:$0x3FB1] =	sst s5  }
0xe: {  	[smem:$0x3FB2] =	sst s6  }
0xf: {  	[smem:$0x3FB3] =	sst s7  }
0x10: {  	[smem:$0x3FB4] =	sst s8  }
0x11: {  	[smem:$0x3FB5] =	sst s9;
	s0 =	simm.s32 @!p0 $0x0  }
0x12: {  	s1 =	sld [smem:$0x3F9B];
	s0 =	simm.s32 @p0 $0x1  }
0x13: {  	[smem:$0x3FB6] =	sst s0;
	s0 =	simm.s32 @!p1 $0x0  }
0x14: {  	s2 =	sld [smem:$0x3F9A];
	s0 =	simm.s32 @p1 $0x1  }
0x15: {  	[smem:$0x3FB7] =	sst s0;
	s0 =	simm.s32 @!p2 $0x0  }
0x16: {  	s3 =	sld [smem:$0x3FDB];
	s0 =	simm.s32 @p2 $0x1  }
0x17: {  	s4 =	simm.s32 $0x1BF5;
	[smem:$0x3FB9] =	sst s0  }
0x18: {  	s0 =	sld [smem:$0x3F9C];
	_ =	swait.ge [sflag:s4], $0x0  }
0x19: {  	s7 =	sld [smem:$0x3F9D]  }
0x1a: {  	s8 =	sadd.s32 $0xFFFFE003, lr  }
0x1b: {  	s9 =	sadd.s32 $0xFFFFFEF7, lr;
	s5 =	simm.s32 $0xFFFFFFFF;
	p2 =	slt.u32 s8, $0xFFFFF086  }
0x1c: {  	p1 =	slt.u32 s9, $0xF7A;
	s5 =	simm.s32 @!p2 $0x0  }
0x1d: {  	s5 =	simm.s32 @p1 $0x1;
	p0 =	seq.s32 s7, s2  }
0x1e: {  	s7 =	smul.u32 @!p0 $0xF7A, s2;
	p2 =	seq.s32 @!p0 s5, $0x0  }
0x1f: {  	s9 =	smul.u32 $0xF7A, s1;
	s8 =	simm.s32 @!p0 $0x1BF5;
	p2 =	por !p2, p0  }
0x20: {  	[sflag:s8] =	ssyncset.s32 @!p0 $0xFFFFF086;
	s6 =	sadd.s32 @!p0 s3, s7;
	s7 =	simm.s32 @!p0 $0x108  }
0x21: {  	s3 =	sadd.s32 s3, s9;
	s6 =	sadd.s32 @!p0 $0x88, s6;
	s7 =	simm.s32 @p2 $0x1082  }
0x22: {  	[simem:s7], [sflag:s8] =	dma.local @!p0 [hbm:s6], $0xF7A  }
0x23: {  	s9 =	sor.u32 $0xD0000000, s2;
	s6 =	simm.s32 $0x108;
	_ =	swait.ge @!p0 [sflag:s8], $0x0  }
0x24: {  	s3 =	sadd.s32 $0x88, s3;
	s6 =	simm.s32 @!p1 $0x1082;
	[sflag:s4] =	ssyncset.s32 $0xFFFFF086  }
0x25: {  	[simem:s6], [sflag:s4] =	dma.local [hbm:s3], $0xF7A  }
0x26: {  	[smem:$0x3F9D] =	sst s1;
	(tag) =	ssettag s2;
	_ =	strace s9  }
0x27: {  	s1 =	sld [smem:$0x3FAD]  }
0x28: {  	s2 =	sld [smem:$0x3FAE]  }
0x29: {  	s4 =	sld [smem:$0x3FB0]  }
0x2a: {  	p0 =	seq.s32 s5, $0x0;
	s5 =	sld [smem:$0x3FB1]  }
0x2b: {  	s6 =	sld [smem:$0x3FB2]  }
0x2c: {  	s7 =	sld [smem:$0x3FB3]  }
0x2d: {  	s3 =	simm.s32 $0x108;
	s8 =	sld [smem:$0x3FB4]  }
0x2e: {  	s3 =	simm.s32 @!p0 $0x1082;
	s9 =	sld [smem:$0x3FB5]  }
0x2f: {  	lr =	sadd.s32 s0, s3;
	s0 =	sld [smem:$0x3FAC]  }
0x30: {  	s3 =	sld [smem:$0x3FAF]  }
0x31: {  	[smem:$0x3FB8] =	sst s10  }
0x32: {  	s10 =	sld [smem:$0x3FB6];
	_ =	sdelay $0x3  }
0x33: {  	p0 =	seq.s32 s10, $0x1;
	s10 =	sld [smem:$0x3FB8];
	_ =	sdelay $0x3  }
0x34: {  	[smem:$0x3FB8] =	sst s10  }
0x35: {  	s10 =	sld [smem:$0x3FB7];
	_ =	sdelay $0x3  }
0x36: {  	p1 =	seq.s32 s10, $0x1;
	s10 =	sld [smem:$0x3FB8];
	_ =	sdelay $0x3  }
0x37: {  	[smem:$0x3FB8] =	sst s10  }
0x38: {  	s10 =	sld [smem:$0x3FB9]  }
0x39: {  	_ = 	snop;
	(pc) =	sbr.ind lr, $3  }
0x3a: {  	_ = 	snop  }
0x3b: {  	_ = 	snop  }
0x3c: {  	p2 =	seq.s32 s10, $0x1;
	s10 =	sld [smem:$0x3FB8]  }
0x3d: {  	_ =	shalt  }
0x3e: {  	_ =	shalt  }
0x3f: {  	_ =	shalt  }
0x40: {  	_ =	shalt  }
0x41: {  	_ =	shalt  }
0x42: {  	_ =	shalt  }
0x43: {  	_ =	shalt  }
0x44: {  	_ =	shalt  }
0x45: {  	_ =	shalt  }
0x46: {  	_ =	shalt  }
0x47: {  	_ =	shalt  }
0x48: {  	_ =	shalt  }
0x49: {  	_ =	shalt  }
0x4a: {  	_ =	shalt  }
0x4b: {  	_ =	shalt  }
0x4c: {  	_ =	shalt  }
0x4d: {  	_ =	shalt  }
0x4e: {  	_ =	shalt  }
0x4f: {  	_ =	shalt  }
0x50: {  	_ =	shalt  }
0x51: {  	_ =	shalt  }
0x52: {  	_ =	shalt  }
0x53: {  	_ =	shalt  }
0x54: {  	_ =	shalt  }
0x55: {  	_ =	shalt  }
0x56: {  	_ =	shalt  }
0x57: {  	_ =	shalt  }
0x58: {  	_ =	shalt  }
0x59: {  	_ =	shalt  }
0x5a: {  	_ =	shalt  }
0x5b: {  	_ =	shalt  }
0x5c: {  	_ =	shalt  }
0x5d: {  	_ =	shalt  }
0x5e: {  	_ =	shalt  }
0x5f: {  	_ =	shalt  }
0x60: {  	_ =	shalt  }
0x61: {  	_ =	shalt  }
0x62: {  	_ =	shalt  }
0x63: {  	_ =	shalt  }
0x64: {  	_ =	shalt  }
0x65: {  	_ =	shalt  }
0x66: {  	_ =	shalt  }
0x67: {  	_ =	shalt  }
0x68: {  	_ =	shalt  }
0x69: {  	_ =	shalt  }
0x6a: {  	_ =	shalt  }
0x6b: {  	_ =	shalt  }
0x6c: {  	_ =	shalt  }
0x6d: {  	_ =	shalt  }
0x6e: {  	_ =	shalt  }
0x6f: {  	_ =	shalt  }
0x70: {  	_ =	shalt  }
0x71: {  	_ =	shalt  }
0x72: {  	_ =	shalt  }
0x73: {  	_ =	shalt  }
0x74: {  	_ =	shalt  }
0x75: {  	_ =	shalt  }
0x76: {  	_ =	shalt  }
0x77: {  	_ =	shalt  }
0x78: {  	_ =	shalt  }
0x79: {  	_ =	shalt  }
0x7a: {  	_ =	shalt  }
0x7b: {  	_ =	shalt  }
0x7c: {  	_ =	shalt  }
0x7d: {  	_ =	shalt  }
0x7e: {  	_ =	shalt  }
0x7f: {  	_ =	shalt  }
0x80: {  	_ =	shalt  }
0x81: {  	_ =	shalt  }
0x82: {  	_ =	shalt  }
0x83: {  	_ =	shalt  }
0x84: {  	_ =	shalt  }
0x85: {  	_ =	shalt  }
0x86: {  	_ =	shalt  }
0x87: {  	_ =	shalt  }
.Lfunc_end0:
.L_simem_size_0:
called_computation_lowered:
.L_overlay_start_0:
0x88: {  	s2 =	sld [smem:$0x3FD9]  }
0x89: {  	s3 =	sld [smem:$0x3FFE];
	_ =	sdelay $0x1  }
0x8a: {  	s1 =	srdreg.scid  }
0x8b: {  	s0 =	sand.u32 $0x1, s1  }
0x8c: {  	s16 =	sshll.u32 s0, $0xA;
	s2 =	sadd.s32 s3, s2  }
0x8d: {  	s2 =	sadd.s32 s2, s16  }
0x8e: {  	[smem:$0x3FC4] =	sst s2  }
0x8f: {  	_ = 	snop  }
0x90: {  	(tm) =	ssettm $0x1  }
0x91: {  	s17 =	sld [smem:$0x3FFB];
	_ =	sdelay $0x3  }
0x92: {  	_ =	strace s17  }
0x93: {  	s2 =	sld [smem:$0x3FFC];
	_ =	sdelay $0x3  }
0x94: {  	_ =	strace s2  }
0x95: {  	s2 =	sld [smem:$0x3FFD];
	_ =	sdelay $0x3  }
0x96: {  	_ =	strace s2  }
0x97: {  	_ =	strace $0x8FFFFFFF  }
0x98: {  	s18 =	sld [smem:$0x3FDB];
	_ =	sdelay $0x1  }
0x99: {  	s19 =	simm.s32 $_scs_section_size  }
0x9a: {  	s4 =	simm.s32 $_size__tile_overlayer_lowered;
	s5 =	simm.s32 $_tile_overlayer_lowered  }
0x9b: {  	s22 =	simm.s32 $0x1BFF;
	s21 =	sshll.u32 s5, $0x1;
	s2 =	sadd.s32 s19, s18  }
0x9c: {  	s6 =	simm.s32 $0x0;
	s20 =	sshll.u32 s4, $0x1;
	s4 =	sadd.s32 s21, s2  }
0x9d: {  	[timem:s6], [sflag:s22] =	dma.local [hbm:s4], s20  }
0x9e: {  	_ =	swait.ge [sflag:s22], s20  }
0x9f: {  	s3 =	ssub.s32 $0x0, s20;
	[sflag:s22] =	ssyncset.done $0x0  }
0xa0: {  	[sflag:s22] =	ssyncadd.s32 s3;
	_ =	sdelay $0x1  }
0xa1: {  	s23 =	simm.s32 $0x1B8B  }
0xa2: {  	_ =	swait.ge [sflag:s23], $0x1  }
0xa3: {  	[sflag:s23] =	ssyncset.done $0x0  }
0xa4: {  	s25 =	simm.s32 $0x1B8E;
	s24 =	sld [smem:$0x3FFE];
	[sflag:s23] =	ssyncadd.s32 $0xFFFFFFFF  }
0xa5: {  	s26 =	simm.s32 $execute0_lowered;
	[smem:$0x3FD2] =	sst s25  }
0xa6: {  	s4 =	sshll.u32 s26, $0x1;
	_ =	strace $0x80000046;
	[dreg:$0x1] =	wrdreg $0xFFFFFFFF  }
0xa7: {  	s28 =	simm.s32 $_size_execute0_lowered;
	s2 =	sadd.s32 s2, s4;
	[dreg:$0x0] =	wrdreg $0x0  }
0xa8: {  	s4 =	sshll.u32 s28, $0x1;
	[dreg:$0x2] =	wrdreg s2  }
0xa9: {  	[dreg:$0x3] =	wrdreg s4  }
0xaa: {  	[dreg:$0x4] =	wrdreg $0xC0  }
0xab: {  	_ =	task [dreg:s6], $0x5FFFF  }
0xac: {  	[dreg:$0x1] =	wrdreg $0xFFFFFFFF  }
0xad: {  	[dreg:$0x0] =	wrdreg $0x60  }
0xae: {  	[dreg:$0x2] =	wrdreg s24  }
0xaf: {  	[dreg:$0x3] =	wrdreg $0x30000  }
0xb0: {  	[dreg:$0x4] =	wrdreg $0x9  }
0xb1: {  	_ =	task.clear_ibuf [dreg:s6], $0x5FFFF;
	_ =	strace $0x90000046  }
0xb2: {  	s29 =	simm.s32 $0x9;
	_ =	strace $0x80000048  }
0xb3: {  	_ =	swait.ge [sflag:s29], $0x1  }
0xb4: {  	[sflag:s29] =	ssyncadd.s32 $0xFFFFFFFF  }
0xb5: {  	_ =	strace $0x90000048  }
0xb6: {  	_ =	sfence  }
0xb7: {  	s30 =	sld [smem:$0x0];
	_ =	sdelay $0x2  }
0xb8: {  	s31 =	sshll.u32 s1, $0xD;
	s1 =	sshrl.u32 s1, $0x2  }
0xb9: {  	s3 =	sand.u32 $0x4000, s31;
	s1 =	sadd.s32 s1, s30  }
0xba: {  	s0 =	sor.u32 s3, s0;
	s1 =	sshll.u32 s1, $0x11  }
0xbb: {  	s0 =	sor.u32 s1, s0  }
0xbc: {  	s0 =	sadd.s32 $0x8F2B, s0  }
0xbd: {  	[sflag:s0] =	ssyncadd.remote.s32 $0x1  }
0xbe: {  	_ =	sfence.sel $0xFFFF  }
0xbf: {  	[dreg:$0x0] =	wrdreg $0xFFFFFFFF;
	(pc) =	sbr.abs _section_cstart, $3  }
0xc0: {  	[dreg:$0x1] =	wrdreg $0xFFFFFFFF  }
0xc1: {  	_ =	task.clear_ibuf [dreg:s6], $0x2FFFF;
	_ =	strace $0x9FFFFFFF  }
0xc2: {  	(tm) =	ssettm $0x7FFFFFFF  }
0xc3: {  	_ =	shalt  }
tec
execute0_lowered:
.L_overlay_start_1:
0x0: {  	(tag) =	ssettag $0x1  }
0x1: {  	s6 =	rddreg [dreg:$0x0]  }
0x2: {  	s0 =	srdreg.scid;
	s2 =	rddreg [dreg:$0x1];
	s3 =	simm.s32 $0x0  }
0x3: {  	s13 =	simm.s32 $0x80;
	s14 =	simm.s32 $0x100;
	s15 =	simm.s32 $0x180  }
0x4: {  	s16 =	simm.s32 $0x200;
	s17 =	simm.s32 $0x280;
	s18 =	simm.s32 $0x300  }
0x5: {  	s19 =	simm.s32 $0x380;
	s20 =	simm.s32 $0x1;
	s21 =	simm.s32 $0x2  }
0x6: {  	s22 =	simm.s32 $0x3;
	s23 =	simm.s32 $0x4;
	s24 =	simm.s32 $0x5  }
0x7: {  	s25 =	simm.s32 $0x6;
	s26 =	simm.s32 $0x7;
	s28 =	simm.s32 $0x8  }
0x8: {  	s29 =	simm.s32 $0x0;
	s5 =	sand.u32 $0x1, s0;
	s0 =	stileid.u32  }
0x9: {  	[smem:$0x7FF] =	sst s3;
	s1 =	sshll.u32 s5, $0x4;
	s7 =	smul.u32 $0x2780, s0  }
0xa: {  	s8 =	smul.u32 $0x27800, s5;
	_ =	strace $0x80000047;
	s5 =	ssub.s32 $0x2, s5  }
0xb: {  	s31 =	sshll.u32 s0, $0x6;
	s1 =	sor.u32 s0, s1;
	s30 =	sshrl.u32 s5, $0x1  }
0xc: {  	s4 =	smul.u32 $0x500, s1;
	s8 =	sadd.s32 s7, s8;
	s10 =	sshrl.u32 s7, $0x3  }
0xd: {  	s11 =	ssub.s32 s5, s30;
	s12 =	sadd.s32 s7, s2;
	s8 =	sshrl.u32 s8, $0x3  }
0xe: {  	s10 =	sadd.s32 s10, s6;
	s12 =	sshrl.u32 s12, $0x3;
	s9 =	sadd.s32 s4, s6  }
0xf: {  	s4 =	sadd.s32 $0x2000, s6;
	s8 =	sadd.s32 s8, s6;
	s6 =	sadd.s32 $0xC200, s10  }
0x10: {  	s10 =	simm.s32 $0x2800;
	s5 =	sadd.s32 $0x2200, s9;
	s7 =	sadd.s32 $0x11200, s8  }
0x11: {  	s8 =	smax.u32 s11, $0x1;
	s9 =	simm.s32 $0x9;
	s11 =	sor.u32 $0x1C09, s31  }
.LBB2_1:
0x12: {  	[tilespmem:s3], [sflag:$0x9] =	stream.linear.gather [hbm4b:s5+s3], $0x2800, $0x38;
	[tilespmem:$0x5780] =	vst v63  }
0x13: {  	_ =	swait.ge [sflag:s9], $0x2800  }
0x14: {  	[sflag:s9] =	ssyncset.done $0x0  }
0x15: {  	[sflag:s9] =	ssyncadd.s32 $0xFFFFD800  }
0x16: {  	[tilespmem:s10], [sflag:$0x9] =	stream.linear.gather [hbm4b:s4+s3], $0x800, $0x38;
	[tilespmem:$0x5780] =	vst v63  }
0x17: {  	_ =	swait.ge [sflag:s9], $0x800  }
0x18: {  	[sflag:s9] =	ssyncset.done $0x0  }
0x19: {  	[sflag:s9] =	ssyncadd.s32 $0xFFFFF800  }
0x1a: {  	[spmem:s12], [sflag:s11] =	dma.local [hbm:s6], $0x4F0  }
0x1b: {  	_ =	swait.ge [sflag:s9], $0x4F0  }
0x1c: {  	[sflag:s9] =	ssyncset.done $0x0  }
0x1d: {  	[sflag:s9] =	ssyncadd.s32 $0xFFFFFB10  }
0x1e: {  	[bflag:$0x0] =	sbarrier.arrive $0xFFFF  }
0x1f: {  	[spmem:s2] =	stream.indirect.scatter.add.f32 [tilespmem:s10], [sflag:$0x1], $0x10, s3, s13, $0xb8;
	[tilespmem:$0x5780] =	vst v63  }
0x20: {  	_ = 	snop  }
0x21: {  	[spmem:s2] =	stream.indirect.scatter.add.f32 [tilespmem:s10], [sflag:$0x2], $0x10, s13, s13, $0xb8;
	[tilespmem:$0x5780] =	vst v63  }
0x22: {  	_ = 	snop  }
0x23: {  	[spmem:s2] =	stream.indirect.scatter.add.f32 [tilespmem:s10], [sflag:$0x3], $0x10, s14, s13, $0xb8;
	[tilespmem:$0x5780] =	vst v63  }
0x24: {  	_ = 	snop  }
0x25: {  	[spmem:s2] =	stream.indirect.scatter.add.f32 [tilespmem:s10], [sflag:$0x4], $0x10, s15, s13, $0xb8;
	[tilespmem:$0x5780] =	vst v63  }
0x26: {  	_ = 	snop  }
0x27: {  	[spmem:s2] =	stream.indirect.scatter.add.f32 [tilespmem:s10], [sflag:$0x5], $0x10, s16, s13, $0xb8;
	[tilespmem:$0x5780] =	vst v63  }
0x28: {  	_ = 	snop  }
0x29: {  	[spmem:s2] =	stream.indirect.scatter.add.f32 [tilespmem:s10], [sflag:$0x6], $0x10, s17, s13, $0xb8;
	[tilespmem:$0x5780] =	vst v63  }
0x2a: {  	_ = 	snop  }
0x2b: {  	[spmem:s2] =	stream.indirect.scatter.add.f32 [tilespmem:s10], [sflag:$0x7], $0x10, s18, s13, $0xb8;
	[tilespmem:$0x5780] =	vst v63  }
0x2c: {  	_ = 	snop  }
0x2d: {  	[spmem:s2] =	stream.indirect.scatter.add.f32 [tilespmem:s10], [sflag:$0x8], $0x10, s19, s13, $0xb8;
	[tilespmem:$0x5780] =	vst v63  }
0x2e: {  	_ =	swait.ge [sflag:s20], $0x800  }
0x2f: {  	[sflag:s20] =	ssyncset.done $0x0  }
0x30: {  	s30 =	simm.s32 $0x400;
	[sflag:s20] =	ssyncadd.s32 $0xFFFFF800  }
0x31: {  	[spmem:s2] =	stream.indirect.scatter.add.f32 [tilespmem:s10], [sflag:$0x1], $0x10, s30, s13, $0xb8;
	[tilespmem:$0x5780] =	vst v63  }
0x32: {  	_ =	swait.ge [sflag:s21], $0x800  }
0x33: {  	[sflag:s21] =	ssyncset.done $0x0  }
0x34: {  	s30 =	simm.s32 $0x480;
	[sflag:s21] =	ssyncadd.s32 $0xFFFFF800  }
0x35: {  	[spmem:s2] =	stream.indirect.scatter.add.f32 [tilespmem:s10], [sflag:$0x2], $0x10, s30, s13, $0xb8;
	[tilespmem:$0x5780] =	vst v63  }
0x36: {  	_ =	swait.ge [sflag:s22], $0x800  }
0x37: {  	[sflag:s22] =	ssyncset.done $0x0  }
0x38: {  	s30 =	simm.s32 $0x500;
	[sflag:s22] =	ssyncadd.s32 $0xFFFFF800  }
0x39: {  	[spmem:s2] =	stream.indirect.scatter.add.f32 [tilespmem:s10], [sflag:$0x3], $0x10, s30, s13, $0xb8;
	[tilespmem:$0x5780] =	vst v63  }
0x3a: {  	_ =	swait.ge [sflag:s23], $0x800  }
0x3b: {  	[sflag:s23] =	ssyncset.done $0x0  }
0x3c: {  	s30 =	simm.s32 $0x580;
	[sflag:s23] =	ssyncadd.s32 $0xFFFFF800  }
0x3d: {  	[spmem:s2] =	stream.indirect.scatter.add.f32 [tilespmem:s10], [sflag:$0x4], $0x10, s30, s13, $0xb8;
	[tilespmem:$0x5780] =	vst v63  }
0x3e: {  	_ =	swait.ge [sflag:s24], $0x800  }
0x3f: {  	[sflag:s24] =	ssyncset.done $0x0  }
0x40: {  	s30 =	simm.s32 $0x600;
	[sflag:s24] =	ssyncadd.s32 $0xFFFFF800  }
0x41: {  	[spmem:s2] =	stream.indirect.scatter.add.f32 [tilespmem:s10], [sflag:$0x5], $0x10, s30, s13, $0xb8;
	[tilespmem:$0x5780] =	vst v63  }
0x42: {  	_ =	swait.ge [sflag:s25], $0x800  }
0x43: {  	[sflag:s25] =	ssyncset.done $0x0  }
0x44: {  	s30 =	simm.s32 $0x680;
	[sflag:s25] =	ssyncadd.s32 $0xFFFFF800  }
0x45: {  	[spmem:s2] =	stream.indirect.scatter.add.f32 [tilespmem:s10], [sflag:$0x6], $0x10, s30, s13, $0xb8;
	[tilespmem:$0x5780] =	vst v63  }
0x46: {  	_ =	swait.ge [sflag:s26], $0x800  }
0x47: {  	[sflag:s26] =	ssyncset.done $0x0  }
0x48: {  	s30 =	simm.s32 $0x700;
	[sflag:s26] =	ssyncadd.s32 $0xFFFFF800  }
0x49: {  	[spmem:s2] =	stream.indirect.scatter.add.f32 [tilespmem:s10], [sflag:$0x7], $0x10, s30, s13, $0xb8;
	[tilespmem:$0x5780] =	vst v63  }
0x4a: {  	_ =	swait.ge [sflag:s28], $0x800  }
0x4b: {  	[sflag:s28] =	ssyncset.done $0x0  }
0x4c: {  	s31 =	simm.s32 $0x780;
	s30 =	simm.s32 $0x1000;
	[sflag:s28] =	ssyncadd.s32 $0xFFFFF800  }
.LBB2_2:
0x4d: {  	[spmem:s2] =	stream.indirect.scatter.add.f32 [tilespmem:s10], [sflag:$0x8], $0x10, s31, s13, $0xb8;
	[tilespmem:$0x5780] =	vst v63  }
0x4e: {  	s31 =	smov.u32 s30  }
0x4f: {  	p0 =	sne.s32 s30, $0x8000;
	s30 =	sadd.s32 $0x1000, s30;
	_ =	swait.ge [sflag:s20], $0x800  }
0x50: {  	s31 =	sshra.s32 s31, $0x2;
	[sflag:s20] =	ssyncset.done $0x0  }
0x51: {  	s1 =	sadd.s32 $0x400, s31;
	[sflag:s20] =	ssyncadd.s32 $0xFFFFF800  }
0x52: {  	[spmem:s2] =	stream.indirect.scatter.add.f32 [tilespmem:s10], [sflag:$0x1], $0x10, s1, s13, $0xb8;
	[tilespmem:$0x5780] =	vst v63  }
0x53: {  	_ =	swait.ge [sflag:s21], $0x800  }
0x54: {  	[sflag:s21] =	ssyncset.done $0x0  }
0x55: {  	s1 =	sadd.s32 $0x480, s31;
	[sflag:s21] =	ssyncadd.s32 $0xFFFFF800  }
0x56: {  	[spmem:s2] =	stream.indirect.scatter.add.f32 [tilespmem:s10], [sflag:$0x2], $0x10, s1, s13, $0xb8;
	[tilespmem:$0x5780] =	vst v63  }
0x57: {  	_ =	swait.ge [sflag:s22], $0x800  }
0x58: {  	[sflag:s22] =	ssyncset.done $0x0  }
0x59: {  	s1 =	sadd.s32 $0x500, s31;
	[sflag:s22] =	ssyncadd.s32 $0xFFFFF800  }
0x5a: {  	[spmem:s2] =	stream.indirect.scatter.add.f32 [tilespmem:s10], [sflag:$0x3], $0x10, s1, s13, $0xb8;
	[tilespmem:$0x5780] =	vst v63  }
0x5b: {  	_ =	swait.ge [sflag:s23], $0x800  }
0x5c: {  	[sflag:s23] =	ssyncset.done $0x0  }
0x5d: {  	s1 =	sadd.s32 $0x580, s31;
	[sflag:s23] =	ssyncadd.s32 $0xFFFFF800  }
0x5e: {  	[spmem:s2] =	stream.indirect.scatter.add.f32 [tilespmem:s10], [sflag:$0x4], $0x10, s1, s13, $0xb8;
	[tilespmem:$0x5780] =	vst v63  }
0x5f: {  	_ =	swait.ge [sflag:s24], $0x800  }
0x60: {  	[sflag:s24] =	ssyncset.done $0x0  }
0x61: {  	s1 =	sadd.s32 $0x600, s31;
	[sflag:s24] =	ssyncadd.s32 $0xFFFFF800  }
0x62: {  	[spmem:s2] =	stream.indirect.scatter.add.f32 [tilespmem:s10], [sflag:$0x5], $0x10, s1, s13, $0xb8;
	[tilespmem:$0x5780] =	vst v63  }
0x63: {  	_ =	swait.ge [sflag:s25], $0x800  }
0x64: {  	[sflag:s25] =	ssyncset.done $0x0  }
0x65: {  	s1 =	sadd.s32 $0x680, s31;
	[sflag:s25] =	ssyncadd.s32 $0xFFFFF800  }
0x66: {  	[spmem:s2] =	stream.indirect.scatter.add.f32 [tilespmem:s10], [sflag:$0x6], $0x10, s1, s13, $0xb8;
	[tilespmem:$0x5780] =	vst v63  }
0x67: {  	_ =	swait.ge [sflag:s26], $0x800  }
0x68: {  	[sflag:s26] =	ssyncset.done $0x0  }
.Ltmp0:
0x69: {  	s1 =	sadd.s32 $0x700, s31;
	[sflag:s26] =	ssyncadd.s32 $0xFFFFF800;
	(pc) =	sbr.rel @p0 .LBB2_2-.Ltmp0, $4  }
0x6a: {  	[spmem:s2] =	stream.indirect.scatter.add.f32 [tilespmem:s10], [sflag:$0x7], $0x10, s1, s13, $0xb8;
	[tilespmem:$0x5780] =	vst v63  }
0x6b: {  	_ =	swait.ge [sflag:s28], $0x800  }
0x6c: {  	[sflag:s28] =	ssyncset.done $0x0  }
0x6d: {  	s31 =	sadd.s32 $0x780, s31;
	[sflag:s28] =	ssyncadd.s32 $0xFFFFF800  }
0x6e: {  	[spmem:s2] =	stream.indirect.scatter.add.f32 [tilespmem:s10], [sflag:$0x8], $0x10, s31, s13, $0xb8;
	[tilespmem:$0x5780] =	vst v63  }
0x6f: {  	_ =	swait.ge [sflag:s20], $0x800  }
0x70: {  	[sflag:s20] =	ssyncset.done $0x0  }
0x71: {  	[sflag:s20] =	ssyncadd.s32 $0xFFFFF800  }
0x72: {  	_ =	swait.ge [sflag:s21], $0x800  }
0x73: {  	[sflag:s21] =	ssyncset.done $0x0  }
0x74: {  	[sflag:s21] =	ssyncadd.s32 $0xFFFFF800  }
0x75: {  	_ =	swait.ge [sflag:s22], $0x800  }
0x76: {  	[sflag:s22] =	ssyncset.done $0x0  }
0x77: {  	[sflag:s22] =	ssyncadd.s32 $0xFFFFF800  }
0x78: {  	_ =	swait.ge [sflag:s23], $0x800  }
0x79: {  	[sflag:s23] =	ssyncset.done $0x0  }
0x7a: {  	[sflag:s23] =	ssyncadd.s32 $0xFFFFF800  }
0x7b: {  	_ =	swait.ge [sflag:s24], $0x800  }
0x7c: {  	[sflag:s24] =	ssyncset.done $0x0  }
0x7d: {  	[sflag:s24] =	ssyncadd.s32 $0xFFFFF800  }
0x7e: {  	_ =	swait.ge [sflag:s25], $0x800  }
0x7f: {  	[sflag:s25] =	ssyncset.done $0x0  }
0x80: {  	[sflag:s25] =	ssyncadd.s32 $0xFFFFF800  }
0x81: {  	_ =	swait.ge [sflag:s26], $0x800  }
0x82: {  	[sflag:s26] =	ssyncset.done $0x0  }
0x83: {  	[sflag:s26] =	ssyncadd.s32 $0xFFFFF800  }
0x84: {  	_ =	swait.ge [sflag:s28], $0x800  }
0x85: {  	s29 =	sadd.s32 $0x1, s29;
	[sflag:s28] =	ssyncset.done $0x0  }
0x86: {  	p0 =	sne.s32 s29, s8;
	[sflag:s28] =	ssyncadd.s32 $0xFFFFF800  }
.Ltmp1:
0x87: {  	[bflag:$0x0] =	sbarrier.arrive $0xFFFF;
	(pc) =	sbr.rel @p0 .LBB2_1-.Ltmp1, $4  }
0x88: {  	[hbm:s7], [sflag:s11] =	dma.local [spmem:s12], $0x4F0  }
0x89: {  	_ =	swait.ge [sflag:s9], $0x4F0  }
0x8a: {  	[sflag:s9] =	ssyncset.done $0x0  }
0x8b: {  	[sflag:s9] =	ssyncadd.s32 $0xFFFFFB10  }
0x8c: {  	_ =	sfence.sel $0x180000  }
0x8d: {  	[bflag:$0x0] =	sbarrier.arrive $0xFFFF  }
0x8e: {  	_ =	strace $0x90000047  }
0x8f: {  	[bflag:$0x2] =	sbarrier.arrive $0xFFFF  }
0x90: {  	p0 =	sne.s32 s0, $0x0;
	s0 =	rddreg [dreg:$0x2]  }
0x91: {  	s0 =	sadd.s32 @!p0 $0x100000, s0  }
0x92: {  	[sflag:s0] =	ssyncadd.tile.s32 @!p0 $0x1;
	_ =	shalt  }
.Lfunc_end2:
_tile_overlayer_lowered:
.L_overlay_start_2:
0x93: {  	(tag) =	ssettag $0x2  }
0x94: {  	s0 =	rddreg [dreg:$0x0];
	s2 =	stileid.u32  }
0x95: {  	s1 =	rddreg [dreg:$0x1];
	p0 =	sne.s32 s2, $0x0  }
0x96: {  	s3 =	rddreg [dreg:$0x2];
	[bflag:$0x3] =	sbarrier.arrive $0xFFFF;
	s2 =	simm.s32 @!p0 $0x1C09  }
0x97: {  	[timem:s3], [sflag:s2] =	dma.local @!p0 [hbm:s0], s1  }
0x98: {  	s0 =	simm.s32 @!p0 $0x9  }
0x99: {  	_ =	swait.ge @!p0 [sflag:s0], s1  }
0x9a: {  	s1 =	ssub.s32 @!p0 $0x0, s1;
	[sflag:s0] =	ssyncset.done @!p0 $0x0  }
0x9b: {  	[sflag:s0] =	ssyncadd.s32 @!p0 s1  }
0x9c: {  	[bflag:$0x3] =	sbarrier.arrive $0xFFFF  }
0x9d: {  	_ =	shalt  }

</sc_bundles>
